<compile_context>
chip_gen: v7x
topology: tpu7x:2x2x1
jax: 0.10.2.dev20260603
libtpu: 0.0.44.dev20260713+nightly
codegen_flags: <defaults>
</compile_context>

<pallas_src>
import jax
import jax.numpy as jnp
from jax import lax
from jax.experimental import pallas as pl
from jax.experimental.pallas import tpu as pltpu
from jax.experimental.pallas import tpu_sc as plsc

N = 10000
E = 160000
D = 128
NS = 16
LANES = 16
EPT = E // NS
B = 80
NCH = EPT // B
GPC = B // LANES
ACC_PAD = 10240
ROWS_PT = ACC_PAD // NS
DEN_PAD = 10240
BN = 1000
NBLK = N // BN


def _tc_proj_body(x_ref, w_ref, al_ref, ar_ref,
                  feat_ref, el_ref, er_ref, c_ref, sm):
    i = pl.program_id(1)
    feat = lax.dot_general(x_ref[...], w_ref[0], (((1,), (1,)), ((), ())),
                           preferred_element_type=jnp.float32)
    feat_ref[...] = feat
    el = jnp.sum(feat * al_ref[0], axis=1, keepdims=True)
    er = jnp.sum(feat * ar_ref[0], axis=1, keepdims=True)
    el_ref[...] = el
    er_ref[...] = er
    bl = jnp.max(el)
    br = jnp.max(er)

    @pl.when(i == 0)
    def _():
        sm[0] = bl
        sm[1] = br

    @pl.when(i > 0)
    def _():
        sm[0] = jnp.maximum(sm[0], bl)
        sm[1] = jnp.maximum(sm[1], br)

    @pl.when(i == NBLK - 1)
    def _():
        c_ref[...] = jnp.full((8, D), jnp.maximum(sm[0] + sm[1], 0.0),
                              jnp.float32)


_tc_proj = pl.pallas_call(
    _tc_proj_body,
    grid=(2, NBLK),
    in_specs=[
        pl.BlockSpec((BN, D), lambda e, i: (i, 0)),
        pl.BlockSpec((1, D, D), lambda e, i: (e, 0, 0)),
        pl.BlockSpec((1, 1, D), lambda e, i: (e, 0, 0)),
        pl.BlockSpec((1, 1, D), lambda e, i: (e, 0, 0)),
    ],
    out_specs=[
        pl.BlockSpec((BN, D), lambda e, i: (e * NBLK + i, 0)),
        pl.BlockSpec((BN, 1), lambda e, i: (e * NBLK + i, 0)),
        pl.BlockSpec((BN, 1), lambda e, i: (e * NBLK + i, 0)),
        pl.BlockSpec((8, D), lambda e, i: (e, 0)),
    ],
    out_shape=[
        jax.ShapeDtypeStruct((2 * N, D), jnp.float32),
        jax.ShapeDtypeStruct((2 * N, 1), jnp.float32),
        jax.ShapeDtypeStruct((2 * N, 1), jnp.float32),
        jax.ShapeDtypeStruct((16, D), jnp.float32),
    ],
    scratch_shapes=[pltpu.SMEM((2,), jnp.float32)],
)


def _sc_body(u_hbm, v_hbm, el_hbm, er_hbm, c_hbm, feat_hbm,
             h_hbm, den_hbm,
             uv2_c, ug2_c, vg2_c, p2_c, elu2_c, erv2_c, rows_v, c_v,
             acc_sh, den_sh, sem_e, sem_e1, sem_r, sem_r1,
             sem_d, sem_d1, sem_a, sem_a1):
    cid = lax.axis_index("c")
    sid = lax.axis_index("s")
    zero16 = jnp.zeros((LANES,), jnp.float32)

    def _zrow(r, _):
        for k in range(D // LANES):
            rows_v[0, r, pl.ds(k * LANES, LANES)] = zero16
        return 0
    lax.fori_loop(0, B, _zrow, 0)

    row0 = pl.multiple_of(sid * ROWS_PT, 8)
    for t in range(ROWS_PT // B):
        pltpu.sync_copy(rows_v.at[0], acc_sh.at[pl.ds(row0 + t * B, B)])
    for t in range(5):
        pltpu.sync_copy(rows_v.at[0, 0],
                        den_sh.at[pl.ds(sid * 640 + t * D, D)])

    pltpu.sync_copy(c_hbm.at[pl.ds(pl.multiple_of(cid * 8 * D, 8), LANES)],
                    c_v)
    cvec = c_v[...]
    plsc.subcore_barrier()

    ebase = cid * E + sid * EPT
    cofs = cid * N

    sem_es = (sem_e, sem_e1)
    sem_rs = (sem_r, sem_r1)
    sem_ds = (sem_d, sem_d1)
    sem_as = (sem_a, sem_a1)

    def _stage(j, s):
        off = pl.multiple_of(ebase + j * B, 8)
        pltpu.sync_copy(u_hbm.at[pl.ds(off, B)], uv2_c.at[s, 0])
        pltpu.sync_copy(v_hbm.at[pl.ds(off, B)], uv2_c.at[s, 1])

        def _idx(g, _2):
            o = pl.multiple_of(g * LANES, 8)
            ug2_c[s, pl.ds(o, LANES)] = uv2_c[s, 0, pl.ds(o, LANES)] + cofs
            vg2_c[s, pl.ds(o, LANES)] = uv2_c[s, 1, pl.ds(o, LANES)] + cofs
            return 0
        lax.fori_loop(0, GPC, _idx, 0)
        pltpu.async_copy(el_hbm.at[ug2_c.at[s]], elu2_c.at[s], sem_es[s])
        pltpu.async_copy(er_hbm.at[vg2_c.at[s]], erv2_c.at[s], sem_es[s])
        pltpu.async_copy(feat_hbm.at[ug2_c.at[s]], rows_v.at[s], sem_rs[s])

    def _drain(s1):
        pltpu.make_async_copy(p2_c.at[s1], den_sh.at[uv2_c.at[s1, 1]],
                              sem_ds[s1]).wait()
        pltpu.make_async_copy(rows_v.at[s1], acc_sh.at[uv2_c.at[s1, 1]],
                              sem_as[s1]).wait()

    def _iter(j, s, drain_pred, stage_next):
        s1 = 1 - s
        pltpu.make_async_copy(el_hbm.at[ug2_c.at[s]], elu2_c.at[s],
                              sem_es[s]).wait()
        pltpu.make_async_copy(er_hbm.at[vg2_c.at[s]], erv2_c.at[s],
                              sem_es[s]).wait()

        def _grp(g, _2):
            o = pl.multiple_of(g * LANES, 8)
            z = elu2_c[s, pl.ds(o, LANES)] + erv2_c[s, pl.ds(o, LANES)]
            z = jnp.where(z >= 0.0, z, 0.2 * z)
            p2_c[s, pl.ds(o, LANES)] = jnp.exp(z - cvec)
            return 0
        lax.fori_loop(0, GPC, _grp, 0)

        if drain_pred is None:
            _drain(s1)
        else:
            pl.when(drain_pred)(lambda: _drain(s1))
        pltpu.async_copy(p2_c.at[s], den_sh.at[uv2_c.at[s, 1]],
                         sem_ds[s], add=True)
        if stage_next:
            _stage(j + 1, s1)
        pltpu.make_async_copy(feat_hbm.at[ug2_c.at[s]], rows_v.at[s],
                              sem_rs[s]).wait()

        def _scale(r, _2):
            rr = jnp.full((LANES,), r, jnp.int32)
            af = plsc.load_gather(p2_c.at[s], [rr])
            for k in range(D // LANES):
                sl = pl.ds(k * LANES, LANES)
                rows_v[s, r, sl] = rows_v[s, r, sl] * af
            return 0
        lax.fori_loop(0, B, _scale, 0)
        pltpu.async_copy(rows_v.at[s], acc_sh.at[uv2_c.at[s, 1]],
                         sem_as[s], add=True)

    _stage(0, 0)

    def _pair(t, _):
        j0 = 2 * t
        _iter(j0, 0, t > 0, True)
        _iter(j0 + 1, 1, None, True)
        return 0
    lax.fori_loop(0, NCH // 2, _pair, 0)
    _iter(NCH - 1, 0, None, False)
    _drain(0)
    plsc.subcore_barrier()

    pltpu.sync_copy(den_sh.at[pl.ds(sid * 640, 640)],
                    den_hbm.at[pl.ds(cid * DEN_PAD + sid * 640, 640)])

    @pl.when(sid < NS - 1)
    def _():
        hb = pl.multiple_of(cid * N + sid * ROWS_PT, 8)
        pltpu.sync_copy(acc_sh.at[pl.ds(row0, ROWS_PT)],
                        h_hbm.at[pl.ds(hb, ROWS_PT)])

    @pl.when(sid == NS - 1)
    def _():
        nrem = N - (NS - 1) * ROWS_PT
        hb = pl.multiple_of(cid * N + (NS - 1) * ROWS_PT, 8)
        pltpu.sync_copy(acc_sh.at[pl.ds(row0, nrem)],
                        h_hbm.at[pl.ds(hb, nrem)])


_sc_agg_built = None


def _sc_agg(*args):
    global _sc_agg_built
    if _sc_agg_built is None:
        _sc_agg_built = _build_sc_agg()
    return _sc_agg_built(*args)


def _build_sc_agg():
    return pl.kernel(
        _sc_body,
        out_type=(jax.ShapeDtypeStruct((2 * N, D), jnp.float32),
                  jax.ShapeDtypeStruct((2 * DEN_PAD,), jnp.float32)),
        mesh=plsc.VectorSubcoreMesh(core_axis_name="c", subcore_axis_name="s",
                                    num_cores=2, num_subcores=NS),
        compiler_params=pltpu.CompilerParams(needs_layout_passes=False),
        scratch_types=[
            pltpu.VMEM((2, 2, B), jnp.int32),
            pltpu.VMEM((2, B), jnp.int32),
            pltpu.VMEM((2, B), jnp.int32),
            pltpu.VMEM((2, B), jnp.float32),
            pltpu.VMEM((2, B), jnp.float32),
            pltpu.VMEM((2, B), jnp.float32),
            pltpu.VMEM((2, B, D), jnp.float32),
            pltpu.VMEM((LANES,), jnp.float32),
            pltpu.VMEM_SHARED((ACC_PAD, D), jnp.float32),
            pltpu.VMEM_SHARED((DEN_PAD,), jnp.float32),
            pltpu.SemaphoreType.DMA,
            pltpu.SemaphoreType.DMA,
            pltpu.SemaphoreType.DMA,
            pltpu.SemaphoreType.DMA,
            pltpu.SemaphoreType.DMA,
            pltpu.SemaphoreType.DMA,
            pltpu.SemaphoreType.DMA,
            pltpu.SemaphoreType.DMA,
        ],
    )


def _tc_wl_body(x_ref, h0_ref, h1_ref, d0_ref, d1d_ref, wx_ref, wd_ref,
                b_ref, o_ref):
    cdims = (((1,), (1,)), ((), ()))
    den0 = d0_ref[...]
    den1 = d1d_ref[...]
    h0 = h0_ref[...] / jnp.where(den0 == 0.0, 1.0, den0)
    h1 = h1_ref[...] / jnp.where(den1 == 0.0, 1.0, den1)
    t = lax.dot_general(x_ref[...], wx_ref[...], cdims,
                        preferred_element_type=jnp.float32)
    bias = b_ref[...]
    a1 = h0 + bias
    d1 = jnp.maximum(t + lax.dot_general(a1, wd_ref[...], cdims,
                                         preferred_element_type=jnp.float32),
                     0.0)
    a2 = d1 + h1 + bias
    o_ref[...] = jnp.maximum(
        t + lax.dot_general(a2, wd_ref[...], cdims,
                            preferred_element_type=jnp.float32), 0.0)


_tc_wl = pl.pallas_call(
    _tc_wl_body,
    grid=(NBLK,),
    in_specs=[
        pl.BlockSpec((BN, D), lambda i: (i, 0)),
        pl.BlockSpec((BN, D), lambda i: (i, 0)),
        pl.BlockSpec((BN, D), lambda i: (NBLK + i, 0)),
        pl.BlockSpec((BN, 1), lambda i: (i, 0)),
        pl.BlockSpec((BN, 1), lambda i: (i, 0)),
        pl.BlockSpec((D, D), lambda i: (0, 0)),
        pl.BlockSpec((D, D), lambda i: (0, 0)),
        pl.BlockSpec((1, D), lambda i: (0, 0)),
    ],
    out_specs=pl.BlockSpec((BN, D), lambda i: (i, 0)),
    out_shape=jax.ShapeDtypeStruct((N, D), jnp.float32),
)


def kernel(x, edge_index0, edge_index1, W0, attn_l0, attn_r0,
           W1, attn_l1, attn_r1, wl_W, bias):
    Wst = jnp.stack([W0, W1])
    ALst = jnp.stack([attn_l0, attn_l1]).reshape(2, 1, D)
    ARst = jnp.stack([attn_r0, attn_r1]).reshape(2, 1, D)
    FEAT, EL, ER, CC = _tc_proj(x, Wst, ALst, ARst)
    U = jnp.concatenate([edge_index0[0], edge_index1[0]])
    V = jnp.concatenate([edge_index0[1], edge_index1[1]])
    H, DEN = _sc_agg(U, V, EL.reshape(2 * N), ER.reshape(2 * N),
                     CC.reshape(16 * D), FEAT)
    den0 = DEN[:N].reshape(N, 1)
    den1 = DEN[DEN_PAD:DEN_PAD + N].reshape(N, 1)
    wlx = wl_W[:, :D]
    wld = wl_W[:, D:]
    return _tc_wl(x, H, H, den0, den1, wlx, wld, bias.reshape(1, D))

# --- scband reference (transcript-rebuilt; emitter-appended) ---
"""Pipeline reference for scband-para-graph-layer-58445914964479 (READ-ONLY COPY).

The authoritative reference and input builder live on the scoring server;
editing this copy changes nothing except your own understanding.
"""

import jax, jax.numpy as jnp
import numpy as np

N = 10000
E = 160000
DIN = 128
DOUT = 128


def setup_inputs(seed: int = 0) -> dict:
    key = jax.random.key(seed)
    ks = jax.random.split(key, 12)
    x = jax.random.normal(ks[0], (N, DIN), dtype=jnp.float32)
    edge_index0 = jax.random.randint(ks[1], (2, E), 0, N, dtype=jnp.int32)
    edge_index1 = jax.random.randint(ks[2], (2, E), 0, N, dtype=jnp.int32)
    # GATConv params per etype: fc weight [DOUT, DIN], attn_l/attn_r [DOUT] (heads=1)
    g = np.sqrt(2.0)  # relu gain
    s_fc = g * np.sqrt(2.0 / (DIN + DOUT))
    W0 = jax.random.normal(ks[3], (DOUT, DIN), dtype=jnp.float32) * s_fc
    attn_l0 = jax.random.normal(ks[4], (DOUT,), dtype=jnp.float32) * 0.1
    attn_r0 = jax.random.normal(ks[5], (DOUT,), dtype=jnp.float32) * 0.1
    W1 = jax.random.normal(ks[6], (DOUT, DIN), dtype=jnp.float32) * s_fc
    attn_l1 = jax.random.normal(ks[7], (DOUT,), dtype=jnp.float32) * 0.1
    attn_r1 = jax.random.normal(ks[8], (DOUT,), dtype=jnp.float32) * 0.1
    s_wl = g * np.sqrt(2.0 / (2 * DIN + DOUT))
    wl_W = jax.random.normal(ks[9], (DOUT, 2 * DIN), dtype=jnp.float32) * s_wl
    bias = jnp.zeros((DOUT,), dtype=jnp.float32)
    return {"x": x, "edge_index0": edge_index0, "edge_index1": edge_index1,
            "W0": W0, "attn_l0": attn_l0, "attn_r0": attn_r0,
            "W1": W1, "attn_l1": attn_l1, "attn_r1": attn_r1,
            "wl_W": wl_W, "bias": bias}


def _gat_conv(x, edge_index, W, attn_l, attn_r):
    # DGL GATConv, num_heads=1, bias=False, negative_slope=0.2
    feat = x @ W.T  # shared fc for src and dst (same ntype)
    u = edge_index[0]
    v = edge_index[1]
    el = jnp.sum(feat * attn_l, axis=-1)  # [N]
    er = jnp.sum(feat * attn_r, axis=-1)  # [N]
    logits = el[u] + er[v]
    logits = jnp.where(logits >= 0, logits, 0.2 * logits)  # leaky_relu
    # edge softmax over incoming edges of each dst node
    m = jax.ops.segment_max(logits, v, num_segments=N)
    m = jax.lax.stop_gradient(jnp.where(jnp.isfinite(m), m, 0.0))
    ex = jnp.exp(logits - m[v])
    den = jax.ops.segment_sum(ex, v, num_segments=N)
    den = jnp.where(den == 0, 1.0, den)
    alpha = ex / den[v]
    out = jax.ops.segment_sum(alpha[:, None] * feat[u], v, num_segments=N)
    return out


def reference(x, edge_index0, edge_index1, W0, attn_l0, attn_r0, W1, attn_l1, attn_r1, wl_W, bias):
    # ParaGraphLayer forward (homogeneous feat_dict path): dst_output starts at zeros,
    # then for each canonical etype: accumulate GAT output, then apply
    # dst = act(wl(cat([dst_inputs, dst_output + bias]))) (inner ntype loop).
    d = jnp.zeros_like(x)
    for ei, W, al, ar in ((edge_index0, W0, attn_l0, attn_r0),
                          (edge_index1, W1, attn_l1, attn_r1)):
        h = _gat_conv(x, ei, W, al, ar)
        d = d + h
        d = jax.nn.relu(jnp.concatenate([x, d + bias], axis=1) @ wl_W.T)
    return d

if __name__ == "__main__":
    import jax
    _d = setup_inputs()
    print(jax.jit(kernel)(*tuple(_d.values())))

</pallas_src>

<mosaic_0001>
#map = affine_map<(d0, d1) -> (0)>
#map1 = affine_map<(d0, d1) -> (0, 0)>
module attributes {stable_mosaic.version = 14 : i64} {
  func.func @_sc_body(%arg0: i32, %arg1: i32, %arg2: memref<320000xi32, #tpu.memory_space<hbm>>, %arg3: memref<320000xi32, #tpu.memory_space<hbm>>, %arg4: memref<20000xf32, #tpu.memory_space<hbm>>, %arg5: memref<20000xf32, #tpu.memory_space<hbm>>, %arg6: memref<2048xf32, #tpu.memory_space<hbm>>, %arg7: memref<20000x128xf32, #tpu.memory_space<hbm>>, %arg8: memref<20000x128xf32, #tpu.memory_space<hbm>>, %arg9: memref<20480xf32, #tpu.memory_space<hbm>>, %arg10: memref<2x2x80xi32, #tpu.memory_space<vmem>>, %arg11: memref<2x80xi32, #tpu.memory_space<vmem>>, %arg12: memref<2x80xi32, #tpu.memory_space<vmem>>, %arg13: memref<2x80xf32, #tpu.memory_space<vmem>>, %arg14: memref<2x80xf32, #tpu.memory_space<vmem>>, %arg15: memref<2x80xf32, #tpu.memory_space<vmem>>, %arg16: memref<2x80x128xf32, #tpu.memory_space<vmem>>, %arg17: memref<16xf32, #tpu.memory_space<vmem>>, %arg18: memref<10240x128xf32, #tpu.memory_space<vmem_shared>>, %arg19: memref<10240xf32, #tpu.memory_space<vmem_shared>>, %arg20: memref<!tpu.dma_semaphore, #tpu.memory_space<semaphore_mem>>, %arg21: memref<!tpu.dma_semaphore, #tpu.memory_space<semaphore_mem>>, %arg22: memref<!tpu.dma_semaphore, #tpu.memory_space<semaphore_mem>>, %arg23: memref<!tpu.dma_semaphore, #tpu.memory_space<semaphore_mem>>, %arg24: memref<!tpu.dma_semaphore, #tpu.memory_space<semaphore_mem>>, %arg25: memref<!tpu.dma_semaphore, #tpu.memory_space<semaphore_mem>>, %arg26: memref<!tpu.dma_semaphore, #tpu.memory_space<semaphore_mem>>, %arg27: memref<!tpu.dma_semaphore, #tpu.memory_space<semaphore_mem>>) attributes {dimension_semantics = [#tpu.dimension_semantics<core_parallel>, #tpu.dimension_semantics<subcore_parallel>], iteration_bounds = array<i64: 2, 16>, scalar_prefetch = 0 : i64, scratch_operands = 18 : i64, tpu.core_type = #tpu.core_type<sc_vector_subcore>, window_params = [{transform_indices = #map}, {transform_indices = #map}, {transform_indices = #map}, {transform_indices = #map}, {transform_indices = #map}, {transform_indices = #map1}, {transform_indices = #map1}, {transform_indices = #map}]} {
    %broadcast_in_dim3A = arith.constant 0.000000e+00 : f32
    %broadcast_in_dim3A_0 = vector.broadcast %broadcast_in_dim3A : f32 to vector<16xf32>
    %scan3A = arith.constant 0 : i32
    %scan3A_1 = arith.constant 0 : i32
    %scan3A_2 = arith.constant 80 : i32
    %scan3A_3 = arith.addi %scan3A_1, %scan3A_2 : i32
    %scan3A_4 = arith.constant 1 : i32
    %scan3A_5 = scf.for %scan3A_256 = %scan3A_1 to %scan3A_3 step %scan3A_4 iter_args(%scan3A_257 = %scan3A) -> (i32)  : i32 {
      %swap3A = arith.constant 0 : i32
      %swap3A_258 = arith.index_cast %swap3A : i32 to index
      %swap3A_259 = arith.index_cast %scan3A_256 : i32 to index
      %swap3A_260 = arith.constant 0 : index
      %swap3A_261 = tpu.vector_load %arg16[%swap3A_258, %swap3A_259, %swap3A_260] {strides = array<i32>} : memref<2x80x128xf32, #tpu.memory_space<vmem>>, vector<16xf32>,
      tpu.vector_store %arg16[%swap3A_258, %swap3A_259, %swap3A_260], %broadcast_in_dim3A_0 {strides = array<i32>} : memref<2x80x128xf32, #tpu.memory_space<vmem>>, vector<16xf32>,
      %swap3A_262 = arith.constant 0 : i32
      %swap3A_263 = arith.index_cast %swap3A_262 : i32 to index
      %swap3A_264 = arith.index_cast %scan3A_256 : i32 to index
      %swap3A_265 = arith.constant 16 : index
      %swap3A_266 = tpu.vector_load %arg16[%swap3A_263, %swap3A_264, %swap3A_265] {strides = array<i32>} : memref<2x80x128xf32, #tpu.memory_space<vmem>>, vector<16xf32>,
      tpu.vector_store %arg16[%swap3A_263, %swap3A_264, %swap3A_265], %broadcast_in_dim3A_0 {strides = array<i32>} : memref<2x80x128xf32, #tpu.memory_space<vmem>>, vector<16xf32>,
      %swap3A_267 = arith.constant 0 : i32
      %swap3A_268 = arith.index_cast %swap3A_267 : i32 to index
      %swap3A_269 = arith.index_cast %scan3A_256 : i32 to index
      %swap3A_270 = arith.constant 32 : index
      %swap3A_271 = tpu.vector_load %arg16[%swap3A_268, %swap3A_269, %swap3A_270] {strides = array<i32>} : memref<2x80x128xf32, #tpu.memory_space<vmem>>, vector<16xf32>,
      tpu.vector_store %arg16[%swap3A_268, %swap3A_269, %swap3A_270], %broadcast_in_dim3A_0 {strides = array<i32>} : memref<2x80x128xf32, #tpu.memory_space<vmem>>, vector<16xf32>,
      %swap3A_272 = arith.constant 0 : i32
      %swap3A_273 = arith.index_cast %swap3A_272 : i32 to index
      %swap3A_274 = arith.index_cast %scan3A_256 : i32 to index
      %swap3A_275 = arith.constant 48 : index
      %swap3A_276 = tpu.vector_load %arg16[%swap3A_273, %swap3A_274, %swap3A_275] {strides = array<i32>} : memref<2x80x128xf32, #tpu.memory_space<vmem>>, vector<16xf32>,
      tpu.vector_store %arg16[%swap3A_273, %swap3A_274, %swap3A_275], %broadcast_in_dim3A_0 {strides = array<i32>} : memref<2x80x128xf32, #tpu.memory_space<vmem>>, vector<16xf32>,
      %swap3A_277 = arith.constant 0 : i32
      %swap3A_278 = arith.index_cast %swap3A_277 : i32 to index
      %swap3A_279 = arith.index_cast %scan3A_256 : i32 to index
      %swap3A_280 = arith.constant 64 : index
      %swap3A_281 = tpu.vector_load %arg16[%swap3A_278, %swap3A_279, %swap3A_280] {strides = array<i32>} : memref<2x80x128xf32, #tpu.memory_space<vmem>>, vector<16xf32>,
      tpu.vector_store %arg16[%swap3A_278, %swap3A_279, %swap3A_280], %broadcast_in_dim3A_0 {strides = array<i32>} : memref<2x80x128xf32, #tpu.memory_space<vmem>>, vector<16xf32>,
      %swap3A_282 = arith.constant 0 : i32
      %swap3A_283 = arith.index_cast %swap3A_282 : i32 to index
      %swap3A_284 = arith.index_cast %scan3A_256 : i32 to index
      %swap3A_285 = arith.constant 80 : index
      %swap3A_286 = tpu.vector_load %arg16[%swap3A_283, %swap3A_284, %swap3A_285] {strides = array<i32>} : memref<2x80x128xf32, #tpu.memory_space<vmem>>, vector<16xf32>,
      tpu.vector_store %arg16[%swap3A_283, %swap3A_284, %swap3A_285], %broadcast_in_dim3A_0 {strides = array<i32>} : memref<2x80x128xf32, #tpu.memory_space<vmem>>, vector<16xf32>,
      %swap3A_287 = arith.constant 0 : i32
      %swap3A_288 = arith.index_cast %swap3A_287 : i32 to index
      %swap3A_289 = arith.index_cast %scan3A_256 : i32 to index
      %swap3A_290 = arith.constant 96 : index
      %swap3A_291 = tpu.vector_load %arg16[%swap3A_288, %swap3A_289, %swap3A_290] {strides = array<i32>} : memref<2x80x128xf32, #tpu.memory_space<vmem>>, vector<16xf32>,
      tpu.vector_store %arg16[%swap3A_288, %swap3A_289, %swap3A_290], %broadcast_in_dim3A_0 {strides = array<i32>} : memref<2x80x128xf32, #tpu.memory_space<vmem>>, vector<16xf32>,
      %swap3A_292 = arith.constant 0 : i32
      %swap3A_293 = arith.index_cast %swap3A_292 : i32 to index
      %swap3A_294 = arith.index_cast %scan3A_256 : i32 to index
      %swap3A_295 = arith.constant 112 : index
      %swap3A_296 = tpu.vector_load %arg16[%swap3A_293, %swap3A_294, %swap3A_295] {strides = array<i32>} : memref<2x80x128xf32, #tpu.memory_space<vmem>>, vector<16xf32>,
      tpu.vector_store %arg16[%swap3A_293, %swap3A_294, %swap3A_295], %broadcast_in_dim3A_0 {strides = array<i32>} : memref<2x80x128xf32, #tpu.memory_space<vmem>>, vector<16xf32>,
      %scan3A_297 = arith.constant 0 : i32
      scf.yield %scan3A_297 : i32
    }
    %scan3A_6 = arith.constant 80 : i32
    %mul3A = arith.constant 640 : i32
    %mul3A_7 = arith.muli %arg1, %mul3A : i32
    %multiple_of3A = tpu.assume_multiple %mul3A_7, 8 : i32
    %add3A = arith.constant 0 : i32
    %add3A_8 = arith.addi %multiple_of3A, %add3A : i32
    %run_scoped3A = arith.constant 0 : i32
    "tpu.region"() ({
      %run_scoped3A_256 = tpu.sem_alloc : memref<!tpu.dma_semaphore, #tpu.memory_space<semaphore_mem>>
      %dma_start3A_257 = arith.constant 0 : i32
      %dma_start3A_258 = arith.constant 0 : i32
      %dma_start3A_259 = tpu.memref_slice %arg16[%run_scoped3A, %dma_start3A_257, %dma_start3A_258] : memref<2x80x128xf32, #tpu.memory_space<vmem>> -> memref<1x80x128xf32, #tpu.memory_space<vmem>>
      %dma_start3A_260 = tpu.memref_squeeze %dma_start3A_259 : memref<1x80x128xf32, #tpu.memory_space<vmem>> -> memref<80x128xf32, #tpu.memory_space<vmem>>
      %dma_start3A_261 = arith.constant 0 : i32
      %dma_start3A_262 = tpu.memref_slice %arg18[%add3A_8, %dma_start3A_261] : memref<10240x128xf32, #tpu.memory_space<vmem_shared>> -> memref<80x128xf32, #tpu.memory_space<vmem_shared>>
      %dma_start3A_263 = arith.constant 0 : i32
      %dma_start3A_264 = tpu.memref_slice %arg18[%add3A_8, %dma_start3A_263] : memref<10240x128xf32, #tpu.memory_space<vmem_shared>> -> memref<80x128xf32, #tpu.memory_space<vmem_shared>>
      %dma_start3A_265 = arith.constant 0 : i32
      %dma_start3A_266 = arith.constant 0 : i32
      %dma_start3A_267 = tpu.memref_slice %arg16[%run_scoped3A, %dma_start3A_265, %dma_start3A_266] : memref<2x80x128xf32, #tpu.memory_space<vmem>> -> memref<1x80x128xf32, #tpu.memory_space<vmem>>
      %dma_start3A_268 = tpu.memref_squeeze %dma_start3A_267 : memref<1x80x128xf32, #tpu.memory_space<vmem>> -> memref<80x128xf32, #tpu.memory_space<vmem>>
      tpu.enqueue_dma source(%dma_start3A_268 : memref<80x128xf32, #tpu.memory_space<vmem>>) target(%dma_start3A_264 : memref<80x128xf32, #tpu.memory_space<vmem_shared>>) target_semaphore(%run_scoped3A_256 : memref<!tpu.dma_semaphore, #tpu.memory_space<semaphore_mem>>)
      %dma_wait3A_269 = arith.constant 0 : i32
      %dma_wait3A_270 = arith.constant 0 : i32
      %dma_wait3A_271 = tpu.memref_slice %arg16[%run_scoped3A, %dma_wait3A_269, %dma_wait3A_270] : memref<2x80x128xf32, #tpu.memory_space<vmem>> -> memref<1x80x128xf32, #tpu.memory_space<vmem>>
      %dma_wait3A_272 = tpu.memref_squeeze %dma_wait3A_271 : memref<1x80x128xf32, #tpu.memory_space<vmem>> -> memref<80x128xf32, #tpu.memory_space<vmem>>
      %dma_wait3A_273 = arith.constant 0 : i32
      %dma_wait3A_274 = tpu.memref_slice %arg18[%add3A_8, %dma_wait3A_273] : memref<10240x128xf32, #tpu.memory_space<vmem_shared>> -> memref<80x128xf32, #tpu.memory_space<vmem_shared>>
      %dma_wait3A_275 = arith.constant 0 : i32
      %dma_wait3A_276 = tpu.memref_slice %arg18[%add3A_8, %dma_wait3A_275] : memref<10240x128xf32, #tpu.memory_space<vmem_shared>> -> memref<80x128xf32, #tpu.memory_space<vmem_shared>>
      %dma_wait3A_277 = arith.constant 0 : i32
      %dma_wait3A_278 = arith.constant 0 : i32
      %dma_wait3A_279 = tpu.memref_slice %arg16[%run_scoped3A, %dma_wait3A_277, %dma_wait3A_278] : memref<2x80x128xf32, #tpu.memory_space<vmem>> -> memref<1x80x128xf32, #tpu.memory_space<vmem>>
      %dma_wait3A_280 = tpu.memref_squeeze %dma_wait3A_279 : memref<1x80x128xf32, #tpu.memory_space<vmem>> -> memref<80x128xf32, #tpu.memory_space<vmem>>
      tpu.wait_dma2 semaphore(%run_scoped3A_256 : memref<!tpu.dma_semaphore, #tpu.memory_space<semaphore_mem>>) src(%dma_wait3A_280 : memref<80x128xf32, #tpu.memory_space<vmem>>) dst(%dma_wait3A_276 : memref<80x128xf32, #tpu.memory_space<vmem_shared>>)
      tpu.yield
    }) : () -> ()
    %add3A_9 = arith.constant 80 : i32
    %add3A_10 = arith.addi %multiple_of3A, %add3A_9 : i32
    %run_scoped3A_11 = arith.constant 0 : i32
    "tpu.region"() ({
      %run_scoped3A_256 = tpu.sem_alloc : memref<!tpu.dma_semaphore, #tpu.memory_space<semaphore_mem>>
      %dma_start3A_257 = arith.constant 0 : i32
      %dma_start3A_258 = arith.constant 0 : i32
      %dma_start3A_259 = tpu.memref_slice %arg16[%run_scoped3A_11, %dma_start3A_257, %dma_start3A_258] : memref<2x80x128xf32, #tpu.memory_space<vmem>> -> memref<1x80x128xf32, #tpu.memory_space<vmem>>
      %dma_start3A_260 = tpu.memref_squeeze %dma_start3A_259 : memref<1x80x128xf32, #tpu.memory_space<vmem>> -> memref<80x128xf32, #tpu.memory_space<vmem>>
      %dma_start3A_261 = arith.constant 0 : i32
      %dma_start3A_262 = tpu.memref_slice %arg18[%add3A_10, %dma_start3A_261] : memref<10240x128xf32, #tpu.memory_space<vmem_shared>> -> memref<80x128xf32, #tpu.memory_space<vmem_shared>>
      %dma_start3A_263 = arith.constant 0 : i32
      %dma_start3A_264 = tpu.memref_slice %arg18[%add3A_10, %dma_start3A_263] : memref<10240x128xf32, #tpu.memory_space<vmem_shared>> -> memref<80x128xf32, #tpu.memory_space<vmem_shared>>
      %dma_start3A_265 = arith.constant 0 : i32
      %dma_start3A_266 = arith.constant 0 : i32
      %dma_start3A_267 = tpu.memref_slice %arg16[%run_scoped3A_11, %dma_start3A_265, %dma_start3A_266] : memref<2x80x128xf32, #tpu.memory_space<vmem>> -> memref<1x80x128xf32, #tpu.memory_space<vmem>>
      %dma_start3A_268 = tpu.memref_squeeze %dma_start3A_267 : memref<1x80x128xf32, #tpu.memory_space<vmem>> -> memref<80x128xf32, #tpu.memory_space<vmem>>
      tpu.enqueue_dma source(%dma_start3A_268 : memref<80x128xf32, #tpu.memory_space<vmem>>) target(%dma_start3A_264 : memref<80x128xf32, #tpu.memory_space<vmem_shared>>) target_semaphore(%run_scoped3A_256 : memref<!tpu.dma_semaphore, #tpu.memory_space<semaphore_mem>>)
      %dma_wait3A_269 = arith.constant 0 : i32
      %dma_wait3A_270 = arith.constant 0 : i32
      %dma_wait3A_271 = tpu.memref_slice %arg16[%run_scoped3A_11, %dma_wait3A_269, %dma_wait3A_270] : memref<2x80x128xf32, #tpu.memory_space<vmem>> -> memref<1x80x128xf32, #tpu.memory_space<vmem>>
      %dma_wait3A_272 = tpu.memref_squeeze %dma_wait3A_271 : memref<1x80x128xf32, #tpu.memory_space<vmem>> -> memref<80x128xf32, #tpu.memory_space<vmem>>
      %dma_wait3A_273 = arith.constant 0 : i32
      %dma_wait3A_274 = tpu.memref_slice %arg18[%add3A_10, %dma_wait3A_273] : memref<10240x128xf32, #tpu.memory_space<vmem_shared>> -> memref<80x128xf32, #tpu.memory_space<vmem_shared>>
      %dma_wait3A_275 = arith.constant 0 : i32
      %dma_wait3A_276 = tpu.memref_slice %arg18[%add3A_10, %dma_wait3A_275] : memref<10240x128xf32, #tpu.memory_space<vmem_shared>> -> memref<80x128xf32, #tpu.memory_space<vmem_shared>>
      %dma_wait3A_277 = arith.constant 0 : i32
      %dma_wait3A_278 = arith.constant 0 : i32
      %dma_wait3A_279 = tpu.memref_slice %arg16[%run_scoped3A_11, %dma_wait3A_277, %dma_wait3A_278] : memref<2x80x128xf32, #tpu.memory_space<vmem>> -> memref<1x80x128xf32, #tpu.memory_space<vmem>>
      %dma_wait3A_280 = tpu.memref_squeeze %dma_wait3A_279 : memref<1x80x128xf32, #tpu.memory_space<vmem>> -> memref<80x128xf32, #tpu.memory_space<vmem>>
      tpu.wait_dma2 semaphore(%run_scoped3A_256 : memref<!tpu.dma_semaphore, #tpu.memory_space<semaphore_mem>>) src(%dma_wait3A_280 : memref<80x128xf32, #tpu.memory_space<vmem>>) dst(%dma_wait3A_276 : memref<80x128xf32, #tpu.memory_space<vmem_shared>>)
      tpu.yield
    }) : () -> ()
    %add3A_12 = arith.constant 160 : i32
    %add3A_13 = arith.addi %multiple_of3A, %add3A_12 : i32
    %run_scoped3A_14 = arith.constant 0 : i32
    "tpu.region"() ({
      %run_scoped3A_256 = tpu.sem_alloc : memref<!tpu.dma_semaphore, #tpu.memory_space<semaphore_mem>>
      %dma_start3A_257 = arith.constant 0 : i32
      %dma_start3A_258 = arith.constant 0 : i32
      %dma_start3A_259 = tpu.memref_slice %arg16[%run_scoped3A_14, %dma_start3A_257, %dma_start3A_258] : memref<2x80x128xf32, #tpu.memory_space<vmem>> -> memref<1x80x128xf32, #tpu.memory_space<vmem>>
      %dma_start3A_260 = tpu.memref_squeeze %dma_start3A_259 : memref<1x80x128xf32, #tpu.memory_space<vmem>> -> memref<80x128xf32, #tpu.memory_space<vmem>>
      %dma_start3A_261 = arith.constant 0 : i32
      %dma_start3A_262 = tpu.memref_slice %arg18[%add3A_13, %dma_start3A_261] : memref<10240x128xf32, #tpu.memory_space<vmem_shared>> -> memref<80x128xf32, #tpu.memory_space<vmem_shared>>
      %dma_start3A_263 = arith.constant 0 : i32
      %dma_start3A_264 = tpu.memref_slice %arg18[%add3A_13, %dma_start3A_263] : memref<10240x128xf32, #tpu.memory_space<vmem_shared>> -> memref<80x128xf32, #tpu.memory_space<vmem_shared>>
      %dma_start3A_265 = arith.constant 0 : i32
      %dma_start3A_266 = arith.constant 0 : i32
      %dma_start3A_267 = tpu.memref_slice %arg16[%run_scoped3A_14, %dma_start3A_265, %dma_start3A_266] : memref<2x80x128xf32, #tpu.memory_space<vmem>> -> memref<1x80x128xf32, #tpu.memory_space<vmem>>
      %dma_start3A_268 = tpu.memref_squeeze %dma_start3A_267 : memref<1x80x128xf32, #tpu.memory_space<vmem>> -> memref<80x128xf32, #tpu.memory_space<vmem>>
      tpu.enqueue_dma source(%dma_start3A_268 : memref<80x128xf32, #tpu.memory_space<vmem>>) target(%dma_start3A_264 : memref<80x128xf32, #tpu.memory_space<vmem_shared>>) target_semaphore(%run_scoped3A_256 : memref<!tpu.dma_semaphore, #tpu.memory_space<semaphore_mem>>)
      %dma_wait3A_269 = arith.constant 0 : i32
      %dma_wait3A_270 = arith.constant 0 : i32
      %dma_wait3A_271 = tpu.memref_slice %arg16[%run_scoped3A_14, %dma_wait3A_269, %dma_wait3A_270] : memref<2x80x128xf32, #tpu.memory_space<vmem>> -> memref<1x80x128xf32, #tpu.memory_space<vmem>>
      %dma_wait3A_272 = tpu.memref_squeeze %dma_wait3A_271 : memref<1x80x128xf32, #tpu.memory_space<vmem>> -> memref<80x128xf32, #tpu.memory_space<vmem>>
      %dma_wait3A_273 = arith.constant 0 : i32
      %dma_wait3A_274 = tpu.memref_slice %arg18[%add3A_13, %dma_wait3A_273] : memref<10240x128xf32, #tpu.memory_space<vmem_shared>> -> memref<80x128xf32, #tpu.memory_space<vmem_shared>>
      %dma_wait3A_275 = arith.constant 0 : i32
      %dma_wait3A_276 = tpu.memref_slice %arg18[%add3A_13, %dma_wait3A_275] : memref<10240x128xf32, #tpu.memory_space<vmem_shared>> -> memref<80x128xf32, #tpu.memory_space<vmem_shared>>
      %dma_wait3A_277 = arith.constant 0 : i32
      %dma_wait3A_278 = arith.constant 0 : i32
      %dma_wait3A_279 = tpu.memref_slice %arg16[%run_scoped3A_14, %dma_wait3A_277, %dma_wait3A_278] : memref<2x80x128xf32, #tpu.memory_space<vmem>> -> memref<1x80x128xf32, #tpu.memory_space<vmem>>
      %dma_wait3A_280 = tpu.memref_squeeze %dma_wait3A_279 : memref<1x80x128xf32, #tpu.memory_space<vmem>> -> memref<80x128xf32, #tpu.memory_space<vmem>>
      tpu.wait_dma2 semaphore(%run_scoped3A_256 : memref<!tpu.dma_semaphore, #tpu.memory_space<semaphore_mem>>) src(%dma_wait3A_280 : memref<80x128xf32, #tpu.memory_space<vmem>>) dst(%dma_wait3A_276 : memref<80x128xf32, #tpu.memory_space<vmem_shared>>)
      tpu.yield
    }) : () -> ()
    %add3A_15 = arith.constant 240 : i32
    %add3A_16 = arith.addi %multiple_of3A, %add3A_15 : i32
    %run_scoped3A_17 = arith.constant 0 : i32
    "tpu.region"() ({
      %run_scoped3A_256 = tpu.sem_alloc : memref<!tpu.dma_semaphore, #tpu.memory_space<semaphore_mem>>
      %dma_start3A_257 = arith.constant 0 : i32
      %dma_start3A_258 = arith.constant 0 : i32
      %dma_start3A_259 = tpu.memref_slice %arg16[%run_scoped3A_17, %dma_start3A_257, %dma_start3A_258] : memref<2x80x128xf32, #tpu.memory_space<vmem>> -> memref<1x80x128xf32, #tpu.memory_space<vmem>>
      %dma_start3A_260 = tpu.memref_squeeze %dma_start3A_259 : memref<1x80x128xf32, #tpu.memory_space<vmem>> -> memref<80x128xf32, #tpu.memory_space<vmem>>
      %dma_start3A_261 = arith.constant 0 : i32
      %dma_start3A_262 = tpu.memref_slice %arg18[%add3A_16, %dma_start3A_261] : memref<10240x128xf32, #tpu.memory_space<vmem_shared>> -> memref<80x128xf32, #tpu.memory_space<vmem_shared>>
      %dma_start3A_263 = arith.constant 0 : i32
      %dma_start3A_264 = tpu.memref_slice %arg18[%add3A_16, %dma_start3A_263] : memref<10240x128xf32, #tpu.memory_space<vmem_shared>> -> memref<80x128xf32, #tpu.memory_space<vmem_shared>>
      %dma_start3A_265 = arith.constant 0 : i32
      %dma_start3A_266 = arith.constant 0 : i32
      %dma_start3A_267 = tpu.memref_slice %arg16[%run_scoped3A_17, %dma_start3A_265, %dma_start3A_266] : memref<2x80x128xf32, #tpu.memory_space<vmem>> -> memref<1x80x128xf32, #tpu.memory_space<vmem>>
      %dma_start3A_268 = tpu.memref_squeeze %dma_start3A_267 : memref<1x80x128xf32, #tpu.memory_space<vmem>> -> memref<80x128xf32, #tpu.memory_space<vmem>>
      tpu.enqueue_dma source(%dma_start3A_268 : memref<80x128xf32, #tpu.memory_space<vmem>>) target(%dma_start3A_264 : memref<80x128xf32, #tpu.memory_space<vmem_shared>>) target_semaphore(%run_scoped3A_256 : memref<!tpu.dma_semaphore, #tpu.memory_space<semaphore_mem>>)
      %dma_wait3A_269 = arith.constant 0 : i32
      %dma_wait3A_270 = arith.constant 0 : i32
      %dma_wait3A_271 = tpu.memref_slice %arg16[%run_scoped3A_17, %dma_wait3A_269, %dma_wait3A_270] : memref<2x80x128xf32, #tpu.memory_space<vmem>> -> memref<1x80x128xf32, #tpu.memory_space<vmem>>
      %dma_wait3A_272 = tpu.memref_squeeze %dma_wait3A_271 : memref<1x80x128xf32, #tpu.memory_space<vmem>> -> memref<80x128xf32, #tpu.memory_space<vmem>>
      %dma_wait3A_273 = arith.constant 0 : i32
      %dma_wait3A_274 = tpu.memref_slice %arg18[%add3A_16, %dma_wait3A_273] : memref<10240x128xf32, #tpu.memory_space<vmem_shared>> -> memref<80x128xf32, #tpu.memory_space<vmem_shared>>
      %dma_wait3A_275 = arith.constant 0 : i32
      %dma_wait3A_276 = tpu.memref_slice %arg18[%add3A_16, %dma_wait3A_275] : memref<10240x128xf32, #tpu.memory_space<vmem_shared>> -> memref<80x128xf32, #tpu.memory_space<vmem_shared>>
      %dma_wait3A_277 = arith.constant 0 : i32
      %dma_wait3A_278 = arith.constant 0 : i32
      %dma_wait3A_279 = tpu.memref_slice %arg16[%run_scoped3A_17, %dma_wait3A_277, %dma_wait3A_278] : memref<2x80x128xf32, #tpu.memory_space<vmem>> -> memref<1x80x128xf32, #tpu.memory_space<vmem>>
      %dma_wait3A_280 = tpu.memref_squeeze %dma_wait3A_279 : memref<1x80x128xf32, #tpu.memory_space<vmem>> -> memref<80x128xf32, #tpu.memory_space<vmem>>
      tpu.wait_dma2 semaphore(%run_scoped3A_256 : memref<!tpu.dma_semaphore, #tpu.memory_space<semaphore_mem>>) src(%dma_wait3A_280 : memref<80x128xf32, #tpu.memory_space<vmem>>) dst(%dma_wait3A_276 : memref<80x128xf32, #tpu.memory_space<vmem_shared>>)
      tpu.yield
    }) : () -> ()
    %add3A_18 = arith.constant 320 : i32
    %add3A_19 = arith.addi %multiple_of3A, %add3A_18 : i32
    %run_scoped3A_20 = arith.constant 0 : i32
    "tpu.region"() ({
      %run_scoped3A_256 = tpu.sem_alloc : memref<!tpu.dma_semaphore, #tpu.memory_space<semaphore_mem>>
      %dma_start3A_257 = arith.constant 0 : i32
      %dma_start3A_258 = arith.constant 0 : i32
      %dma_start3A_259 = tpu.memref_slice %arg16[%run_scoped3A_20, %dma_start3A_257, %dma_start3A_258] : memref<2x80x128xf32, #tpu.memory_space<vmem>> -> memref<1x80x128xf32, #tpu.memory_space<vmem>>
      %dma_start3A_260 = tpu.memref_squeeze %dma_start3A_259 : memref<1x80x128xf32, #tpu.memory_space<vmem>> -> memref<80x128xf32, #tpu.memory_space<vmem>>
      %dma_start3A_261 = arith.constant 0 : i32
      %dma_start3A_262 = tpu.memref_slice %arg18[%add3A_19, %dma_start3A_261] : memref<10240x128xf32, #tpu.memory_space<vmem_shared>> -> memref<80x128xf32, #tpu.memory_space<vmem_shared>>
      %dma_start3A_263 = arith.constant 0 : i32
      %dma_start3A_264 = tpu.memref_slice %arg18[%add3A_19, %dma_start3A_263] : memref<10240x128xf32, #tpu.memory_space<vmem_shared>> -> memref<80x128xf32, #tpu.memory_space<vmem_shared>>
      %dma_start3A_265 = arith.constant 0 : i32
      %dma_start3A_266 = arith.constant 0 : i32
      %dma_start3A_267 = tpu.memref_slice %arg16[%run_scoped3A_20, %dma_start3A_265, %dma_start3A_266] : memref<2x80x128xf32, #tpu.memory_space<vmem>> -> memref<1x80x128xf32, #tpu.memory_space<vmem>>
      %dma_start3A_268 = tpu.memref_squeeze %dma_start3A_267 : memref<1x80x128xf32, #tpu.memory_space<vmem>> -> memref<80x128xf32, #tpu.memory_space<vmem>>
      tpu.enqueue_dma source(%dma_start3A_268 : memref<80x128xf32, #tpu.memory_space<vmem>>) target(%dma_start3A_264 : memref<80x128xf32, #tpu.memory_space<vmem_shared>>) target_semaphore(%run_scoped3A_256 : memref<!tpu.dma_semaphore, #tpu.memory_space<semaphore_mem>>)
      %dma_wait3A_269 = arith.constant 0 : i32
      %dma_wait3A_270 = arith.constant 0 : i32
      %dma_wait3A_271 = tpu.memref_slice %arg16[%run_scoped3A_20, %dma_wait3A_269, %dma_wait3A_270] : memref<2x80x128xf32, #tpu.memory_space<vmem>> -> memref<1x80x128xf32, #tpu.memory_space<vmem>>
      %dma_wait3A_272 = tpu.memref_squeeze %dma_wait3A_271 : memref<1x80x128xf32, #tpu.memory_space<vmem>> -> memref<80x128xf32, #tpu.memory_space<vmem>>
      %dma_wait3A_273 = arith.constant 0 : i32
      %dma_wait3A_274 = tpu.memref_slice %arg18[%add3A_19, %dma_wait3A_273] : memref<10240x128xf32, #tpu.memory_space<vmem_shared>> -> memref<80x128xf32, #tpu.memory_space<vmem_shared>>
      %dma_wait3A_275 = arith.constant 0 : i32
      %dma_wait3A_276 = tpu.memref_slice %arg18[%add3A_19, %dma_wait3A_275] : memref<10240x128xf32, #tpu.memory_space<vmem_shared>> -> memref<80x128xf32, #tpu.memory_space<vmem_shared>>
      %dma_wait3A_277 = arith.constant 0 : i32
      %dma_wait3A_278 = arith.constant 0 : i32
      %dma_wait3A_279 = tpu.memref_slice %arg16[%run_scoped3A_20, %dma_wait3A_277, %dma_wait3A_278] : memref<2x80x128xf32, #tpu.memory_space<vmem>> -> memref<1x80x128xf32, #tpu.memory_space<vmem>>
      %dma_wait3A_280 = tpu.memref_squeeze %dma_wait3A_279 : memref<1x80x128xf32, #tpu.memory_space<vmem>> -> memref<80x128xf32, #tpu.memory_space<vmem>>
      tpu.wait_dma2 semaphore(%run_scoped3A_256 : memref<!tpu.dma_semaphore, #tpu.memory_space<semaphore_mem>>) src(%dma_wait3A_280 : memref<80x128xf32, #tpu.memory_space<vmem>>) dst(%dma_wait3A_276 : memref<80x128xf32, #tpu.memory_space<vmem_shared>>)
      tpu.yield
    }) : () -> ()
    %add3A_21 = arith.constant 400 : i32
    %add3A_22 = arith.addi %multiple_of3A, %add3A_21 : i32
    %run_scoped3A_23 = arith.constant 0 : i32
    "tpu.region"() ({
      %run_scoped3A_256 = tpu.sem_alloc : memref<!tpu.dma_semaphore, #tpu.memory_space<semaphore_mem>>
      %dma_start3A_257 = arith.constant 0 : i32
      %dma_start3A_258 = arith.constant 0 : i32
      %dma_start3A_259 = tpu.memref_slice %arg16[%run_scoped3A_23, %dma_start3A_257, %dma_start3A_258] : memref<2x80x128xf32, #tpu.memory_space<vmem>> -> memref<1x80x128xf32, #tpu.memory_space<vmem>>
      %dma_start3A_260 = tpu.memref_squeeze %dma_start3A_259 : memref<1x80x128xf32, #tpu.memory_space<vmem>> -> memref<80x128xf32, #tpu.memory_space<vmem>>
      %dma_start3A_261 = arith.constant 0 : i32
      %dma_start3A_262 = tpu.memref_slice %arg18[%add3A_22, %dma_start3A_261] : memref<10240x128xf32, #tpu.memory_space<vmem_shared>> -> memref<80x128xf32, #tpu.memory_space<vmem_shared>>
      %dma_start3A_263 = arith.constant 0 : i32
      %dma_start3A_264 = tpu.memref_slice %arg18[%add3A_22, %dma_start3A_263] : memref<10240x128xf32, #tpu.memory_space<vmem_shared>> -> memref<80x128xf32, #tpu.memory_space<vmem_shared>>
      %dma_start3A_265 = arith.constant 0 : i32
      %dma_start3A_266 = arith.constant 0 : i32
      %dma_start3A_267 = tpu.memref_slice %arg16[%run_scoped3A_23, %dma_start3A_265, %dma_start3A_266] : memref<2x80x128xf32, #tpu.memory_space<vmem>> -> memref<1x80x128xf32, #tpu.memory_space<vmem>>
      %dma_start3A_268 = tpu.memref_squeeze %dma_start3A_267 : memref<1x80x128xf32, #tpu.memory_space<vmem>> -> memref<80x128xf32, #tpu.memory_space<vmem>>
      tpu.enqueue_dma source(%dma_start3A_268 : memref<80x128xf32, #tpu.memory_space<vmem>>) target(%dma_start3A_264 : memref<80x128xf32, #tpu.memory_space<vmem_shared>>) target_semaphore(%run_scoped3A_256 : memref<!tpu.dma_semaphore, #tpu.memory_space<semaphore_mem>>)
      %dma_wait3A_269 = arith.constant 0 : i32
      %dma_wait3A_270 = arith.constant 0 : i32
      %dma_wait3A_271 = tpu.memref_slice %arg16[%run_scoped3A_23, %dma_wait3A_269, %dma_wait3A_270] : memref<2x80x128xf32, #tpu.memory_space<vmem>> -> memref<1x80x128xf32, #tpu.memory_space<vmem>>
      %dma_wait3A_272 = tpu.memref_squeeze %dma_wait3A_271 : memref<1x80x128xf32, #tpu.memory_space<vmem>> -> memref<80x128xf32, #tpu.memory_space<vmem>>
      %dma_wait3A_273 = arith.constant 0 : i32
      %dma_wait3A_274 = tpu.memref_slice %arg18[%add3A_22, %dma_wait3A_273] : memref<10240x128xf32, #tpu.memory_space<vmem_shared>> -> memref<80x128xf32, #tpu.memory_space<vmem_shared>>
      %dma_wait3A_275 = arith.constant 0 : i32
      %dma_wait3A_276 = tpu.memref_slice %arg18[%add3A_22, %dma_wait3A_275] : memref<10240x128xf32, #tpu.memory_space<vmem_shared>> -> memref<80x128xf32, #tpu.memory_space<vmem_shared>>
      %dma_wait3A_277 = arith.constant 0 : i32
      %dma_wait3A_278 = arith.constant 0 : i32
      %dma_wait3A_279 = tpu.memref_slice %arg16[%run_scoped3A_23, %dma_wait3A_277, %dma_wait3A_278] : memref<2x80x128xf32, #tpu.memory_space<vmem>> -> memref<1x80x128xf32, #tpu.memory_space<vmem>>
      %dma_wait3A_280 = tpu.memref_squeeze %dma_wait3A_279 : memref<1x80x128xf32, #tpu.memory_space<vmem>> -> memref<80x128xf32, #tpu.memory_space<vmem>>
      tpu.wait_dma2 semaphore(%run_scoped3A_256 : memref<!tpu.dma_semaphore, #tpu.memory_space<semaphore_mem>>) src(%dma_wait3A_280 : memref<80x128xf32, #tpu.memory_space<vmem>>) dst(%dma_wait3A_276 : memref<80x128xf32, #tpu.memory_space<vmem_shared>>)
      tpu.yield
    }) : () -> ()
    %add3A_24 = arith.constant 480 : i32
    %add3A_25 = arith.addi %multiple_of3A, %add3A_24 : i32
    %run_scoped3A_26 = arith.constant 0 : i32
    "tpu.region"() ({
      %run_scoped3A_256 = tpu.sem_alloc : memref<!tpu.dma_semaphore, #tpu.memory_space<semaphore_mem>>
      %dma_start3A_257 = arith.constant 0 : i32
      %dma_start3A_258 = arith.constant 0 : i32
      %dma_start3A_259 = tpu.memref_slice %arg16[%run_scoped3A_26, %dma_start3A_257, %dma_start3A_258] : memref<2x80x128xf32, #tpu.memory_space<vmem>> -> memref<1x80x128xf32, #tpu.memory_space<vmem>>
      %dma_start3A_260 = tpu.memref_squeeze %dma_start3A_259 : memref<1x80x128xf32, #tpu.memory_space<vmem>> -> memref<80x128xf32, #tpu.memory_space<vmem>>
      %dma_start3A_261 = arith.constant 0 : i32
      %dma_start3A_262 = tpu.memref_slice %arg18[%add3A_25, %dma_start3A_261] : memref<10240x128xf32, #tpu.memory_space<vmem_shared>> -> memref<80x128xf32, #tpu.memory_space<vmem_shared>>
      %dma_start3A_263 = arith.constant 0 : i32
      %dma_start3A_264 = tpu.memref_slice %arg18[%add3A_25, %dma_start3A_263] : memref<10240x128xf32, #tpu.memory_space<vmem_shared>> -> memref<80x128xf32, #tpu.memory_space<vmem_shared>>
      %dma_start3A_265 = arith.constant 0 : i32
      %dma_start3A_266 = arith.constant 0 : i32
      %dma_start3A_267 = tpu.memref_slice %arg16[%run_scoped3A_26, %dma_start3A_265, %dma_start3A_266] : memref<2x80x128xf32, #tpu.memory_space<vmem>> -> memref<1x80x128xf32, #tpu.memory_space<vmem>>
      %dma_start3A_268 = tpu.memref_squeeze %dma_start3A_267 : memref<1x80x128xf32, #tpu.memory_space<vmem>> -> memref<80x128xf32, #tpu.memory_space<vmem>>
      tpu.enqueue_dma source(%dma_start3A_268 : memref<80x128xf32, #tpu.memory_space<vmem>>) target(%dma_start3A_264 : memref<80x128xf32, #tpu.memory_space<vmem_shared>>) target_semaphore(%run_scoped3A_256 : memref<!tpu.dma_semaphore, #tpu.memory_space<semaphore_mem>>)
      %dma_wait3A_269 = arith.constant 0 : i32
      %dma_wait3A_270 = arith.constant 0 : i32
      %dma_wait3A_271 = tpu.memref_slice %arg16[%run_scoped3A_26, %dma_wait3A_269, %dma_wait3A_270] : memref<2x80x128xf32, #tpu.memory_space<vmem>> -> memref<1x80x128xf32, #tpu.memory_space<vmem>>
      %dma_wait3A_272 = tpu.memref_squeeze %dma_wait3A_271 : memref<1x80x128xf32, #tpu.memory_space<vmem>> -> memref<80x128xf32, #tpu.memory_space<vmem>>
      %dma_wait3A_273 = arith.constant 0 : i32
      %dma_wait3A_274 = tpu.memref_slice %arg18[%add3A_25, %dma_wait3A_273] : memref<10240x128xf32, #tpu.memory_space<vmem_shared>> -> memref<80x128xf32, #tpu.memory_space<vmem_shared>>
      %dma_wait3A_275 = arith.constant 0 : i32
      %dma_wait3A_276 = tpu.memref_slice %arg18[%add3A_25, %dma_wait3A_275] : memref<10240x128xf32, #tpu.memory_space<vmem_shared>> -> memref<80x128xf32, #tpu.memory_space<vmem_shared>>
      %dma_wait3A_277 = arith.constant 0 : i32
      %dma_wait3A_278 = arith.constant 0 : i32
      %dma_wait3A_279 = tpu.memref_slice %arg16[%run_scoped3A_26, %dma_wait3A_277, %dma_wait3A_278] : memref<2x80x128xf32, #tpu.memory_space<vmem>> -> memref<1x80x128xf32, #tpu.memory_space<vmem>>
      %dma_wait3A_280 = tpu.memref_squeeze %dma_wait3A_279 : memref<1x80x128xf32, #tpu.memory_space<vmem>> -> memref<80x128xf32, #tpu.memory_space<vmem>>
      tpu.wait_dma2 semaphore(%run_scoped3A_256 : memref<!tpu.dma_semaphore, #tpu.memory_space<semaphore_mem>>) src(%dma_wait3A_280 : memref<80x128xf32, #tpu.memory_space<vmem>>) dst(%dma_wait3A_276 : memref<80x128xf32, #tpu.memory_space<vmem_shared>>)
      tpu.yield
    }) : () -> ()
    %add3A_27 = arith.constant 560 : i32
    %add3A_28 = arith.addi %multiple_of3A, %add3A_27 : i32
    %run_scoped3A_29 = arith.constant 0 : i32
    "tpu.region"() ({
      %run_scoped3A_256 = tpu.sem_alloc : memref<!tpu.dma_semaphore, #tpu.memory_space<semaphore_mem>>
      %dma_start3A_257 = arith.constant 0 : i32
      %dma_start3A_258 = arith.constant 0 : i32
      %dma_start3A_259 = tpu.memref_slice %arg16[%run_scoped3A_29, %dma_start3A_257, %dma_start3A_258] : memref<2x80x128xf32, #tpu.memory_space<vmem>> -> memref<1x80x128xf32, #tpu.memory_space<vmem>>
      %dma_start3A_260 = tpu.memref_squeeze %dma_start3A_259 : memref<1x80x128xf32, #tpu.memory_space<vmem>> -> memref<80x128xf32, #tpu.memory_space<vmem>>
      %dma_start3A_261 = arith.constant 0 : i32
      %dma_start3A_262 = tpu.memref_slice %arg18[%add3A_28, %dma_start3A_261] : memref<10240x128xf32, #tpu.memory_space<vmem_shared>> -> memref<80x128xf32, #tpu.memory_space<vmem_shared>>
      %dma_start3A_263 = arith.constant 0 : i32
      %dma_start3A_264 = tpu.memref_slice %arg18[%add3A_28, %dma_start3A_263] : memref<10240x128xf32, #tpu.memory_space<vmem_shared>> -> memref<80x128xf32, #tpu.memory_space<vmem_shared>>
      %dma_start3A_265 = arith.constant 0 : i32
      %dma_start3A_266 = arith.constant 0 : i32
      %dma_start3A_267 = tpu.memref_slice %arg16[%run_scoped3A_29, %dma_start3A_265, %dma_start3A_266] : memref<2x80x128xf32, #tpu.memory_space<vmem>> -> memref<1x80x128xf32, #tpu.memory_space<vmem>>
      %dma_start3A_268 = tpu.memref_squeeze %dma_start3A_267 : memref<1x80x128xf32, #tpu.memory_space<vmem>> -> memref<80x128xf32, #tpu.memory_space<vmem>>
      tpu.enqueue_dma source(%dma_start3A_268 : memref<80x128xf32, #tpu.memory_space<vmem>>) target(%dma_start3A_264 : memref<80x128xf32, #tpu.memory_space<vmem_shared>>) target_semaphore(%run_scoped3A_256 : memref<!tpu.dma_semaphore, #tpu.memory_space<semaphore_mem>>)
      %dma_wait3A_269 = arith.constant 0 : i32
      %dma_wait3A_270 = arith.constant 0 : i32
      %dma_wait3A_271 = tpu.memref_slice %arg16[%run_scoped3A_29, %dma_wait3A_269, %dma_wait3A_270] : memref<2x80x128xf32, #tpu.memory_space<vmem>> -> memref<1x80x128xf32, #tpu.memory_space<vmem>>
      %dma_wait3A_272 = tpu.memref_squeeze %dma_wait3A_271 : memref<1x80x128xf32, #tpu.memory_space<vmem>> -> memref<80x128xf32, #tpu.memory_space<vmem>>
      %dma_wait3A_273 = arith.constant 0 : i32
      %dma_wait3A_274 = tpu.memref_slice %arg18[%add3A_28, %dma_wait3A_273] : memref<10240x128xf32, #tpu.memory_space<vmem_shared>> -> memref<80x128xf32, #tpu.memory_space<vmem_shared>>
      %dma_wait3A_275 = arith.constant 0 : i32
      %dma_wait3A_276 = tpu.memref_slice %arg18[%add3A_28, %dma_wait3A_275] : memref<10240x128xf32, #tpu.memory_space<vmem_shared>> -> memref<80x128xf32, #tpu.memory_space<vmem_shared>>
      %dma_wait3A_277 = arith.constant 0 : i32
      %dma_wait3A_278 = arith.constant 0 : i32
      %dma_wait3A_279 = tpu.memref_slice %arg16[%run_scoped3A_29, %dma_wait3A_277, %dma_wait3A_278] : memref<2x80x128xf32, #tpu.memory_space<vmem>> -> memref<1x80x128xf32, #tpu.memory_space<vmem>>
      %dma_wait3A_280 = tpu.memref_squeeze %dma_wait3A_279 : memref<1x80x128xf32, #tpu.memory_space<vmem>> -> memref<80x128xf32, #tpu.memory_space<vmem>>
      tpu.wait_dma2 semaphore(%run_scoped3A_256 : memref<!tpu.dma_semaphore, #tpu.memory_space<semaphore_mem>>) src(%dma_wait3A_280 : memref<80x128xf32, #tpu.memory_space<vmem>>) dst(%dma_wait3A_276 : memref<80x128xf32, #tpu.memory_space<vmem_shared>>)
      tpu.yield
    }) : () -> ()
    %mul3A_30 = arith.constant 640 : i32
    %mul3A_31 = arith.muli %arg1, %mul3A_30 : i32
    %add3A_32 = arith.constant 0 : i32
    %add3A_33 = arith.addi %mul3A_31, %add3A_32 : i32
    %run_scoped3A_34 = arith.constant 0 : i32
    %run_scoped3A_35 = arith.constant 0 : i32
    "tpu.region"() ({
      %run_scoped3A_256 = tpu.sem_alloc : memref<!tpu.dma_semaphore, #tpu.memory_space<semaphore_mem>>
      %dma_start3A_257 = arith.constant 0 : i32
      %dma_start3A_258 = tpu.memref_slice %arg16[%run_scoped3A_34, %run_scoped3A_35, %dma_start3A_257] : memref<2x80x128xf32, #tpu.memory_space<vmem>> -> memref<1x1x128xf32, #tpu.memory_space<vmem>>
      %dma_start3A_259 = tpu.memref_squeeze %dma_start3A_258 : memref<1x1x128xf32, #tpu.memory_space<vmem>> -> memref<128xf32, #tpu.memory_space<vmem>>
      %dma_start3A_260 = tpu.memref_slice %arg19[%add3A_33] : memref<10240xf32, #tpu.memory_space<vmem_shared>> -> memref<128xf32, #tpu.memory_space<vmem_shared>>
      %dma_start3A_261 = tpu.memref_slice %arg19[%add3A_33] : memref<10240xf32, #tpu.memory_space<vmem_shared>> -> memref<128xf32, #tpu.memory_space<vmem_shared>>
      %dma_start3A_262 = arith.constant 0 : i32
      %dma_start3A_263 = tpu.memref_slice %arg16[%run_scoped3A_34, %run_scoped3A_35, %dma_start3A_262] : memref<2x80x128xf32, #tpu.memory_space<vmem>> -> memref<1x1x128xf32, #tpu.memory_space<vmem>>
      %dma_start3A_264 = tpu.memref_squeeze %dma_start3A_263 : memref<1x1x128xf32, #tpu.memory_space<vmem>> -> memref<128xf32, #tpu.memory_space<vmem>>
      tpu.enqueue_dma source(%dma_start3A_264 : memref<128xf32, #tpu.memory_space<vmem>>) target(%dma_start3A_261 : memref<128xf32, #tpu.memory_space<vmem_shared>>) target_semaphore(%run_scoped3A_256 : memref<!tpu.dma_semaphore, #tpu.memory_space<semaphore_mem>>)
      %dma_wait3A_265 = arith.constant 0 : i32
      %dma_wait3A_266 = tpu.memref_slice %arg16[%run_scoped3A_34, %run_scoped3A_35, %dma_wait3A_265] : memref<2x80x128xf32, #tpu.memory_space<vmem>> -> memref<1x1x128xf32, #tpu.memory_space<vmem>>
      %dma_wait3A_267 = tpu.memref_squeeze %dma_wait3A_266 : memref<1x1x128xf32, #tpu.memory_space<vmem>> -> memref<128xf32, #tpu.memory_space<vmem>>
      %dma_wait3A_268 = tpu.memref_slice %arg19[%add3A_33] : memref<10240xf32, #tpu.memory_space<vmem_shared>> -> memref<128xf32, #tpu.memory_space<vmem_shared>>
      %dma_wait3A_269 = tpu.memref_slice %arg19[%add3A_33] : memref<10240xf32, #tpu.memory_space<vmem_shared>> -> memref<128xf32, #tpu.memory_space<vmem_shared>>
      %dma_wait3A_270 = arith.constant 0 : i32
      %dma_wait3A_271 = tpu.memref_slice %arg16[%run_scoped3A_34, %run_scoped3A_35, %dma_wait3A_270] : memref<2x80x128xf32, #tpu.memory_space<vmem>> -> memref<1x1x128xf32, #tpu.memory_space<vmem>>
      %dma_wait3A_272 = tpu.memref_squeeze %dma_wait3A_271 : memref<1x1x128xf32, #tpu.memory_space<vmem>> -> memref<128xf32, #tpu.memory_space<vmem>>
      tpu.wait_dma2 semaphore(%run_scoped3A_256 : memref<!tpu.dma_semaphore, #tpu.memory_space<semaphore_mem>>) src(%dma_wait3A_272 : memref<128xf32, #tpu.memory_space<vmem>>) dst(%dma_wait3A_269 : memref<128xf32, #tpu.memory_space<vmem_shared>>)
      tpu.yield
    }) : () -> ()
    %mul3A_36 = arith.constant 640 : i32
    %mul3A_37 = arith.muli %arg1, %mul3A_36 : i32
    %add3A_38 = arith.constant 128 : i32
    %add3A_39 = arith.addi %mul3A_37, %add3A_38 : i32
    %run_scoped3A_40 = arith.constant 0 : i32
    %run_scoped3A_41 = arith.constant 0 : i32
    "tpu.region"() ({
      %run_scoped3A_256 = tpu.sem_alloc : memref<!tpu.dma_semaphore, #tpu.memory_space<semaphore_mem>>
      %dma_start3A_257 = arith.constant 0 : i32
      %dma_start3A_258 = tpu.memref_slice %arg16[%run_scoped3A_40, %run_scoped3A_41, %dma_start3A_257] : memref<2x80x128xf32, #tpu.memory_space<vmem>> -> memref<1x1x128xf32, #tpu.memory_space<vmem>>
      %dma_start3A_259 = tpu.memref_squeeze %dma_start3A_258 : memref<1x1x128xf32, #tpu.memory_space<vmem>> -> memref<128xf32, #tpu.memory_space<vmem>>
      %dma_start3A_260 = tpu.memref_slice %arg19[%add3A_39] : memref<10240xf32, #tpu.memory_space<vmem_shared>> -> memref<128xf32, #tpu.memory_space<vmem_shared>>
      %dma_start3A_261 = tpu.memref_slice %arg19[%add3A_39] : memref<10240xf32, #tpu.memory_space<vmem_shared>> -> memref<128xf32, #tpu.memory_space<vmem_shared>>
      %dma_start3A_262 = arith.constant 0 : i32
      %dma_start3A_263 = tpu.memref_slice %arg16[%run_scoped3A_40, %run_scoped3A_41, %dma_start3A_262] : memref<2x80x128xf32, #tpu.memory_space<vmem>> -> memref<1x1x128xf32, #tpu.memory_space<vmem>>
      %dma_start3A_264 = tpu.memref_squeeze %dma_start3A_263 : memref<1x1x128xf32, #tpu.memory_space<vmem>> -> memref<128xf32, #tpu.memory_space<vmem>>
      tpu.enqueue_dma source(%dma_start3A_264 : memref<128xf32, #tpu.memory_space<vmem>>) target(%dma_start3A_261 : memref<128xf32, #tpu.memory_space<vmem_shared>>) target_semaphore(%run_scoped3A_256 : memref<!tpu.dma_semaphore, #tpu.memory_space<semaphore_mem>>)
      %dma_wait3A_265 = arith.constant 0 : i32
      %dma_wait3A_266 = tpu.memref_slice %arg16[%run_scoped3A_40, %run_scoped3A_41, %dma_wait3A_265] : memref<2x80x128xf32, #tpu.memory_space<vmem>> -> memref<1x1x128xf32, #tpu.memory_space<vmem>>
      %dma_wait3A_267 = tpu.memref_squeeze %dma_wait3A_266 : memref<1x1x128xf32, #tpu.memory_space<vmem>> -> memref<128xf32, #tpu.memory_space<vmem>>
      %dma_wait3A_268 = tpu.memref_slice %arg19[%add3A_39] : memref<10240xf32, #tpu.memory_space<vmem_shared>> -> memref<128xf32, #tpu.memory_space<vmem_shared>>
      %dma_wait3A_269 = tpu.memref_slice %arg19[%add3A_39] : memref<10240xf32, #tpu.memory_space<vmem_shared>> -> memref<128xf32, #tpu.memory_space<vmem_shared>>
      %dma_wait3A_270 = arith.constant 0 : i32
      %dma_wait3A_271 = tpu.memref_slice %arg16[%run_scoped3A_40, %run_scoped3A_41, %dma_wait3A_270] : memref<2x80x128xf32, #tpu.memory_space<vmem>> -> memref<1x1x128xf32, #tpu.memory_space<vmem>>
      %dma_wait3A_272 = tpu.memref_squeeze %dma_wait3A_271 : memref<1x1x128xf32, #tpu.memory_space<vmem>> -> memref<128xf32, #tpu.memory_space<vmem>>
      tpu.wait_dma2 semaphore(%run_scoped3A_256 : memref<!tpu.dma_semaphore, #tpu.memory_space<semaphore_mem>>) src(%dma_wait3A_272 : memref<128xf32, #tpu.memory_space<vmem>>) dst(%dma_wait3A_269 : memref<128xf32, #tpu.memory_space<vmem_shared>>)
      tpu.yield
    }) : () -> ()
    %mul3A_42 = arith.constant 640 : i32
    %mul3A_43 = arith.muli %arg1, %mul3A_42 : i32
    %add3A_44 = arith.constant 256 : i32
    %add3A_45 = arith.addi %mul3A_43, %add3A_44 : i32
    %run_scoped3A_46 = arith.constant 0 : i32
    %run_scoped3A_47 = arith.constant 0 : i32
    "tpu.region"() ({
      %run_scoped3A_256 = tpu.sem_alloc : memref<!tpu.dma_semaphore, #tpu.memory_space<semaphore_mem>>
      %dma_start3A_257 = arith.constant 0 : i32
      %dma_start3A_258 = tpu.memref_slice %arg16[%run_scoped3A_46, %run_scoped3A_47, %dma_start3A_257] : memref<2x80x128xf32, #tpu.memory_space<vmem>> -> memref<1x1x128xf32, #tpu.memory_space<vmem>>
      %dma_start3A_259 = tpu.memref_squeeze %dma_start3A_258 : memref<1x1x128xf32, #tpu.memory_space<vmem>> -> memref<128xf32, #tpu.memory_space<vmem>>
      %dma_start3A_260 = tpu.memref_slice %arg19[%add3A_45] : memref<10240xf32, #tpu.memory_space<vmem_shared>> -> memref<128xf32, #tpu.memory_space<vmem_shared>>
      %dma_start3A_261 = tpu.memref_slice %arg19[%add3A_45] : memref<10240xf32, #tpu.memory_space<vmem_shared>> -> memref<128xf32, #tpu.memory_space<vmem_shared>>
      %dma_start3A_262 = arith.constant 0 : i32
      %dma_start3A_263 = tpu.memref_slice %arg16[%run_scoped3A_46, %run_scoped3A_47, %dma_start3A_262] : memref<2x80x128xf32, #tpu.memory_space<vmem>> -> memref<1x1x128xf32, #tpu.memory_space<vmem>>
      %dma_start3A_264 = tpu.memref_squeeze %dma_start3A_263 : memref<1x1x128xf32, #tpu.memory_space<vmem>> -> memref<128xf32, #tpu.memory_space<vmem>>
      tpu.enqueue_dma source(%dma_start3A_264 : memref<128xf32, #tpu.memory_space<vmem>>) target(%dma_start3A_261 : memref<128xf32, #tpu.memory_space<vmem_shared>>) target_semaphore(%run_scoped3A_256 : memref<!tpu.dma_semaphore, #tpu.memory_space<semaphore_mem>>)
      %dma_wait3A_265 = arith.constant 0 : i32
      %dma_wait3A_266 = tpu.memref_slice %arg16[%run_scoped3A_46, %run_scoped3A_47, %dma_wait3A_265] : memref<2x80x128xf32, #tpu.memory_space<vmem>> -> memref<1x1x128xf32, #tpu.memory_space<vmem>>
      %dma_wait3A_267 = tpu.memref_squeeze %dma_wait3A_266 : memref<1x1x128xf32, #tpu.memory_space<vmem>> -> memref<128xf32, #tpu.memory_space<vmem>>
      %dma_wait3A_268 = tpu.memref_slice %arg19[%add3A_45] : memref<10240xf32, #tpu.memory_space<vmem_shared>> -> memref<128xf32, #tpu.memory_space<vmem_shared>>
      %dma_wait3A_269 = tpu.memref_slice %arg19[%add3A_45] : memref<10240xf32, #tpu.memory_space<vmem_shared>> -> memref<128xf32, #tpu.memory_space<vmem_shared>>
      %dma_wait3A_270 = arith.constant 0 : i32
      %dma_wait3A_271 = tpu.memref_slice %arg16[%run_scoped3A_46, %run_scoped3A_47, %dma_wait3A_270] : memref<2x80x128xf32, #tpu.memory_space<vmem>> -> memref<1x1x128xf32, #tpu.memory_space<vmem>>
      %dma_wait3A_272 = tpu.memref_squeeze %dma_wait3A_271 : memref<1x1x128xf32, #tpu.memory_space<vmem>> -> memref<128xf32, #tpu.memory_space<vmem>>
      tpu.wait_dma2 semaphore(%run_scoped3A_256 : memref<!tpu.dma_semaphore, #tpu.memory_space<semaphore_mem>>) src(%dma_wait3A_272 : memref<128xf32, #tpu.memory_space<vmem>>) dst(%dma_wait3A_269 : memref<128xf32, #tpu.memory_space<vmem_shared>>)
      tpu.yield
    }) : () -> ()
    %mul3A_48 = arith.constant 640 : i32
    %mul3A_49 = arith.muli %arg1, %mul3A_48 : i32
    %add3A_50 = arith.constant 384 : i32
    %add3A_51 = arith.addi %mul3A_49, %add3A_50 : i32
    %run_scoped3A_52 = arith.constant 0 : i32
    %run_scoped3A_53 = arith.constant 0 : i32
    "tpu.region"() ({
      %run_scoped3A_256 = tpu.sem_alloc : memref<!tpu.dma_semaphore, #tpu.memory_space<semaphore_mem>>
      %dma_start3A_257 = arith.constant 0 : i32
      %dma_start3A_258 = tpu.memref_slice %arg16[%run_scoped3A_52, %run_scoped3A_53, %dma_start3A_257] : memref<2x80x128xf32, #tpu.memory_space<vmem>> -> memref<1x1x128xf32, #tpu.memory_space<vmem>>
      %dma_start3A_259 = tpu.memref_squeeze %dma_start3A_258 : memref<1x1x128xf32, #tpu.memory_space<vmem>> -> memref<128xf32, #tpu.memory_space<vmem>>
      %dma_start3A_260 = tpu.memref_slice %arg19[%add3A_51] : memref<10240xf32, #tpu.memory_space<vmem_shared>> -> memref<128xf32, #tpu.memory_space<vmem_shared>>
      %dma_start3A_261 = tpu.memref_slice %arg19[%add3A_51] : memref<10240xf32, #tpu.memory_space<vmem_shared>> -> memref<128xf32, #tpu.memory_space<vmem_shared>>
      %dma_start3A_262 = arith.constant 0 : i32
      %dma_start3A_263 = tpu.memref_slice %arg16[%run_scoped3A_52, %run_scoped3A_53, %dma_start3A_262] : memref<2x80x128xf32, #tpu.memory_space<vmem>> -> memref<1x1x128xf32, #tpu.memory_space<vmem>>
      %dma_start3A_264 = tpu.memref_squeeze %dma_start3A_263 : memref<1x1x128xf32, #tpu.memory_space<vmem>> -> memref<128xf32, #tpu.memory_space<vmem>>
      tpu.enqueue_dma source(%dma_start3A_264 : memref<128xf32, #tpu.memory_space<vmem>>) target(%dma_start3A_261 : memref<128xf32, #tpu.memory_space<vmem_shared>>) target_semaphore(%run_scoped3A_256 : memref<!tpu.dma_semaphore, #tpu.memory_space<semaphore_mem>>)
      %dma_wait3A_265 = arith.constant 0 : i32
      %dma_wait3A_266 = tpu.memref_slice %arg16[%run_scoped3A_52, %run_scoped3A_53, %dma_wait3A_265] : memref<2x80x128xf32, #tpu.memory_space<vmem>> -> memref<1x1x128xf32, #tpu.memory_space<vmem>>
      %dma_wait3A_267 = tpu.memref_squeeze %dma_wait3A_266 : memref<1x1x128xf32, #tpu.memory_space<vmem>> -> memref<128xf32, #tpu.memory_space<vmem>>
      %dma_wait3A_268 = tpu.memref_slice %arg19[%add3A_51] : memref<10240xf32, #tpu.memory_space<vmem_shared>> -> memref<128xf32, #tpu.memory_space<vmem_shared>>
      %dma_wait3A_269 = tpu.memref_slice %arg19[%add3A_51] : memref<10240xf32, #tpu.memory_space<vmem_shared>> -> memref<128xf32, #tpu.memory_space<vmem_shared>>
      %dma_wait3A_270 = arith.constant 0 : i32
      %dma_wait3A_271 = tpu.memref_slice %arg16[%run_scoped3A_52, %run_scoped3A_53, %dma_wait3A_270] : memref<2x80x128xf32, #tpu.memory_space<vmem>> -> memref<1x1x128xf32, #tpu.memory_space<vmem>>
      %dma_wait3A_272 = tpu.memref_squeeze %dma_wait3A_271 : memref<1x1x128xf32, #tpu.memory_space<vmem>> -> memref<128xf32, #tpu.memory_space<vmem>>
      tpu.wait_dma2 semaphore(%run_scoped3A_256 : memref<!tpu.dma_semaphore, #tpu.memory_space<semaphore_mem>>) src(%dma_wait3A_272 : memref<128xf32, #tpu.memory_space<vmem>>) dst(%dma_wait3A_269 : memref<128xf32, #tpu.memory_space<vmem_shared>>)
      tpu.yield
    }) : () -> ()
    %mul3A_54 = arith.constant 640 : i32
    %mul3A_55 = arith.muli %arg1, %mul3A_54 : i32
    %add3A_56 = arith.constant 512 : i32
    %add3A_57 = arith.addi %mul3A_55, %add3A_56 : i32
    %run_scoped3A_58 = arith.constant 0 : i32
    %run_scoped3A_59 = arith.constant 0 : i32
    "tpu.region"() ({
      %run_scoped3A_256 = tpu.sem_alloc : memref<!tpu.dma_semaphore, #tpu.memory_space<semaphore_mem>>
      %dma_start3A_257 = arith.constant 0 : i32
      %dma_start3A_258 = tpu.memref_slice %arg16[%run_scoped3A_58, %run_scoped3A_59, %dma_start3A_257] : memref<2x80x128xf32, #tpu.memory_space<vmem>> -> memref<1x1x128xf32, #tpu.memory_space<vmem>>
      %dma_start3A_259 = tpu.memref_squeeze %dma_start3A_258 : memref<1x1x128xf32, #tpu.memory_space<vmem>> -> memref<128xf32, #tpu.memory_space<vmem>>
      %dma_start3A_260 = tpu.memref_slice %arg19[%add3A_57] : memref<10240xf32, #tpu.memory_space<vmem_shared>> -> memref<128xf32, #tpu.memory_space<vmem_shared>>
      %dma_start3A_261 = tpu.memref_slice %arg19[%add3A_57] : memref<10240xf32, #tpu.memory_space<vmem_shared>> -> memref<128xf32, #tpu.memory_space<vmem_shared>>
      %dma_start3A_262 = arith.constant 0 : i32
      %dma_start3A_263 = tpu.memref_slice %arg16[%run_scoped3A_58, %run_scoped3A_59, %dma_start3A_262] : memref<2x80x128xf32, #tpu.memory_space<vmem>> -> memref<1x1x128xf32, #tpu.memory_space<vmem>>
      %dma_start3A_264 = tpu.memref_squeeze %dma_start3A_263 : memref<1x1x128xf32, #tpu.memory_space<vmem>> -> memref<128xf32, #tpu.memory_space<vmem>>
      tpu.enqueue_dma source(%dma_start3A_264 : memref<128xf32, #tpu.memory_space<vmem>>) target(%dma_start3A_261 : memref<128xf32, #tpu.memory_space<vmem_shared>>) target_semaphore(%run_scoped3A_256 : memref<!tpu.dma_semaphore, #tpu.memory_space<semaphore_mem>>)
      %dma_wait3A_265 = arith.constant 0 : i32
      %dma_wait3A_266 = tpu.memref_slice %arg16[%run_scoped3A_58, %run_scoped3A_59, %dma_wait3A_265] : memref<2x80x128xf32, #tpu.memory_space<vmem>> -> memref<1x1x128xf32, #tpu.memory_space<vmem>>
      %dma_wait3A_267 = tpu.memref_squeeze %dma_wait3A_266 : memref<1x1x128xf32, #tpu.memory_space<vmem>> -> memref<128xf32, #tpu.memory_space<vmem>>
      %dma_wait3A_268 = tpu.memref_slice %arg19[%add3A_57] : memref<10240xf32, #tpu.memory_space<vmem_shared>> -> memref<128xf32, #tpu.memory_space<vmem_shared>>
      %dma_wait3A_269 = tpu.memref_slice %arg19[%add3A_57] : memref<10240xf32, #tpu.memory_space<vmem_shared>> -> memref<128xf32, #tpu.memory_space<vmem_shared>>
      %dma_wait3A_270 = arith.constant 0 : i32
      %dma_wait3A_271 = tpu.memref_slice %arg16[%run_scoped3A_58, %run_scoped3A_59, %dma_wait3A_270] : memref<2x80x128xf32, #tpu.memory_space<vmem>> -> memref<1x1x128xf32, #tpu.memory_space<vmem>>
      %dma_wait3A_272 = tpu.memref_squeeze %dma_wait3A_271 : memref<1x1x128xf32, #tpu.memory_space<vmem>> -> memref<128xf32, #tpu.memory_space<vmem>>
      tpu.wait_dma2 semaphore(%run_scoped3A_256 : memref<!tpu.dma_semaphore, #tpu.memory_space<semaphore_mem>>) src(%dma_wait3A_272 : memref<128xf32, #tpu.memory_space<vmem>>) dst(%dma_wait3A_269 : memref<128xf32, #tpu.memory_space<vmem_shared>>)
      tpu.yield
    }) : () -> ()
    %mul3A_60 = arith.constant 8 : i32
    %mul3A_61 = arith.muli %arg0, %mul3A_60 : i32
    %mul3A_62 = arith.constant 128 : i32
    %mul3A_63 = arith.muli %mul3A_61, %mul3A_62 : i32
    %multiple_of3A_64 = tpu.assume_multiple %mul3A_63, 8 : i32
    "tpu.region"() ({
      %run_scoped3A_256 = tpu.sem_alloc : memref<!tpu.dma_semaphore, #tpu.memory_space<semaphore_mem>>
      %dma_start3A_257 = tpu.memref_slice %arg6[%multiple_of3A_64] : memref<2048xf32, #tpu.memory_space<hbm>> -> memref<16xf32, #tpu.memory_space<hbm>>
      %dma_start3A_258 = tpu.memref_slice %arg6[%multiple_of3A_64] : memref<2048xf32, #tpu.memory_space<hbm>> -> memref<16xf32, #tpu.memory_space<hbm>>
      tpu.enqueue_dma source(%dma_start3A_258 : memref<16xf32, #tpu.memory_space<hbm>>) target(%arg17 : memref<16xf32, #tpu.memory_space<vmem>>) target_semaphore(%run_scoped3A_256 : memref<!tpu.dma_semaphore, #tpu.memory_space<semaphore_mem>>)
      %dma_wait3A_259 = tpu.memref_slice %arg6[%multiple_of3A_64] : memref<2048xf32, #tpu.memory_space<hbm>> -> memref<16xf32, #tpu.memory_space<hbm>>
      %dma_wait3A_260 = tpu.memref_slice %arg6[%multiple_of3A_64] : memref<2048xf32, #tpu.memory_space<hbm>> -> memref<16xf32, #tpu.memory_space<hbm>>
      tpu.wait_dma2 semaphore(%run_scoped3A_256 : memref<!tpu.dma_semaphore, #tpu.memory_space<semaphore_mem>>) src(%dma_wait3A_260 : memref<16xf32, #tpu.memory_space<hbm>>) dst(%arg17 : memref<16xf32, #tpu.memory_space<vmem>>)
      tpu.yield
    }) : () -> ()
    %get3A = arith.constant 0 : index
    %get3A_65 = tpu.vector_load %arg17[%get3A] {strides = array<i32>} : memref<16xf32, #tpu.memory_space<vmem>>, vector<16xf32>,
    %barrier3A = arith.constant 0 : index
    tpu.barrier barrier_id(%barrier3A)
    %mul3A_66 = arith.constant 160000 : i32
    %mul3A_67 = arith.muli %arg0, %mul3A_66 : i32
    %mul3A_68 = arith.constant 10000 : i32
    %mul3A_69 = arith.muli %arg1, %mul3A_68 : i32
    %add3A_70 = arith.addi %mul3A_67, %mul3A_69 : i32
    %mul3A_71 = arith.constant 10000 : i32
    %mul3A_72 = arith.muli %arg0, %mul3A_71 : i32
    %add3A_73 = arith.constant 0 : i32
    %add3A_74 = arith.addi %add3A_70, %add3A_73 : i32
    %multiple_of3A_75 = tpu.assume_multiple %add3A_74, 8 : i32
    %run_scoped3A_76 = arith.constant 0 : i32
    %run_scoped3A_77 = arith.constant 0 : i32
    "tpu.region"() ({
      %run_scoped3A_256 = tpu.sem_alloc : memref<!tpu.dma_semaphore, #tpu.memory_space<semaphore_mem>>
      %dma_start3A_257 = arith.constant 0 : i32
      %dma_start3A_258 = tpu.memref_slice %arg10[%run_scoped3A_76, %run_scoped3A_77, %dma_start3A_257] : memref<2x2x80xi32, #tpu.memory_space<vmem>> -> memref<1x1x80xi32, #tpu.memory_space<vmem>>
      %dma_start3A_259 = tpu.memref_squeeze %dma_start3A_258 : memref<1x1x80xi32, #tpu.memory_space<vmem>> -> memref<80xi32, #tpu.memory_space<vmem>>
      %dma_start3A_260 = tpu.memref_slice %arg2[%multiple_of3A_75] : memref<320000xi32, #tpu.memory_space<hbm>> -> memref<80xi32, #tpu.memory_space<hbm>>
      %dma_start3A_261 = arith.constant 0 : i32
      %dma_start3A_262 = tpu.memref_slice %arg10[%run_scoped3A_76, %run_scoped3A_77, %dma_start3A_261] : memref<2x2x80xi32, #tpu.memory_space<vmem>> -> memref<1x1x80xi32, #tpu.memory_space<vmem>>
      %dma_start3A_263 = tpu.memref_squeeze %dma_start3A_262 : memref<1x1x80xi32, #tpu.memory_space<vmem>> -> memref<80xi32, #tpu.memory_space<vmem>>
      %dma_start3A_264 = tpu.memref_slice %arg2[%multiple_of3A_75] : memref<320000xi32, #tpu.memory_space<hbm>> -> memref<80xi32, #tpu.memory_space<hbm>>
      tpu.enqueue_dma source(%dma_start3A_264 : memref<80xi32, #tpu.memory_space<hbm>>) target(%dma_start3A_263 : memref<80xi32, #tpu.memory_space<vmem>>) target_semaphore(%run_scoped3A_256 : memref<!tpu.dma_semaphore, #tpu.memory_space<semaphore_mem>>)
      %dma_wait3A_265 = arith.constant 0 : i32
      %dma_wait3A_266 = tpu.memref_slice %arg10[%run_scoped3A_76, %run_scoped3A_77, %dma_wait3A_265] : memref<2x2x80xi32, #tpu.memory_space<vmem>> -> memref<1x1x80xi32, #tpu.memory_space<vmem>>
      %dma_wait3A_267 = tpu.memref_squeeze %dma_wait3A_266 : memref<1x1x80xi32, #tpu.memory_space<vmem>> -> memref<80xi32, #tpu.memory_space<vmem>>
      %dma_wait3A_268 = tpu.memref_slice %arg2[%multiple_of3A_75] : memref<320000xi32, #tpu.memory_space<hbm>> -> memref<80xi32, #tpu.memory_space<hbm>>
      %dma_wait3A_269 = arith.constant 0 : i32
      %dma_wait3A_270 = tpu.memref_slice %arg10[%run_scoped3A_76, %run_scoped3A_77, %dma_wait3A_269] : memref<2x2x80xi32, #tpu.memory_space<vmem>> -> memref<1x1x80xi32, #tpu.memory_space<vmem>>
      %dma_wait3A_271 = tpu.memref_squeeze %dma_wait3A_270 : memref<1x1x80xi32, #tpu.memory_space<vmem>> -> memref<80xi32, #tpu.memory_space<vmem>>
      %dma_wait3A_272 = tpu.memref_slice %arg2[%multiple_of3A_75] : memref<320000xi32, #tpu.memory_space<hbm>> -> memref<80xi32, #tpu.memory_space<hbm>>
      tpu.wait_dma2 semaphore(%run_scoped3A_256 : memref<!tpu.dma_semaphore, #tpu.memory_space<semaphore_mem>>) src(%dma_wait3A_272 : memref<80xi32, #tpu.memory_space<hbm>>) dst(%dma_wait3A_271 : memref<80xi32, #tpu.memory_space<vmem>>)
      tpu.yield
    }) : () -> ()
    %run_scoped3A_78 = arith.constant 0 : i32
    %run_scoped3A_79 = arith.constant 1 : i32
    "tpu.region"() ({
      %run_scoped3A_256 = tpu.sem_alloc : memref<!tpu.dma_semaphore, #tpu.memory_space<semaphore_mem>>
      %dma_start3A_257 = arith.constant 0 : i32
      %dma_start3A_258 = tpu.memref_slice %arg10[%run_scoped3A_78, %run_scoped3A_79, %dma_start3A_257] : memref<2x2x80xi32, #tpu.memory_space<vmem>> -> memref<1x1x80xi32, #tpu.memory_space<vmem>>
      %dma_start3A_259 = tpu.memref_squeeze %dma_start3A_258 : memref<1x1x80xi32, #tpu.memory_space<vmem>> -> memref<80xi32, #tpu.memory_space<vmem>>
      %dma_start3A_260 = tpu.memref_slice %arg3[%multiple_of3A_75] : memref<320000xi32, #tpu.memory_space<hbm>> -> memref<80xi32, #tpu.memory_space<hbm>>
      %dma_start3A_261 = arith.constant 0 : i32
      %dma_start3A_262 = tpu.memref_slice %arg10[%run_scoped3A_78, %run_scoped3A_79, %dma_start3A_261] : memref<2x2x80xi32, #tpu.memory_space<vmem>> -> memref<1x1x80xi32, #tpu.memory_space<vmem>>
      %dma_start3A_263 = tpu.memref_squeeze %dma_start3A_262 : memref<1x1x80xi32, #tpu.memory_space<vmem>> -> memref<80xi32, #tpu.memory_space<vmem>>
      %dma_start3A_264 = tpu.memref_slice %arg3[%multiple_of3A_75] : memref<320000xi32, #tpu.memory_space<hbm>> -> memref<80xi32, #tpu.memory_space<hbm>>
      tpu.enqueue_dma source(%dma_start3A_264 : memref<80xi32, #tpu.memory_space<hbm>>) target(%dma_start3A_263 : memref<80xi32, #tpu.memory_space<vmem>>) target_semaphore(%run_scoped3A_256 : memref<!tpu.dma_semaphore, #tpu.memory_space<semaphore_mem>>)
      %dma_wait3A_265 = arith.constant 0 : i32
      %dma_wait3A_266 = tpu.memref_slice %arg10[%run_scoped3A_78, %run_scoped3A_79, %dma_wait3A_265] : memref<2x2x80xi32, #tpu.memory_space<vmem>> -> memref<1x1x80xi32, #tpu.memory_space<vmem>>
      %dma_wait3A_267 = tpu.memref_squeeze %dma_wait3A_266 : memref<1x1x80xi32, #tpu.memory_space<vmem>> -> memref<80xi32, #tpu.memory_space<vmem>>
      %dma_wait3A_268 = tpu.memref_slice %arg3[%multiple_of3A_75] : memref<320000xi32, #tpu.memory_space<hbm>> -> memref<80xi32, #tpu.memory_space<hbm>>
      %dma_wait3A_269 = arith.constant 0 : i32
      %dma_wait3A_270 = tpu.memref_slice %arg10[%run_scoped3A_78, %run_scoped3A_79, %dma_wait3A_269] : memref<2x2x80xi32, #tpu.memory_space<vmem>> -> memref<1x1x80xi32, #tpu.memory_space<vmem>>
      %dma_wait3A_271 = tpu.memref_squeeze %dma_wait3A_270 : memref<1x1x80xi32, #tpu.memory_space<vmem>> -> memref<80xi32, #tpu.memory_space<vmem>>
      %dma_wait3A_272 = tpu.memref_slice %arg3[%multiple_of3A_75] : memref<320000xi32, #tpu.memory_space<hbm>> -> memref<80xi32, #tpu.memory_space<hbm>>
      tpu.wait_dma2 semaphore(%run_scoped3A_256 : memref<!tpu.dma_semaphore, #tpu.memory_space<semaphore_mem>>) src(%dma_wait3A_272 : memref<80xi32, #tpu.memory_space<hbm>>) dst(%dma_wait3A_271 : memref<80xi32, #tpu.memory_space<vmem>>)
      tpu.yield
    }) : () -> ()
    %scan3A_80 = arith.constant 0 : i32
    %scan3A_81 = arith.constant 0 : i32
    %scan3A_82 = arith.constant 5 : i32
    %scan3A_83 = arith.addi %scan3A_81, %scan3A_82 : i32
    %scan3A_84 = arith.constant 1 : i32
    %scan3A_85 = scf.for %scan3A_256 = %scan3A_81 to %scan3A_83 step %scan3A_84 iter_args(%scan3A_257 = %scan3A_80) -> (i32)  : i32 {
      %mul3A_258 = arith.constant 16 : i32
      %mul3A_259 = arith.muli %scan3A_256, %mul3A_258 : i32
      %multiple_of3A_260 = tpu.assume_multiple %mul3A_259, 8 : i32
      %get3A_261 = arith.constant 0 : i32
      %get3A_262 = arith.constant 0 : i32
      %get3A_263 = arith.index_cast %get3A_261 : i32 to index
      %get3A_264 = arith.index_cast %get3A_262 : i32 to index
      %get3A_265 = arith.index_cast %multiple_of3A_260 : i32 to index
      %get3A_266 = tpu.vector_load %arg10[%get3A_263, %get3A_264, %get3A_265] {strides = array<i32>} : memref<2x2x80xi32, #tpu.memory_space<vmem>>, vector<16xi32>,
      %add3A_267 = vector.broadcast %mul3A_72 : i32 to vector<16xi32>
      %add3A_268 = arith.addi %get3A_266, %add3A_267 : vector<16xi32>
      %swap3A = arith.constant 0 : i32
      %swap3A_269 = arith.index_cast %swap3A : i32 to index
      %swap3A_270 = arith.index_cast %multiple_of3A_260 : i32 to index
      %swap3A_271 = tpu.vector_load %arg11[%swap3A_269, %swap3A_270] {strides = array<i32>} : memref<2x80xi32, #tpu.memory_space<vmem>>, vector<16xi32>,
      tpu.vector_store %arg11[%swap3A_269, %swap3A_270], %add3A_268 {strides = array<i32>} : memref<2x80xi32, #tpu.memory_space<vmem>>, vector<16xi32>,
      %get3A_272 = arith.constant 0 : i32
      %get3A_273 = arith.constant 1 : i32
      %get3A_274 = arith.index_cast %get3A_272 : i32 to index
      %get3A_275 = arith.index_cast %get3A_273 : i32 to index
      %get3A_276 = arith.index_cast %multiple_of3A_260 : i32 to index
      %get3A_277 = tpu.vector_load %arg10[%get3A_274, %get3A_275, %get3A_276] {strides = array<i32>} : memref<2x2x80xi32, #tpu.memory_space<vmem>>, vector<16xi32>,
      %add3A_278 = vector.broadcast %mul3A_72 : i32 to vector<16xi32>
      %add3A_279 = arith.addi %get3A_277, %add3A_278 : vector<16xi32>
      %swap3A_280 = arith.constant 0 : i32
      %swap3A_281 = arith.index_cast %swap3A_280 : i32 to index
      %swap3A_282 = arith.index_cast %multiple_of3A_260 : i32 to index
      %swap3A_283 = tpu.vector_load %arg12[%swap3A_281, %swap3A_282] {strides = array<i32>} : memref<2x80xi32, #tpu.memory_space<vmem>>, vector<16xi32>,
      tpu.vector_store %arg12[%swap3A_281, %swap3A_282], %add3A_279 {strides = array<i32>} : memref<2x80xi32, #tpu.memory_space<vmem>>, vector<16xi32>,
      %scan3A_284 = arith.constant 0 : i32
      scf.yield %scan3A_284 : i32
    }
    %scan3A_86 = arith.constant 5 : i32
    %dma_start3A = arith.constant 0 : i32
    %dma_start3A_87 = arith.constant 0 : i32
    %dma_start3A_88 = arith.constant 0 : i32
    %dma_start3A_89 = tpu.memref_slice %arg14[%dma_start3A_87, %dma_start3A_88] : memref<2x80xf32, #tpu.memory_space<vmem>> -> memref<1x80xf32, #tpu.memory_space<vmem>>
    %dma_start3A_90 = tpu.memref_squeeze %dma_start3A_89 : memref<1x80xf32, #tpu.memory_space<vmem>> -> memref<80xf32, #tpu.memory_space<vmem>>
    %dma_start3A_91 = arith.constant 0 : i32
    %dma_start3A_92 = tpu.memref_slice %arg11[%dma_start3A, %dma_start3A_91] : memref<2x80xi32, #tpu.memory_space<vmem>> -> memref<1x80xi32, #tpu.memory_space<vmem>>
    %dma_start3A_93 = tpu.memref_squeeze %dma_start3A_92 : memref<1x80xi32, #tpu.memory_space<vmem>> -> memref<80xi32, #tpu.memory_space<vmem>>
    %dma_start3A_94 = arith.constant 0 : i32
    %dma_start3A_95 = tpu.memref_slice %arg4[%dma_start3A_94] : memref<20000xf32, #tpu.memory_space<hbm>> -> memref<20000xf32, #tpu.memory_space<hbm>>
    tpu.enqueue_indirect_dma source(%dma_start3A_95 : memref<20000xf32, #tpu.memory_space<hbm>>) target(%dma_start3A_90 : memref<80xf32, #tpu.memory_space<vmem>>) offsets(%dma_start3A_93 : memref<80xi32, #tpu.memory_space<vmem>>) semaphore(%arg20 : memref<!tpu.dma_semaphore, #tpu.memory_space<semaphore_mem>>)
    %dma_start3A_96 = arith.constant 0 : i32
    %dma_start3A_97 = arith.constant 0 : i32
    %dma_start3A_98 = arith.constant 0 : i32
    %dma_start3A_99 = tpu.memref_slice %arg15[%dma_start3A_97, %dma_start3A_98] : memref<2x80xf32, #tpu.memory_space<vmem>> -> memref<1x80xf32, #tpu.memory_space<vmem>>
    %dma_start3A_100 = tpu.memref_squeeze %dma_start3A_99 : memref<1x80xf32, #tpu.memory_space<vmem>> -> memref<80xf32, #tpu.memory_space<vmem>>
    %dma_start3A_101 = arith.constant 0 : i32
    %dma_start3A_102 = tpu.memref_slice %arg12[%dma_start3A_96, %dma_start3A_101] : memref<2x80xi32, #tpu.memory_space<vmem>> -> memref<1x80xi32, #tpu.memory_space<vmem>>
    %dma_start3A_103 = tpu.memref_squeeze %dma_start3A_102 : memref<1x80xi32, #tpu.memory_space<vmem>> -> memref<80xi32, #tpu.memory_space<vmem>>
    %dma_start3A_104 = arith.constant 0 : i32
    %dma_start3A_105 = tpu.memref_slice %arg5[%dma_start3A_104] : memref<20000xf32, #tpu.memory_space<hbm>> -> memref<20000xf32, #tpu.memory_space<hbm>>
    tpu.enqueue_indirect_dma source(%dma_start3A_105 : memref<20000xf32, #tpu.memory_space<hbm>>) target(%dma_start3A_100 : memref<80xf32, #tpu.memory_space<vmem>>) offsets(%dma_start3A_103 : memref<80xi32, #tpu.memory_space<vmem>>) semaphore(%arg20 : memref<!tpu.dma_semaphore, #tpu.memory_space<semaphore_mem>>)
    %dma_start3A_106 = arith.constant 0 : i32
    %dma_start3A_107 = arith.constant 0 : i32
    %dma_start3A_108 = arith.constant 0 : i32
    %dma_start3A_109 = arith.constant 0 : i32
    %dma_start3A_110 = tpu.memref_slice %arg16[%dma_start3A_107, %dma_start3A_108, %dma_start3A_109] : memref<2x80x128xf32, #tpu.memory_space<vmem>> -> memref<1x80x128xf32, #tpu.memory_space<vmem>>
    %dma_start3A_111 = tpu.memref_squeeze %dma_start3A_110 : memref<1x80x128xf32, #tpu.memory_space<vmem>> -> memref<80x128xf32, #tpu.memory_space<vmem>>
    %dma_start3A_112 = arith.constant 0 : i32
    %dma_start3A_113 = tpu.memref_slice %arg11[%dma_start3A_106, %dma_start3A_112] : memref<2x80xi32, #tpu.memory_space<vmem>> -> memref<1x80xi32, #tpu.memory_space<vmem>>
    %dma_start3A_114 = tpu.memref_squeeze %dma_start3A_113 : memref<1x80xi32, #tpu.memory_space<vmem>> -> memref<80xi32, #tpu.memory_space<vmem>>
    %dma_start3A_115 = arith.constant 0 : i32
    %dma_start3A_116 = arith.constant 0 : i32
    %dma_start3A_117 = tpu.memref_slice %arg7[%dma_start3A_115, %dma_start3A_116] : memref<20000x128xf32, #tpu.memory_space<hbm>> -> memref<20000x128xf32, #tpu.memory_space<hbm>>
    tpu.enqueue_indirect_dma source(%dma_start3A_117 : memref<20000x128xf32, #tpu.memory_space<hbm>>) target(%dma_start3A_111 : memref<80x128xf32, #tpu.memory_space<vmem>>) offsets(%dma_start3A_114 : memref<80xi32, #tpu.memory_space<vmem>>) semaphore(%arg22 : memref<!tpu.dma_semaphore, #tpu.memory_space<semaphore_mem>>)
    %scan3A_118 = arith.constant 0 : i32
    %scan3A_119 = arith.constant 0 : i32
    %scan3A_120 = arith.constant 62 : i32
    %scan3A_121 = arith.addi %scan3A_119, %scan3A_120 : i32
    %scan3A_122 = arith.constant 1 : i32
    %scan3A_123 = scf.for %scan3A_256 = %scan3A_119 to %scan3A_121 step %scan3A_122 iter_args(%scan3A_257 = %scan3A_118) -> (i32)  : i32 {
      %mul3A_258 = arith.constant 2 : i32
      %mul3A_259 = arith.muli %mul3A_258, %scan3A_256 : i32
      %gt3A = arith.constant 0 : i32
      %gt3A_260 = arith.cmpi sgt, %scan3A_256, %gt3A : i32
      %dma_wait3A_261 = arith.constant 0 : i32
      %dma_wait3A_262 = arith.constant 0 : i32
      %dma_wait3A_263 = arith.constant 0 : i32
      %dma_wait3A_264 = tpu.memref_slice %arg14[%dma_wait3A_262, %dma_wait3A_263] : memref<2x80xf32, #tpu.memory_space<vmem>> -> memref<1x80xf32, #tpu.memory_space<vmem>>
      %dma_wait3A_265 = tpu.memref_squeeze %dma_wait3A_264 : memref<1x80xf32, #tpu.memory_space<vmem>> -> memref<80xf32, #tpu.memory_space<vmem>>
      %dma_wait3A_266 = arith.constant 0 : i32
      %dma_wait3A_267 = tpu.memref_slice %arg11[%dma_wait3A_261, %dma_wait3A_266] : memref<2x80xi32, #tpu.memory_space<vmem>> -> memref<1x80xi32, #tpu.memory_space<vmem>>
      %dma_wait3A_268 = tpu.memref_squeeze %dma_wait3A_267 : memref<1x80xi32, #tpu.memory_space<vmem>> -> memref<80xi32, #tpu.memory_space<vmem>>
      %dma_wait3A_269 = arith.constant 0 : i32
      %dma_wait3A_270 = tpu.memref_slice %arg4[%dma_wait3A_269] : memref<20000xf32, #tpu.memory_space<hbm>> -> memref<20000xf32, #tpu.memory_space<hbm>>
      tpu.wait_indirect_dma semaphore(%arg20 : memref<!tpu.dma_semaphore, #tpu.memory_space<semaphore_mem>>) src(%dma_wait3A_270 : memref<20000xf32, #tpu.memory_space<hbm>>) dst(%dma_wait3A_265 : memref<80xf32, #tpu.memory_space<vmem>>)
      %dma_wait3A_271 = arith.constant 0 : i32
      %dma_wait3A_272 = arith.constant 0 : i32
      %dma_wait3A_273 = arith.constant 0 : i32
      %dma_wait3A_274 = tpu.memref_slice %arg15[%dma_wait3A_272, %dma_wait3A_273] : memref<2x80xf32, #tpu.memory_space<vmem>> -> memref<1x80xf32, #tpu.memory_space<vmem>>
      %dma_wait3A_275 = tpu.memref_squeeze %dma_wait3A_274 : memref<1x80xf32, #tpu.memory_space<vmem>> -> memref<80xf32, #tpu.memory_space<vmem>>
      %dma_wait3A_276 = arith.constant 0 : i32
      %dma_wait3A_277 = tpu.memref_slice %arg12[%dma_wait3A_271, %dma_wait3A_276] : memref<2x80xi32, #tpu.memory_space<vmem>> -> memref<1x80xi32, #tpu.memory_space<vmem>>
      %dma_wait3A_278 = tpu.memref_squeeze %dma_wait3A_277 : memref<1x80xi32, #tpu.memory_space<vmem>> -> memref<80xi32, #tpu.memory_space<vmem>>
      %dma_wait3A_279 = arith.constant 0 : i32
      %dma_wait3A_280 = tpu.memref_slice %arg5[%dma_wait3A_279] : memref<20000xf32, #tpu.memory_space<hbm>> -> memref<20000xf32, #tpu.memory_space<hbm>>
      tpu.wait_indirect_dma semaphore(%arg20 : memref<!tpu.dma_semaphore, #tpu.memory_space<semaphore_mem>>) src(%dma_wait3A_280 : memref<20000xf32, #tpu.memory_space<hbm>>) dst(%dma_wait3A_275 : memref<80xf32, #tpu.memory_space<vmem>>)
      %scan3A_281 = arith.constant 0 : i32
      %scan3A_282 = arith.constant 0 : i32
      %scan3A_283 = arith.constant 5 : i32
      %scan3A_284 = arith.addi %scan3A_282, %scan3A_283 : i32
      %scan3A_285 = arith.constant 1 : i32
      %scan3A_286 = scf.for %scan3A_529 = %scan3A_282 to %scan3A_284 step %scan3A_285 iter_args(%scan3A_530 = %scan3A_281) -> (i32)  : i32 {
        %mul3A_531 = arith.constant 16 : i32
        %mul3A_532 = arith.muli %scan3A_529, %mul3A_531 : i32
        %multiple_of3A_533 = tpu.assume_multiple %mul3A_532, 8 : i32
        %get3A_534 = arith.constant 0 : i32
        %get3A_535 = arith.index_cast %get3A_534 : i32 to index
        %get3A_536 = arith.index_cast %multiple_of3A_533 : i32 to index
        %get3A_537 = tpu.vector_load %arg14[%get3A_535, %get3A_536] {strides = array<i32>} : memref<2x80xf32, #tpu.memory_space<vmem>>, vector<16xf32>,
        %get3A_538 = arith.constant 0 : i32
        %get3A_539 = arith.index_cast %get3A_538 : i32 to index
        %get3A_540 = arith.index_cast %multiple_of3A_533 : i32 to index
        %get3A_541 = tpu.vector_load %arg15[%get3A_539, %get3A_540] {strides = array<i32>} : memref<2x80xf32, #tpu.memory_space<vmem>>, vector<16xf32>,
        %add3A_542 = arith.addf %get3A_537, %get3A_541 : vector<16xf32>
        %ge3A = arith.constant 0.000000e+00 : f32
        %ge3A_543 = vector.broadcast %ge3A : f32 to vector<16xf32>
        %ge3A_544 = arith.cmpf oge, %add3A_542, %ge3A_543 : vector<16xf32>
        %mul3A_545 = arith.constant 2.000000e-01 : f32
        %mul3A_546 = vector.broadcast %mul3A_545 : f32 to vector<16xf32>
        %mul3A_547 = arith.mulf %mul3A_546, %add3A_542 : vector<16xf32>
        %select_n3A = arith.select %ge3A_544, %add3A_542, %mul3A_547 : vector<16xi1>, vector<16xf32>
        %sub3A = arith.subf %select_n3A, %get3A_65 : vector<16xf32>
        %exp3A = math.exp %sub3A : vector<16xf32>
        %swap3A = arith.constant 0 : i32
        %swap3A_548 = arith.index_cast %swap3A : i32 to index
        %swap3A_549 = arith.index_cast %multiple_of3A_533 : i32 to index
        %swap3A_550 = tpu.vector_load %arg13[%swap3A_548, %swap3A_549] {strides = array<i32>} : memref<2x80xf32, #tpu.memory_space<vmem>>, vector<16xf32>,
        tpu.vector_store %arg13[%swap3A_548, %swap3A_549], %exp3A {strides = array<i32>} : memref<2x80xf32, #tpu.memory_space<vmem>>, vector<16xf32>,
        %scan3A_551 = arith.constant 0 : i32
        scf.yield %scan3A_551 : i32
      }
      %scan3A_287 = arith.constant 5 : i32
      %convert_element_type3A_288 = arith.extui %gt3A_260 : i1 to i32
      %cond3A_289 = arith.constant 0 : i32
      %cond3A_290 = arith.cmpi ne, %convert_element_type3A_288, %cond3A_289 : i32
      scf.if %cond3A_290 {
        %dma_wait3A_529 = arith.constant 1 : i32
        %dma_wait3A_530 = arith.constant 1 : i32
        %dma_wait3A_531 = arith.constant 1 : i32
        %dma_wait3A_532 = arith.constant 0 : i32
        %dma_wait3A_533 = tpu.memref_slice %arg13[%dma_wait3A_529, %dma_wait3A_532] : memref<2x80xf32, #tpu.memory_space<vmem>> -> memref<1x80xf32, #tpu.memory_space<vmem>>
        %dma_wait3A_534 = tpu.memref_squeeze %dma_wait3A_533 : memref<1x80xf32, #tpu.memory_space<vmem>> -> memref<80xf32, #tpu.memory_space<vmem>>
        %dma_wait3A_535 = arith.constant 0 : i32
        %dma_wait3A_536 = tpu.memref_slice %arg10[%dma_wait3A_530, %dma_wait3A_531, %dma_wait3A_535] : memref<2x2x80xi32, #tpu.memory_space<vmem>> -> memref<1x1x80xi32, #tpu.memory_space<vmem>>
        %dma_wait3A_537 = tpu.memref_squeeze %dma_wait3A_536 : memref<1x1x80xi32, #tpu.memory_space<vmem>> -> memref<80xi32, #tpu.memory_space<vmem>>
        %dma_wait3A_538 = arith.constant 0 : i32
        %dma_wait3A_539 = tpu.memref_slice %arg19[%dma_wait3A_538] : memref<10240xf32, #tpu.memory_space<vmem_shared>> -> memref<10240xf32, #tpu.memory_space<vmem_shared>>
        tpu.wait_indirect_dma semaphore(%arg25 : memref<!tpu.dma_semaphore, #tpu.memory_space<semaphore_mem>>) src(%dma_wait3A_534 : memref<80xf32, #tpu.memory_space<vmem>>) dst(%dma_wait3A_539 : memref<10240xf32, #tpu.memory_space<vmem_shared>>)
        %dma_wait3A_540 = arith.constant 1 : i32
        %dma_wait3A_541 = arith.constant 1 : i32
        %dma_wait3A_542 = arith.constant 1 : i32
        %dma_wait3A_543 = arith.constant 0 : i32
        %dma_wait3A_544 = arith.constant 0 : i32
        %dma_wait3A_545 = tpu.memref_slice %arg16[%dma_wait3A_540, %dma_wait3A_543, %dma_wait3A_544] : memref<2x80x128xf32, #tpu.memory_space<vmem>> -> memref<1x80x128xf32, #tpu.memory_space<vmem>>
        %dma_wait3A_546 = tpu.memref_squeeze %dma_wait3A_545 : memref<1x80x128xf32, #tpu.memory_space<vmem>> -> memref<80x128xf32, #tpu.memory_space<vmem>>
        %dma_wait3A_547 = arith.constant 0 : i32
        %dma_wait3A_548 = tpu.memref_slice %arg10[%dma_wait3A_541, %dma_wait3A_542, %dma_wait3A_547] : memref<2x2x80xi32, #tpu.memory_space<vmem>> -> memref<1x1x80xi32, #tpu.memory_space<vmem>>
        %dma_wait3A_549 = tpu.memref_squeeze %dma_wait3A_548 : memref<1x1x80xi32, #tpu.memory_space<vmem>> -> memref<80xi32, #tpu.memory_space<vmem>>
        %dma_wait3A_550 = arith.constant 0 : i32
        %dma_wait3A_551 = arith.constant 0 : i32
        %dma_wait3A_552 = tpu.memref_slice %arg18[%dma_wait3A_550, %dma_wait3A_551] : memref<10240x128xf32, #tpu.memory_space<vmem_shared>> -> memref<10240x128xf32, #tpu.memory_space<vmem_shared>>
        tpu.wait_indirect_dma semaphore(%arg27 : memref<!tpu.dma_semaphore, #tpu.memory_space<semaphore_mem>>) src(%dma_wait3A_546 : memref<80x128xf32, #tpu.memory_space<vmem>>) dst(%dma_wait3A_552 : memref<10240x128xf32, #tpu.memory_space<vmem_shared>>)
      } else {
      }
      %dma_start3A_291 = arith.constant 0 : i32
      %dma_start3A_292 = arith.constant 0 : i32
      %dma_start3A_293 = arith.constant 1 : i32
      %dma_start3A_294 = arith.constant 0 : i32
      %dma_start3A_295 = tpu.memref_slice %arg13[%dma_start3A_291, %dma_start3A_294] : memref<2x80xf32, #tpu.memory_space<vmem>> -> memref<1x80xf32, #tpu.memory_space<vmem>>
      %dma_start3A_296 = tpu.memref_squeeze %dma_start3A_295 : memref<1x80xf32, #tpu.memory_space<vmem>> -> memref<80xf32, #tpu.memory_space<vmem>>
      %dma_start3A_297 = arith.constant 0 : i32
      %dma_start3A_298 = tpu.memref_slice %arg10[%dma_start3A_292, %dma_start3A_293, %dma_start3A_297] : memref<2x2x80xi32, #tpu.memory_space<vmem>> -> memref<1x1x80xi32, #tpu.memory_space<vmem>>
      %dma_start3A_299 = tpu.memref_squeeze %dma_start3A_298 : memref<1x1x80xi32, #tpu.memory_space<vmem>> -> memref<80xi32, #tpu.memory_space<vmem>>
      %dma_start3A_300 = arith.constant 0 : i32
      %dma_start3A_301 = tpu.memref_slice %arg19[%dma_start3A_300] : memref<10240xf32, #tpu.memory_space<vmem_shared>> -> memref<10240xf32, #tpu.memory_space<vmem_shared>>
      tpu.enqueue_indirect_dma source(%dma_start3A_296 : memref<80xf32, #tpu.memory_space<vmem>>) target(%dma_start3A_301 : memref<10240xf32, #tpu.memory_space<vmem_shared>>) offsets(%dma_start3A_299 : memref<80xi32, #tpu.memory_space<vmem>>) semaphore(%arg24 : memref<!tpu.dma_semaphore, #tpu.memory_space<semaphore_mem>>) {add = true}
      %add3A_302 = arith.constant 1 : i32
      %add3A_303 = arith.addi %mul3A_259, %add3A_302 : i32
      %mul3A_304 = arith.constant 80 : i32
      %mul3A_305 = arith.muli %add3A_303, %mul3A_304 : i32
      %add3A_306 = arith.addi %add3A_70, %mul3A_305 : i32
      %multiple_of3A_307 = tpu.assume_multiple %add3A_306, 8 : i32
      %run_scoped3A_308 = arith.constant 1 : i32
      %run_scoped3A_309 = arith.constant 0 : i32
      "tpu.region"() ({
        %run_scoped3A_529 = tpu.sem_alloc : memref<!tpu.dma_semaphore, #tpu.memory_space<semaphore_mem>>
        %dma_start3A_530 = arith.constant 0 : i32
        %dma_start3A_531 = tpu.memref_slice %arg10[%run_scoped3A_308, %run_scoped3A_309, %dma_start3A_530] : memref<2x2x80xi32, #tpu.memory_space<vmem>> -> memref<1x1x80xi32, #tpu.memory_space<vmem>>
        %dma_start3A_532 = tpu.memref_squeeze %dma_start3A_531 : memref<1x1x80xi32, #tpu.memory_space<vmem>> -> memref<80xi32, #tpu.memory_space<vmem>>
        %dma_start3A_533 = tpu.memref_slice %arg2[%multiple_of3A_307] : memref<320000xi32, #tpu.memory_space<hbm>> -> memref<80xi32, #tpu.memory_space<hbm>>
        %dma_start3A_534 = arith.constant 0 : i32
        %dma_start3A_535 = tpu.memref_slice %arg10[%run_scoped3A_308, %run_scoped3A_309, %dma_start3A_534] : memref<2x2x80xi32, #tpu.memory_space<vmem>> -> memref<1x1x80xi32, #tpu.memory_space<vmem>>
        %dma_start3A_536 = tpu.memref_squeeze %dma_start3A_535 : memref<1x1x80xi32, #tpu.memory_space<vmem>> -> memref<80xi32, #tpu.memory_space<vmem>>
        %dma_start3A_537 = tpu.memref_slice %arg2[%multiple_of3A_307] : memref<320000xi32, #tpu.memory_space<hbm>> -> memref<80xi32, #tpu.memory_space<hbm>>
        tpu.enqueue_dma source(%dma_start3A_537 : memref<80xi32, #tpu.memory_space<hbm>>) target(%dma_start3A_536 : memref<80xi32, #tpu.memory_space<vmem>>) target_semaphore(%run_scoped3A_529 : memref<!tpu.dma_semaphore, #tpu.memory_space<semaphore_mem>>)
        %dma_wait3A_538 = arith.constant 0 : i32
        %dma_wait3A_539 = tpu.memref_slice %arg10[%run_scoped3A_308, %run_scoped3A_309, %dma_wait3A_538] : memref<2x2x80xi32, #tpu.memory_space<vmem>> -> memref<1x1x80xi32, #tpu.memory_space<vmem>>
        %dma_wait3A_540 = tpu.memref_squeeze %dma_wait3A_539 : memref<1x1x80xi32, #tpu.memory_space<vmem>> -> memref<80xi32, #tpu.memory_space<vmem>>
        %dma_wait3A_541 = tpu.memref_slice %arg2[%multiple_of3A_307] : memref<320000xi32, #tpu.memory_space<hbm>> -> memref<80xi32, #tpu.memory_space<hbm>>
        %dma_wait3A_542 = arith.constant 0 : i32
        %dma_wait3A_543 = tpu.memref_slice %arg10[%run_scoped3A_308, %run_scoped3A_309, %dma_wait3A_542] : memref<2x2x80xi32, #tpu.memory_space<vmem>> -> memref<1x1x80xi32, #tpu.memory_space<vmem>>
        %dma_wait3A_544 = tpu.memref_squeeze %dma_wait3A_543 : memref<1x1x80xi32, #tpu.memory_space<vmem>> -> memref<80xi32, #tpu.memory_space<vmem>>
        %dma_wait3A_545 = tpu.memref_slice %arg2[%multiple_of3A_307] : memref<320000xi32, #tpu.memory_space<hbm>> -> memref<80xi32, #tpu.memory_space<hbm>>
        tpu.wait_dma2 semaphore(%run_scoped3A_529 : memref<!tpu.dma_semaphore, #tpu.memory_space<semaphore_mem>>) src(%dma_wait3A_545 : memref<80xi32, #tpu.memory_space<hbm>>) dst(%dma_wait3A_544 : memref<80xi32, #tpu.memory_space<vmem>>)
        tpu.yield
      }) : () -> ()
      %run_scoped3A_310 = arith.constant 1 : i32
      %run_scoped3A_311 = arith.constant 1 : i32
      "tpu.region"() ({
        %run_scoped3A_529 = tpu.sem_alloc : memref<!tpu.dma_semaphore, #tpu.memory_space<semaphore_mem>>
        %dma_start3A_530 = arith.constant 0 : i32
        %dma_start3A_531 = tpu.memref_slice %arg10[%run_scoped3A_310, %run_scoped3A_311, %dma_start3A_530] : memref<2x2x80xi32, #tpu.memory_space<vmem>> -> memref<1x1x80xi32, #tpu.memory_space<vmem>>
        %dma_start3A_532 = tpu.memref_squeeze %dma_start3A_531 : memref<1x1x80xi32, #tpu.memory_space<vmem>> -> memref<80xi32, #tpu.memory_space<vmem>>
        %dma_start3A_533 = tpu.memref_slice %arg3[%multiple_of3A_307] : memref<320000xi32, #tpu.memory_space<hbm>> -> memref<80xi32, #tpu.memory_space<hbm>>
        %dma_start3A_534 = arith.constant 0 : i32
        %dma_start3A_535 = tpu.memref_slice %arg10[%run_scoped3A_310, %run_scoped3A_311, %dma_start3A_534] : memref<2x2x80xi32, #tpu.memory_space<vmem>> -> memref<1x1x80xi32, #tpu.memory_space<vmem>>
        %dma_start3A_536 = tpu.memref_squeeze %dma_start3A_535 : memref<1x1x80xi32, #tpu.memory_space<vmem>> -> memref<80xi32, #tpu.memory_space<vmem>>
        %dma_start3A_537 = tpu.memref_slice %arg3[%multiple_of3A_307] : memref<320000xi32, #tpu.memory_space<hbm>> -> memref<80xi32, #tpu.memory_space<hbm>>
        tpu.enqueue_dma source(%dma_start3A_537 : memref<80xi32, #tpu.memory_space<hbm>>) target(%dma_start3A_536 : memref<80xi32, #tpu.memory_space<vmem>>) target_semaphore(%run_scoped3A_529 : memref<!tpu.dma_semaphore, #tpu.memory_space<semaphore_mem>>)
        %dma_wait3A_538 = arith.constant 0 : i32
        %dma_wait3A_539 = tpu.memref_slice %arg10[%run_scoped3A_310, %run_scoped3A_311, %dma_wait3A_538] : memref<2x2x80xi32, #tpu.memory_space<vmem>> -> memref<1x1x80xi32, #tpu.memory_space<vmem>>
        %dma_wait3A_540 = tpu.memref_squeeze %dma_wait3A_539 : memref<1x1x80xi32, #tpu.memory_space<vmem>> -> memref<80xi32, #tpu.memory_space<vmem>>
        %dma_wait3A_541 = tpu.memref_slice %arg3[%multiple_of3A_307] : memref<320000xi32, #tpu.memory_space<hbm>> -> memref<80xi32, #tpu.memory_space<hbm>>
        %dma_wait3A_542 = arith.constant 0 : i32
        %dma_wait3A_543 = tpu.memref_slice %arg10[%run_scoped3A_310, %run_scoped3A_311, %dma_wait3A_542] : memref<2x2x80xi32, #tpu.memory_space<vmem>> -> memref<1x1x80xi32, #tpu.memory_space<vmem>>
        %dma_wait3A_544 = tpu.memref_squeeze %dma_wait3A_543 : memref<1x1x80xi32, #tpu.memory_space<vmem>> -> memref<80xi32, #tpu.memory_space<vmem>>
        %dma_wait3A_545 = tpu.memref_slice %arg3[%multiple_of3A_307] : memref<320000xi32, #tpu.memory_space<hbm>> -> memref<80xi32, #tpu.memory_space<hbm>>
        tpu.wait_dma2 semaphore(%run_scoped3A_529 : memref<!tpu.dma_semaphore, #tpu.memory_space<semaphore_mem>>) src(%dma_wait3A_545 : memref<80xi32, #tpu.memory_space<hbm>>) dst(%dma_wait3A_544 : memref<80xi32, #tpu.memory_space<vmem>>)
        tpu.yield
      }) : () -> ()
      %scan3A_312 = arith.constant 0 : i32
      %scan3A_313 = arith.constant 0 : i32
      %scan3A_314 = arith.constant 5 : i32
      %scan3A_315 = arith.addi %scan3A_313, %scan3A_314 : i32
      %scan3A_316 = arith.constant 1 : i32
      %scan3A_317 = scf.for %scan3A_529 = %scan3A_313 to %scan3A_315 step %scan3A_316 iter_args(%scan3A_530 = %scan3A_312) -> (i32)  : i32 {
        %mul3A_531 = arith.constant 16 : i32
        %mul3A_532 = arith.muli %scan3A_529, %mul3A_531 : i32
        %multiple_of3A_533 = tpu.assume_multiple %mul3A_532, 8 : i32
        %get3A_534 = arith.constant 1 : i32
        %get3A_535 = arith.constant 0 : i32
        %get3A_536 = arith.index_cast %get3A_534 : i32 to index
        %get3A_537 = arith.index_cast %get3A_535 : i32 to index
        %get3A_538 = arith.index_cast %multiple_of3A_533 : i32 to index
        %get3A_539 = tpu.vector_load %arg10[%get3A_536, %get3A_537, %get3A_538] {strides = array<i32>} : memref<2x2x80xi32, #tpu.memory_space<vmem>>, vector<16xi32>,
        %add3A_540 = vector.broadcast %mul3A_72 : i32 to vector<16xi32>
        %add3A_541 = arith.addi %get3A_539, %add3A_540 : vector<16xi32>
        %swap3A = arith.constant 1 : i32
        %swap3A_542 = arith.index_cast %swap3A : i32 to index
        %swap3A_543 = arith.index_cast %multiple_of3A_533 : i32 to index
        %swap3A_544 = tpu.vector_load %arg11[%swap3A_542, %swap3A_543] {strides = array<i32>} : memref<2x80xi32, #tpu.memory_space<vmem>>, vector<16xi32>,
        tpu.vector_store %arg11[%swap3A_542, %swap3A_543], %add3A_541 {strides = array<i32>} : memref<2x80xi32, #tpu.memory_space<vmem>>, vector<16xi32>,
        %get3A_545 = arith.constant 1 : i32
        %get3A_546 = arith.constant 1 : i32
        %get3A_547 = arith.index_cast %get3A_545 : i32 to index
        %get3A_548 = arith.index_cast %get3A_546 : i32 to index
        %get3A_549 = arith.index_cast %multiple_of3A_533 : i32 to index
        %get3A_550 = tpu.vector_load %arg10[%get3A_547, %get3A_548, %get3A_549] {strides = array<i32>} : memref<2x2x80xi32, #tpu.memory_space<vmem>>, vector<16xi32>,
        %add3A_551 = vector.broadcast %mul3A_72 : i32 to vector<16xi32>
        %add3A_552 = arith.addi %get3A_550, %add3A_551 : vector<16xi32>
        %swap3A_553 = arith.constant 1 : i32
        %swap3A_554 = arith.index_cast %swap3A_553 : i32 to index
        %swap3A_555 = arith.index_cast %multiple_of3A_533 : i32 to index
        %swap3A_556 = tpu.vector_load %arg12[%swap3A_554, %swap3A_555] {strides = array<i32>} : memref<2x80xi32, #tpu.memory_space<vmem>>, vector<16xi32>,
        tpu.vector_store %arg12[%swap3A_554, %swap3A_555], %add3A_552 {strides = array<i32>} : memref<2x80xi32, #tpu.memory_space<vmem>>, vector<16xi32>,
        %scan3A_557 = arith.constant 0 : i32
        scf.yield %scan3A_557 : i32
      }
      %scan3A_318 = arith.constant 5 : i32
      %dma_start3A_319 = arith.constant 1 : i32
      %dma_start3A_320 = arith.constant 1 : i32
      %dma_start3A_321 = arith.constant 0 : i32
      %dma_start3A_322 = tpu.memref_slice %arg14[%dma_start3A_320, %dma_start3A_321] : memref<2x80xf32, #tpu.memory_space<vmem>> -> memref<1x80xf32, #tpu.memory_space<vmem>>
      %dma_start3A_323 = tpu.memref_squeeze %dma_start3A_322 : memref<1x80xf32, #tpu.memory_space<vmem>> -> memref<80xf32, #tpu.memory_space<vmem>>
      %dma_start3A_324 = arith.constant 0 : i32
      %dma_start3A_325 = tpu.memref_slice %arg11[%dma_start3A_319, %dma_start3A_324] : memref<2x80xi32, #tpu.memory_space<vmem>> -> memref<1x80xi32, #tpu.memory_space<vmem>>
      %dma_start3A_326 = tpu.memref_squeeze %dma_start3A_325 : memref<1x80xi32, #tpu.memory_space<vmem>> -> memref<80xi32, #tpu.memory_space<vmem>>
      %dma_start3A_327 = arith.constant 0 : i32
      %dma_start3A_328 = tpu.memref_slice %arg4[%dma_start3A_327] : memref<20000xf32, #tpu.memory_space<hbm>> -> memref<20000xf32, #tpu.memory_space<hbm>>
      tpu.enqueue_indirect_dma source(%dma_start3A_328 : memref<20000xf32, #tpu.memory_space<hbm>>) target(%dma_start3A_323 : memref<80xf32, #tpu.memory_space<vmem>>) offsets(%dma_start3A_326 : memref<80xi32, #tpu.memory_space<vmem>>) semaphore(%arg21 : memref<!tpu.dma_semaphore, #tpu.memory_space<semaphore_mem>>)
      %dma_start3A_329 = arith.constant 1 : i32
      %dma_start3A_330 = arith.constant 1 : i32
      %dma_start3A_331 = arith.constant 0 : i32
      %dma_start3A_332 = tpu.memref_slice %arg15[%dma_start3A_330, %dma_start3A_331] : memref<2x80xf32, #tpu.memory_space<vmem>> -> memref<1x80xf32, #tpu.memory_space<vmem>>
      %dma_start3A_333 = tpu.memref_squeeze %dma_start3A_332 : memref<1x80xf32, #tpu.memory_space<vmem>> -> memref<80xf32, #tpu.memory_space<vmem>>
      %dma_start3A_334 = arith.constant 0 : i32
      %dma_start3A_335 = tpu.memref_slice %arg12[%dma_start3A_329, %dma_start3A_334] : memref<2x80xi32, #tpu.memory_space<vmem>> -> memref<1x80xi32, #tpu.memory_space<vmem>>
      %dma_start3A_336 = tpu.memref_squeeze %dma_start3A_335 : memref<1x80xi32, #tpu.memory_space<vmem>> -> memref<80xi32, #tpu.memory_space<vmem>>
      %dma_start3A_337 = arith.constant 0 : i32
      %dma_start3A_338 = tpu.memref_slice %arg5[%dma_start3A_337] : memref<20000xf32, #tpu.memory_space<hbm>> -> memref<20000xf32, #tpu.memory_space<hbm>>
      tpu.enqueue_indirect_dma source(%dma_start3A_338 : memref<20000xf32, #tpu.memory_space<hbm>>) target(%dma_start3A_333 : memref<80xf32, #tpu.memory_space<vmem>>) offsets(%dma_start3A_336 : memref<80xi32, #tpu.memory_space<vmem>>) semaphore(%arg21 : memref<!tpu.dma_semaphore, #tpu.memory_space<semaphore_mem>>)
      %dma_start3A_339 = arith.constant 1 : i32
      %dma_start3A_340 = arith.constant 1 : i32
      %dma_start3A_341 = arith.constant 0 : i32
      %dma_start3A_342 = arith.constant 0 : i32
      %dma_start3A_343 = tpu.memref_slice %arg16[%dma_start3A_340, %dma_start3A_341, %dma_start3A_342] : memref<2x80x128xf32, #tpu.memory_space<vmem>> -> memref<1x80x128xf32, #tpu.memory_space<vmem>>
      %dma_start3A_344 = tpu.memref_squeeze %dma_start3A_343 : memref<1x80x128xf32, #tpu.memory_space<vmem>> -> memref<80x128xf32, #tpu.memory_space<vmem>>
      %dma_start3A_345 = arith.constant 0 : i32
      %dma_start3A_346 = tpu.memref_slice %arg11[%dma_start3A_339, %dma_start3A_345] : memref<2x80xi32, #tpu.memory_space<vmem>> -> memref<1x80xi32, #tpu.memory_space<vmem>>
      %dma_start3A_347 = tpu.memref_squeeze %dma_start3A_346 : memref<1x80xi32, #tpu.memory_space<vmem>> -> memref<80xi32, #tpu.memory_space<vmem>>
      %dma_start3A_348 = arith.constant 0 : i32
      %dma_start3A_349 = arith.constant 0 : i32
      %dma_start3A_350 = tpu.memref_slice %arg7[%dma_start3A_348, %dma_start3A_349] : memref<20000x128xf32, #tpu.memory_space<hbm>> -> memref<20000x128xf32, #tpu.memory_space<hbm>>
      tpu.enqueue_indirect_dma source(%dma_start3A_350 : memref<20000x128xf32, #tpu.memory_space<hbm>>) target(%dma_start3A_344 : memref<80x128xf32, #tpu.memory_space<vmem>>) offsets(%dma_start3A_347 : memref<80xi32, #tpu.memory_space<vmem>>) semaphore(%arg23 : memref<!tpu.dma_semaphore, #tpu.memory_space<semaphore_mem>>)
      %dma_wait3A_351 = arith.constant 0 : i32
      %dma_wait3A_352 = arith.constant 0 : i32
      %dma_wait3A_353 = arith.constant 0 : i32
      %dma_wait3A_354 = arith.constant 0 : i32
      %dma_wait3A_355 = tpu.memref_slice %arg16[%dma_wait3A_352, %dma_wait3A_353, %dma_wait3A_354] : memref<2x80x128xf32, #tpu.memory_space<vmem>> -> memref<1x80x128xf32, #tpu.memory_space<vmem>>
      %dma_wait3A_356 = tpu.memref_squeeze %dma_wait3A_355 : memref<1x80x128xf32, #tpu.memory_space<vmem>> -> memref<80x128xf32, #tpu.memory_space<vmem>>
      %dma_wait3A_357 = arith.constant 0 : i32
      %dma_wait3A_358 = tpu.memref_slice %arg11[%dma_wait3A_351, %dma_wait3A_357] : memref<2x80xi32, #tpu.memory_space<vmem>> -> memref<1x80xi32, #tpu.memory_space<vmem>>
      %dma_wait3A_359 = tpu.memref_squeeze %dma_wait3A_358 : memref<1x80xi32, #tpu.memory_space<vmem>> -> memref<80xi32, #tpu.memory_space<vmem>>
      %dma_wait3A_360 = arith.constant 0 : i32
      %dma_wait3A_361 = arith.constant 0 : i32
      %dma_wait3A_362 = tpu.memref_slice %arg7[%dma_wait3A_360, %dma_wait3A_361] : memref<20000x128xf32, #tpu.memory_space<hbm>> -> memref<20000x128xf32, #tpu.memory_space<hbm>>
      tpu.wait_indirect_dma semaphore(%arg22 : memref<!tpu.dma_semaphore, #tpu.memory_space<semaphore_mem>>) src(%dma_wait3A_362 : memref<20000x128xf32, #tpu.memory_space<hbm>>) dst(%dma_wait3A_356 : memref<80x128xf32, #tpu.memory_space<vmem>>)
      %scan3A_363 = arith.constant 0 : i32
      %scan3A_364 = arith.constant 0 : i32
      %scan3A_365 = arith.constant 80 : i32
      %scan3A_366 = arith.addi %scan3A_364, %scan3A_365 : i32
      %scan3A_367 = arith.constant 1 : i32
      %scan3A_368 = scf.for %scan3A_529 = %scan3A_364 to %scan3A_366 step %scan3A_367 iter_args(%scan3A_530 = %scan3A_363) -> (i32)  : i32 {
        %broadcast_in_dim3A_531 = vector.broadcast %scan3A_529 : i32 to vector<16xi32>
        %gather3A = arith.constant 0 : i32
        %gather3A_532 = arith.constant 0 : i32
        %gather3A_533 = tpu.memref_slice %arg13[%gather3A, %gather3A_532] : memref<2x80xf32, #tpu.memory_space<vmem>> -> memref<1x80xf32, #tpu.memory_space<vmem>>
        %gather3A_534 = tpu.memref_squeeze %gather3A_533 : memref<1x80xf32, #tpu.memory_space<vmem>> -> memref<80xf32, #tpu.memory_space<vmem>>
        %gather3A_535 = tpu.vector_load_idx %gather3A_534[%broadcast_in_dim3A_531] : memref<80xf32, #tpu.memory_space<vmem>>[vector<16xi32>], vector<16xf32>,
        %get3A_536 = arith.constant 0 : i32
        %get3A_537 = arith.index_cast %get3A_536 : i32 to index
        %get3A_538 = arith.index_cast %scan3A_529 : i32 to index
        %get3A_539 = arith.constant 0 : index
        %get3A_540 = tpu.vector_load %arg16[%get3A_537, %get3A_538, %get3A_539] {strides = array<i32>} : memref<2x80x128xf32, #tpu.memory_space<vmem>>, vector<16xf32>,
        %mul3A_541 = arith.mulf %get3A_540, %gather3A_535 : vector<16xf32>
        %swap3A = arith.constant 0 : i32
        %swap3A_542 = arith.index_cast %swap3A : i32 to index
        %swap3A_543 = arith.index_cast %scan3A_529 : i32 to index
        %swap3A_544 = arith.constant 0 : index
        %swap3A_545 = tpu.vector_load %arg16[%swap3A_542, %swap3A_543, %swap3A_544] {strides = array<i32>} : memref<2x80x128xf32, #tpu.memory_space<vmem>>, vector<16xf32>,
        tpu.vector_store %arg16[%swap3A_542, %swap3A_543, %swap3A_544], %mul3A_541 {strides = array<i32>} : memref<2x80x128xf32, #tpu.memory_space<vmem>>, vector<16xf32>,
        %get3A_546 = arith.constant 0 : i32
        %get3A_547 = arith.index_cast %get3A_546 : i32 to index
        %get3A_548 = arith.index_cast %scan3A_529 : i32 to index
        %get3A_549 = arith.constant 16 : index
        %get3A_550 = tpu.vector_load %arg16[%get3A_547, %get3A_548, %get3A_549] {strides = array<i32>} : memref<2x80x128xf32, #tpu.memory_space<vmem>>, vector<16xf32>,
        %mul3A_551 = arith.mulf %get3A_550, %gather3A_535 : vector<16xf32>
        %swap3A_552 = arith.constant 0 : i32
        %swap3A_553 = arith.index_cast %swap3A_552 : i32 to index
        %swap3A_554 = arith.index_cast %scan3A_529 : i32 to index
        %swap3A_555 = arith.constant 16 : index
        %swap3A_556 = tpu.vector_load %arg16[%swap3A_553, %swap3A_554, %swap3A_555] {strides = array<i32>} : memref<2x80x128xf32, #tpu.memory_space<vmem>>, vector<16xf32>,
        tpu.vector_store %arg16[%swap3A_553, %swap3A_554, %swap3A_555], %mul3A_551 {strides = array<i32>} : memref<2x80x128xf32, #tpu.memory_space<vmem>>, vector<16xf32>,
        %get3A_557 = arith.constant 0 : i32
        %get3A_558 = arith.index_cast %get3A_557 : i32 to index
        %get3A_559 = arith.index_cast %scan3A_529 : i32 to index
        %get3A_560 = arith.constant 32 : index
        %get3A_561 = tpu.vector_load %arg16[%get3A_558, %get3A_559, %get3A_560] {strides = array<i32>} : memref<2x80x128xf32, #tpu.memory_space<vmem>>, vector<16xf32>,
        %mul3A_562 = arith.mulf %get3A_561, %gather3A_535 : vector<16xf32>
        %swap3A_563 = arith.constant 0 : i32
        %swap3A_564 = arith.index_cast %swap3A_563 : i32 to index
        %swap3A_565 = arith.index_cast %scan3A_529 : i32 to index
        %swap3A_566 = arith.constant 32 : index
        %swap3A_567 = tpu.vector_load %arg16[%swap3A_564, %swap3A_565, %swap3A_566] {strides = array<i32>} : memref<2x80x128xf32, #tpu.memory_space<vmem>>, vector<16xf32>,
        tpu.vector_store %arg16[%swap3A_564, %swap3A_565, %swap3A_566], %mul3A_562 {strides = array<i32>} : memref<2x80x128xf32, #tpu.memory_space<vmem>>, vector<16xf32>,
        %get3A_568 = arith.constant 0 : i32
        %get3A_569 = arith.index_cast %get3A_568 : i32 to index
        %get3A_570 = arith.index_cast %scan3A_529 : i32 to index
        %get3A_571 = arith.constant 48 : index
        %get3A_572 = tpu.vector_load %arg16[%get3A_569, %get3A_570, %get3A_571] {strides = array<i32>} : memref<2x80x128xf32, #tpu.memory_space<vmem>>, vector<16xf32>,
        %mul3A_573 = arith.mulf %get3A_572, %gather3A_535 : vector<16xf32>
        %swap3A_574 = arith.constant 0 : i32
        %swap3A_575 = arith.index_cast %swap3A_574 : i32 to index
        %swap3A_576 = arith.index_cast %scan3A_529 : i32 to index
        %swap3A_577 = arith.constant 48 : index
        %swap3A_578 = tpu.vector_load %arg16[%swap3A_575, %swap3A_576, %swap3A_577] {strides = array<i32>} : memref<2x80x128xf32, #tpu.memory_space<vmem>>, vector<16xf32>,
        tpu.vector_store %arg16[%swap3A_575, %swap3A_576, %swap3A_577], %mul3A_573 {strides = array<i32>} : memref<2x80x128xf32, #tpu.memory_space<vmem>>, vector<16xf32>,
        %get3A_579 = arith.constant 0 : i32
        %get3A_580 = arith.index_cast %get3A_579 : i32 to index
        %get3A_581 = arith.index_cast %scan3A_529 : i32 to index
        %get3A_582 = arith.constant 64 : index
        %get3A_583 = tpu.vector_load %arg16[%get3A_580, %get3A_581, %get3A_582] {strides = array<i32>} : memref<2x80x128xf32, #tpu.memory_space<vmem>>, vector<16xf32>,
        %mul3A_584 = arith.mulf %get3A_583, %gather3A_535 : vector<16xf32>
        %swap3A_585 = arith.constant 0 : i32
        %swap3A_586 = arith.index_cast %swap3A_585 : i32 to index
        %swap3A_587 = arith.index_cast %scan3A_529 : i32 to index
        %swap3A_588 = arith.constant 64 : index
        %swap3A_589 = tpu.vector_load %arg16[%swap3A_586, %swap3A_587, %swap3A_588] {strides = array<i32>} : memref<2x80x128xf32, #tpu.memory_space<vmem>>, vector<16xf32>,
        tpu.vector_store %arg16[%swap3A_586, %swap3A_587, %swap3A_588], %mul3A_584 {strides = array<i32>} : memref<2x80x128xf32, #tpu.memory_space<vmem>>, vector<16xf32>,
        %get3A_590 = arith.constant 0 : i32
        %get3A_591 = arith.index_cast %get3A_590 : i32 to index
        %get3A_592 = arith.index_cast %scan3A_529 : i32 to index
        %get3A_593 = arith.constant 80 : index
        %get3A_594 = tpu.vector_load %arg16[%get3A_591, %get3A_592, %get3A_593] {strides = array<i32>} : memref<2x80x128xf32, #tpu.memory_space<vmem>>, vector<16xf32>,
        %mul3A_595 = arith.mulf %get3A_594, %gather3A_535 : vector<16xf32>
        %swap3A_596 = arith.constant 0 : i32
        %swap3A_597 = arith.index_cast %swap3A_596 : i32 to index
        %swap3A_598 = arith.index_cast %scan3A_529 : i32 to index
        %swap3A_599 = arith.constant 80 : index
        %swap3A_600 = tpu.vector_load %arg16[%swap3A_597, %swap3A_598, %swap3A_599] {strides = array<i32>} : memref<2x80x128xf32, #tpu.memory_space<vmem>>, vector<16xf32>,
        tpu.vector_store %arg16[%swap3A_597, %swap3A_598, %swap3A_599], %mul3A_595 {strides = array<i32>} : memref<2x80x128xf32, #tpu.memory_space<vmem>>, vector<16xf32>,
        %get3A_601 = arith.constant 0 : i32
        %get3A_602 = arith.index_cast %get3A_601 : i32 to index
        %get3A_603 = arith.index_cast %scan3A_529 : i32 to index
        %get3A_604 = arith.constant 96 : index
        %get3A_605 = tpu.vector_load %arg16[%get3A_602, %get3A_603, %get3A_604] {strides = array<i32>} : memref<2x80x128xf32, #tpu.memory_space<vmem>>, vector<16xf32>,
        %mul3A_606 = arith.mulf %get3A_605, %gather3A_535 : vector<16xf32>
        %swap3A_607 = arith.constant 0 : i32
        %swap3A_608 = arith.index_cast %swap3A_607 : i32 to index
        %swap3A_609 = arith.index_cast %scan3A_529 : i32 to index
        %swap3A_610 = arith.constant 96 : index
        %swap3A_611 = tpu.vector_load %arg16[%swap3A_608, %swap3A_609, %swap3A_610] {strides = array<i32>} : memref<2x80x128xf32, #tpu.memory_space<vmem>>, vector<16xf32>,
        tpu.vector_store %arg16[%swap3A_608, %swap3A_609, %swap3A_610], %mul3A_606 {strides = array<i32>} : memref<2x80x128xf32, #tpu.memory_space<vmem>>, vector<16xf32>,
        %get3A_612 = arith.constant 0 : i32
        %get3A_613 = arith.index_cast %get3A_612 : i32 to index
        %get3A_614 = arith.index_cast %scan3A_529 : i32 to index
        %get3A_615 = arith.constant 112 : index
        %get3A_616 = tpu.vector_load %arg16[%get3A_613, %get3A_614, %get3A_615] {strides = array<i32>} : memref<2x80x128xf32, #tpu.memory_space<vmem>>, vector<16xf32>,
        %mul3A_617 = arith.mulf %get3A_616, %gather3A_535 : vector<16xf32>
        %swap3A_618 = arith.constant 0 : i32
        %swap3A_619 = arith.index_cast %swap3A_618 : i32 to index
        %swap3A_620 = arith.index_cast %scan3A_529 : i32 to index
        %swap3A_621 = arith.constant 112 : index
        %swap3A_622 = tpu.vector_load %arg16[%swap3A_619, %swap3A_620, %swap3A_621] {strides = array<i32>} : memref<2x80x128xf32, #tpu.memory_space<vmem>>, vector<16xf32>,
        tpu.vector_store %arg16[%swap3A_619, %swap3A_620, %swap3A_621], %mul3A_617 {strides = array<i32>} : memref<2x80x128xf32, #tpu.memory_space<vmem>>, vector<16xf32>,
        %scan3A_623 = arith.constant 0 : i32
        scf.yield %scan3A_623 : i32
      }
      %scan3A_369 = arith.constant 80 : i32
      %dma_start3A_370 = arith.constant 0 : i32
      %dma_start3A_371 = arith.constant 0 : i32
      %dma_start3A_372 = arith.constant 1 : i32
      %dma_start3A_373 = arith.constant 0 : i32
      %dma_start3A_374 = arith.constant 0 : i32
      %dma_start3A_375 = tpu.memref_slice %arg16[%dma_start3A_370, %dma_start3A_373, %dma_start3A_374] : memref<2x80x128xf32, #tpu.memory_space<vmem>> -> memref<1x80x128xf32, #tpu.memory_space<vmem>>
      %dma_start3A_376 = tpu.memref_squeeze %dma_start3A_375 : memref<1x80x128xf32, #tpu.memory_space<vmem>> -> memref<80x128xf32, #tpu.memory_space<vmem>>
      %dma_start3A_377 = arith.constant 0 : i32
      %dma_start3A_378 = tpu.memref_slice %arg10[%dma_start3A_371, %dma_start3A_372, %dma_start3A_377] : memref<2x2x80xi32, #tpu.memory_space<vmem>> -> memref<1x1x80xi32, #tpu.memory_space<vmem>>
      %dma_start3A_379 = tpu.memref_squeeze %dma_start3A_378 : memref<1x1x80xi32, #tpu.memory_space<vmem>> -> memref<80xi32, #tpu.memory_space<vmem>>
      %dma_start3A_380 = arith.constant 0 : i32
      %dma_start3A_381 = arith.constant 0 : i32
      %dma_start3A_382 = tpu.memref_slice %arg18[%dma_start3A_380, %dma_start3A_381] : memref<10240x128xf32, #tpu.memory_space<vmem_shared>> -> memref<10240x128xf32, #tpu.memory_space<vmem_shared>>
      tpu.enqueue_indirect_dma source(%dma_start3A_376 : memref<80x128xf32, #tpu.memory_space<vmem>>) target(%dma_start3A_382 : memref<10240x128xf32, #tpu.memory_space<vmem_shared>>) offsets(%dma_start3A_379 : memref<80xi32, #tpu.memory_space<vmem>>) semaphore(%arg26 : memref<!tpu.dma_semaphore, #tpu.memory_space<semaphore_mem>>) {add = true}
      %add3A_383 = arith.constant 1 : i32
      %add3A_384 = arith.addi %mul3A_259, %add3A_383 : i32
      %dma_wait3A_385 = arith.constant 1 : i32
      %dma_wait3A_386 = arith.constant 1 : i32
      %dma_wait3A_387 = arith.constant 0 : i32
      %dma_wait3A_388 = tpu.memref_slice %arg14[%dma_wait3A_386, %dma_wait3A_387] : memref<2x80xf32, #tpu.memory_space<vmem>> -> memref<1x80xf32, #tpu.memory_space<vmem>>
      %dma_wait3A_389 = tpu.memref_squeeze %dma_wait3A_388 : memref<1x80xf32, #tpu.memory_space<vmem>> -> memref<80xf32, #tpu.memory_space<vmem>>
      %dma_wait3A_390 = arith.constant 0 : i32
      %dma_wait3A_391 = tpu.memref_slice %arg11[%dma_wait3A_385, %dma_wait3A_390] : memref<2x80xi32, #tpu.memory_space<vmem>> -> memref<1x80xi32, #tpu.memory_space<vmem>>
      %dma_wait3A_392 = tpu.memref_squeeze %dma_wait3A_391 : memref<1x80xi32, #tpu.memory_space<vmem>> -> memref<80xi32, #tpu.memory_space<vmem>>
      %dma_wait3A_393 = arith.constant 0 : i32
      %dma_wait3A_394 = tpu.memref_slice %arg4[%dma_wait3A_393] : memref<20000xf32, #tpu.memory_space<hbm>> -> memref<20000xf32, #tpu.memory_space<hbm>>
      tpu.wait_indirect_dma semaphore(%arg21 : memref<!tpu.dma_semaphore, #tpu.memory_space<semaphore_mem>>) src(%dma_wait3A_394 : memref<20000xf32, #tpu.memory_space<hbm>>) dst(%dma_wait3A_389 : memref<80xf32, #tpu.memory_space<vmem>>)
      %dma_wait3A_395 = arith.constant 1 : i32
      %dma_wait3A_396 = arith.constant 1 : i32
      %dma_wait3A_397 = arith.constant 0 : i32
      %dma_wait3A_398 = tpu.memref_slice %arg15[%dma_wait3A_396, %dma_wait3A_397] : memref<2x80xf32, #tpu.memory_space<vmem>> -> memref<1x80xf32, #tpu.memory_space<vmem>>
      %dma_wait3A_399 = tpu.memref_squeeze %dma_wait3A_398 : memref<1x80xf32, #tpu.memory_space<vmem>> -> memref<80xf32, #tpu.memory_space<vmem>>
      %dma_wait3A_400 = arith.constant 0 : i32
      %dma_wait3A_401 = tpu.memref_slice %arg12[%dma_wait3A_395, %dma_wait3A_400] : memref<2x80xi32, #tpu.memory_space<vmem>> -> memref<1x80xi32, #tpu.memory_space<vmem>>
      %dma_wait3A_402 = tpu.memref_squeeze %dma_wait3A_401 : memref<1x80xi32, #tpu.memory_space<vmem>> -> memref<80xi32, #tpu.memory_space<vmem>>
      %dma_wait3A_403 = arith.constant 0 : i32
      %dma_wait3A_404 = tpu.memref_slice %arg5[%dma_wait3A_403] : memref<20000xf32, #tpu.memory_space<hbm>> -> memref<20000xf32, #tpu.memory_space<hbm>>
      tpu.wait_indirect_dma semaphore(%arg21 : memref<!tpu.dma_semaphore, #tpu.memory_space<semaphore_mem>>) src(%dma_wait3A_404 : memref<20000xf32, #tpu.memory_space<hbm>>) dst(%dma_wait3A_399 : memref<80xf32, #tpu.memory_space<vmem>>)
      %scan3A_405 = arith.constant 0 : i32
      %scan3A_406 = arith.constant 0 : i32
      %scan3A_407 = arith.constant 5 : i32
      %scan3A_408 = arith.addi %scan3A_406, %scan3A_407 : i32
      %scan3A_409 = arith.constant 1 : i32
      %scan3A_410 = scf.for %scan3A_529 = %scan3A_406 to %scan3A_408 step %scan3A_409 iter_args(%scan3A_530 = %scan3A_405) -> (i32)  : i32 {
        %mul3A_531 = arith.constant 16 : i32
        %mul3A_532 = arith.muli %scan3A_529, %mul3A_531 : i32
        %multiple_of3A_533 = tpu.assume_multiple %mul3A_532, 8 : i32
        %get3A_534 = arith.constant 1 : i32
        %get3A_535 = arith.index_cast %get3A_534 : i32 to index
        %get3A_536 = arith.index_cast %multiple_of3A_533 : i32 to index
        %get3A_537 = tpu.vector_load %arg14[%get3A_535, %get3A_536] {strides = array<i32>} : memref<2x80xf32, #tpu.memory_space<vmem>>, vector<16xf32>,
        %get3A_538 = arith.constant 1 : i32
        %get3A_539 = arith.index_cast %get3A_538 : i32 to index
        %get3A_540 = arith.index_cast %multiple_of3A_533 : i32 to index
        %get3A_541 = tpu.vector_load %arg15[%get3A_539, %get3A_540] {strides = array<i32>} : memref<2x80xf32, #tpu.memory_space<vmem>>, vector<16xf32>,
        %add3A_542 = arith.addf %get3A_537, %get3A_541 : vector<16xf32>
        %ge3A = arith.constant 0.000000e+00 : f32
        %ge3A_543 = vector.broadcast %ge3A : f32 to vector<16xf32>
        %ge3A_544 = arith.cmpf oge, %add3A_542, %ge3A_543 : vector<16xf32>
        %mul3A_545 = arith.constant 2.000000e-01 : f32
        %mul3A_546 = vector.broadcast %mul3A_545 : f32 to vector<16xf32>
        %mul3A_547 = arith.mulf %mul3A_546, %add3A_542 : vector<16xf32>
        %select_n3A = arith.select %ge3A_544, %add3A_542, %mul3A_547 : vector<16xi1>, vector<16xf32>
        %sub3A = arith.subf %select_n3A, %get3A_65 : vector<16xf32>
        %exp3A = math.exp %sub3A : vector<16xf32>
        %swap3A = arith.constant 1 : i32
        %swap3A_548 = arith.index_cast %swap3A : i32 to index
        %swap3A_549 = arith.index_cast %multiple_of3A_533 : i32 to index
        %swap3A_550 = tpu.vector_load %arg13[%swap3A_548, %swap3A_549] {strides = array<i32>} : memref<2x80xf32, #tpu.memory_space<vmem>>, vector<16xf32>,
        tpu.vector_store %arg13[%swap3A_548, %swap3A_549], %exp3A {strides = array<i32>} : memref<2x80xf32, #tpu.memory_space<vmem>>, vector<16xf32>,
        %scan3A_551 = arith.constant 0 : i32
        scf.yield %scan3A_551 : i32
      }
      %scan3A_411 = arith.constant 5 : i32
      %dma_wait3A_412 = arith.constant 0 : i32
      %dma_wait3A_413 = arith.constant 0 : i32
      %dma_wait3A_414 = arith.constant 1 : i32
      %dma_wait3A_415 = arith.constant 0 : i32
      %dma_wait3A_416 = tpu.memref_slice %arg13[%dma_wait3A_412, %dma_wait3A_415] : memref<2x80xf32, #tpu.memory_space<vmem>> -> memref<1x80xf32, #tpu.memory_space<vmem>>
      %dma_wait3A_417 = tpu.memref_squeeze %dma_wait3A_416 : memref<1x80xf32, #tpu.memory_space<vmem>> -> memref<80xf32, #tpu.memory_space<vmem>>
      %dma_wait3A_418 = arith.constant 0 : i32
      %dma_wait3A_419 = tpu.memref_slice %arg10[%dma_wait3A_413, %dma_wait3A_414, %dma_wait3A_418] : memref<2x2x80xi32, #tpu.memory_space<vmem>> -> memref<1x1x80xi32, #tpu.memory_space<vmem>>
      %dma_wait3A_420 = tpu.memref_squeeze %dma_wait3A_419 : memref<1x1x80xi32, #tpu.memory_space<vmem>> -> memref<80xi32, #tpu.memory_space<vmem>>
      %dma_wait3A_421 = arith.constant 0 : i32
      %dma_wait3A_422 = tpu.memref_slice %arg19[%dma_wait3A_421] : memref<10240xf32, #tpu.memory_space<vmem_shared>> -> memref<10240xf32, #tpu.memory_space<vmem_shared>>
      tpu.wait_indirect_dma semaphore(%arg24 : memref<!tpu.dma_semaphore, #tpu.memory_space<semaphore_mem>>) src(%dma_wait3A_417 : memref<80xf32, #tpu.memory_space<vmem>>) dst(%dma_wait3A_422 : memref<10240xf32, #tpu.memory_space<vmem_shared>>)
      %dma_wait3A_423 = arith.constant 0 : i32
      %dma_wait3A_424 = arith.constant 0 : i32
      %dma_wait3A_425 = arith.constant 1 : i32
      %dma_wait3A_426 = arith.constant 0 : i32
      %dma_wait3A_427 = arith.constant 0 : i32
      %dma_wait3A_428 = tpu.memref_slice %arg16[%dma_wait3A_423, %dma_wait3A_426, %dma_wait3A_427] : memref<2x80x128xf32, #tpu.memory_space<vmem>> -> memref<1x80x128xf32, #tpu.memory_space<vmem>>
      %dma_wait3A_429 = tpu.memref_squeeze %dma_wait3A_428 : memref<1x80x128xf32, #tpu.memory_space<vmem>> -> memref<80x128xf32, #tpu.memory_space<vmem>>
      %dma_wait3A_430 = arith.constant 0 : i32
      %dma_wait3A_431 = tpu.memref_slice %arg10[%dma_wait3A_424, %dma_wait3A_425, %dma_wait3A_430] : memref<2x2x80xi32, #tpu.memory_space<vmem>> -> memref<1x1x80xi32, #tpu.memory_space<vmem>>
      %dma_wait3A_432 = tpu.memref_squeeze %dma_wait3A_431 : memref<1x1x80xi32, #tpu.memory_space<vmem>> -> memref<80xi32, #tpu.memory_space<vmem>>
      %dma_wait3A_433 = arith.constant 0 : i32
      %dma_wait3A_434 = arith.constant 0 : i32
      %dma_wait3A_435 = tpu.memref_slice %arg18[%dma_wait3A_433, %dma_wait3A_434] : memref<10240x128xf32, #tpu.memory_space<vmem_shared>> -> memref<10240x128xf32, #tpu.memory_space<vmem_shared>>
      tpu.wait_indirect_dma semaphore(%arg26 : memref<!tpu.dma_semaphore, #tpu.memory_space<semaphore_mem>>) src(%dma_wait3A_429 : memref<80x128xf32, #tpu.memory_space<vmem>>) dst(%dma_wait3A_435 : memref<10240x128xf32, #tpu.memory_space<vmem_shared>>)
      %dma_start3A_436 = arith.constant 1 : i32
      %dma_start3A_437 = arith.constant 1 : i32
      %dma_start3A_438 = arith.constant 1 : i32
      %dma_start3A_439 = arith.constant 0 : i32
      %dma_start3A_440 = tpu.memref_slice %arg13[%dma_start3A_436, %dma_start3A_439] : memref<2x80xf32, #tpu.memory_space<vmem>> -> memref<1x80xf32, #tpu.memory_space<vmem>>
      %dma_start3A_441 = tpu.memref_squeeze %dma_start3A_440 : memref<1x80xf32, #tpu.memory_space<vmem>> -> memref<80xf32, #tpu.memory_space<vmem>>
      %dma_start3A_442 = arith.constant 0 : i32
      %dma_start3A_443 = tpu.memref_slice %arg10[%dma_start3A_437, %dma_start3A_438, %dma_start3A_442] : memref<2x2x80xi32, #tpu.memory_space<vmem>> -> memref<1x1x80xi32, #tpu.memory_space<vmem>>
      %dma_start3A_444 = tpu.memref_squeeze %dma_start3A_443 : memref<1x1x80xi32, #tpu.memory_space<vmem>> -> memref<80xi32, #tpu.memory_space<vmem>>
      %dma_start3A_445 = arith.constant 0 : i32
      %dma_start3A_446 = tpu.memref_slice %arg19[%dma_start3A_445] : memref<10240xf32, #tpu.memory_space<vmem_shared>> -> memref<10240xf32, #tpu.memory_space<vmem_shared>>
      tpu.enqueue_indirect_dma source(%dma_start3A_441 : memref<80xf32, #tpu.memory_space<vmem>>) target(%dma_start3A_446 : memref<10240xf32, #tpu.memory_space<vmem_shared>>) offsets(%dma_start3A_444 : memref<80xi32, #tpu.memory_space<vmem>>) semaphore(%arg25 : memref<!tpu.dma_semaphore, #tpu.memory_space<semaphore_mem>>) {add = true}
      %add3A_447 = arith.constant 1 : i32
      %add3A_448 = arith.addi %add3A_384, %add3A_447 : i32
      %mul3A_449 = arith.constant 80 : i32
      %mul3A_450 = arith.muli %add3A_448, %mul3A_449 : i32
      %add3A_451 = arith.addi %add3A_70, %mul3A_450 : i32
      %multiple_of3A_452 = tpu.assume_multiple %add3A_451, 8 : i32
      %run_scoped3A_453 = arith.constant 0 : i32
      %run_scoped3A_454 = arith.constant 0 : i32
      "tpu.region"() ({
        %run_scoped3A_529 = tpu.sem_alloc : memref<!tpu.dma_semaphore, #tpu.memory_space<semaphore_mem>>
        %dma_start3A_530 = arith.constant 0 : i32
        %dma_start3A_531 = tpu.memref_slice %arg10[%run_scoped3A_453, %run_scoped3A_454, %dma_start3A_530] : memref<2x2x80xi32, #tpu.memory_space<vmem>> -> memref<1x1x80xi32, #tpu.memory_space<vmem>>
        %dma_start3A_532 = tpu.memref_squeeze %dma_start3A_531 : memref<1x1x80xi32, #tpu.memory_space<vmem>> -> memref<80xi32, #tpu.memory_space<vmem>>
        %dma_start3A_533 = tpu.memref_slice %arg2[%multiple_of3A_452] : memref<320000xi32, #tpu.memory_space<hbm>> -> memref<80xi32, #tpu.memory_space<hbm>>
        %dma_start3A_534 = arith.constant 0 : i32
        %dma_start3A_535 = tpu.memref_slice %arg10[%run_scoped3A_453, %run_scoped3A_454, %dma_start3A_534] : memref<2x2x80xi32, #tpu.memory_space<vmem>> -> memref<1x1x80xi32, #tpu.memory_space<vmem>>
        %dma_start3A_536 = tpu.memref_squeeze %dma_start3A_535 : memref<1x1x80xi32, #tpu.memory_space<vmem>> -> memref<80xi32, #tpu.memory_space<vmem>>
        %dma_start3A_537 = tpu.memref_slice %arg2[%multiple_of3A_452] : memref<320000xi32, #tpu.memory_space<hbm>> -> memref<80xi32, #tpu.memory_space<hbm>>
        tpu.enqueue_dma source(%dma_start3A_537 : memref<80xi32, #tpu.memory_space<hbm>>) target(%dma_start3A_536 : memref<80xi32, #tpu.memory_space<vmem>>) target_semaphore(%run_scoped3A_529 : memref<!tpu.dma_semaphore, #tpu.memory_space<semaphore_mem>>)
        %dma_wait3A_538 = arith.constant 0 : i32
        %dma_wait3A_539 = tpu.memref_slice %arg10[%run_scoped3A_453, %run_scoped3A_454, %dma_wait3A_538] : memref<2x2x80xi32, #tpu.memory_space<vmem>> -> memref<1x1x80xi32, #tpu.memory_space<vmem>>
        %dma_wait3A_540 = tpu.memref_squeeze %dma_wait3A_539 : memref<1x1x80xi32, #tpu.memory_space<vmem>> -> memref<80xi32, #tpu.memory_space<vmem>>
        %dma_wait3A_541 = tpu.memref_slice %arg2[%multiple_of3A_452] : memref<320000xi32, #tpu.memory_space<hbm>> -> memref<80xi32, #tpu.memory_space<hbm>>
        %dma_wait3A_542 = arith.constant 0 : i32
        %dma_wait3A_543 = tpu.memref_slice %arg10[%run_scoped3A_453, %run_scoped3A_454, %dma_wait3A_542] : memref<2x2x80xi32, #tpu.memory_space<vmem>> -> memref<1x1x80xi32, #tpu.memory_space<vmem>>
        %dma_wait3A_544 = tpu.memref_squeeze %dma_wait3A_543 : memref<1x1x80xi32, #tpu.memory_space<vmem>> -> memref<80xi32, #tpu.memory_space<vmem>>
        %dma_wait3A_545 = tpu.memref_slice %arg2[%multiple_of3A_452] : memref<320000xi32, #tpu.memory_space<hbm>> -> memref<80xi32, #tpu.memory_space<hbm>>
        tpu.wait_dma2 semaphore(%run_scoped3A_529 : memref<!tpu.dma_semaphore, #tpu.memory_space<semaphore_mem>>) src(%dma_wait3A_545 : memref<80xi32, #tpu.memory_space<hbm>>) dst(%dma_wait3A_544 : memref<80xi32, #tpu.memory_space<vmem>>)
        tpu.yield
      }) : () -> ()
      %run_scoped3A_455 = arith.constant 0 : i32
      %run_scoped3A_456 = arith.constant 1 : i32
      "tpu.region"() ({
        %run_scoped3A_529 = tpu.sem_alloc : memref<!tpu.dma_semaphore, #tpu.memory_space<semaphore_mem>>
        %dma_start3A_530 = arith.constant 0 : i32
        %dma_start3A_531 = tpu.memref_slice %arg10[%run_scoped3A_455, %run_scoped3A_456, %dma_start3A_530] : memref<2x2x80xi32, #tpu.memory_space<vmem>> -> memref<1x1x80xi32, #tpu.memory_space<vmem>>
        %dma_start3A_532 = tpu.memref_squeeze %dma_start3A_531 : memref<1x1x80xi32, #tpu.memory_space<vmem>> -> memref<80xi32, #tpu.memory_space<vmem>>
        %dma_start3A_533 = tpu.memref_slice %arg3[%multiple_of3A_452] : memref<320000xi32, #tpu.memory_space<hbm>> -> memref<80xi32, #tpu.memory_space<hbm>>
        %dma_start3A_534 = arith.constant 0 : i32
        %dma_start3A_535 = tpu.memref_slice %arg10[%run_scoped3A_455, %run_scoped3A_456, %dma_start3A_534] : memref<2x2x80xi32, #tpu.memory_space<vmem>> -> memref<1x1x80xi32, #tpu.memory_space<vmem>>
        %dma_start3A_536 = tpu.memref_squeeze %dma_start3A_535 : memref<1x1x80xi32, #tpu.memory_space<vmem>> -> memref<80xi32, #tpu.memory_space<vmem>>
        %dma_start3A_537 = tpu.memref_slice %arg3[%multiple_of3A_452] : memref<320000xi32, #tpu.memory_space<hbm>> -> memref<80xi32, #tpu.memory_space<hbm>>
        tpu.enqueue_dma source(%dma_start3A_537 : memref<80xi32, #tpu.memory_space<hbm>>) target(%dma_start3A_536 : memref<80xi32, #tpu.memory_space<vmem>>) target_semaphore(%run_scoped3A_529 : memref<!tpu.dma_semaphore, #tpu.memory_space<semaphore_mem>>)
        %dma_wait3A_538 = arith.constant 0 : i32
        %dma_wait3A_539 = tpu.memref_slice %arg10[%run_scoped3A_455, %run_scoped3A_456, %dma_wait3A_538] : memref<2x2x80xi32, #tpu.memory_space<vmem>> -> memref<1x1x80xi32, #tpu.memory_space<vmem>>
        %dma_wait3A_540 = tpu.memref_squeeze %dma_wait3A_539 : memref<1x1x80xi32, #tpu.memory_space<vmem>> -> memref<80xi32, #tpu.memory_space<vmem>>
        %dma_wait3A_541 = tpu.memref_slice %arg3[%multiple_of3A_452] : memref<320000xi32, #tpu.memory_space<hbm>> -> memref<80xi32, #tpu.memory_space<hbm>>
        %dma_wait3A_542 = arith.constant 0 : i32
        %dma_wait3A_543 = tpu.memref_slice %arg10[%run_scoped3A_455, %run_scoped3A_456, %dma_wait3A_542] : memref<2x2x80xi32, #tpu.memory_space<vmem>> -> memref<1x1x80xi32, #tpu.memory_space<vmem>>
        %dma_wait3A_544 = tpu.memref_squeeze %dma_wait3A_543 : memref<1x1x80xi32, #tpu.memory_space<vmem>> -> memref<80xi32, #tpu.memory_space<vmem>>
        %dma_wait3A_545 = tpu.memref_slice %arg3[%multiple_of3A_452] : memref<320000xi32, #tpu.memory_space<hbm>> -> memref<80xi32, #tpu.memory_space<hbm>>
        tpu.wait_dma2 semaphore(%run_scoped3A_529 : memref<!tpu.dma_semaphore, #tpu.memory_space<semaphore_mem>>) src(%dma_wait3A_545 : memref<80xi32, #tpu.memory_space<hbm>>) dst(%dma_wait3A_544 : memref<80xi32, #tpu.memory_space<vmem>>)
        tpu.yield
      }) : () -> ()
      %scan3A_457 = arith.constant 0 : i32
      %scan3A_458 = arith.constant 0 : i32
      %scan3A_459 = arith.constant 5 : i32
      %scan3A_460 = arith.addi %scan3A_458, %scan3A_459 : i32
      %scan3A_461 = arith.constant 1 : i32
      %scan3A_462 = scf.for %scan3A_529 = %scan3A_458 to %scan3A_460 step %scan3A_461 iter_args(%scan3A_530 = %scan3A_457) -> (i32)  : i32 {
        %mul3A_531 = arith.constant 16 : i32
        %mul3A_532 = arith.muli %scan3A_529, %mul3A_531 : i32
        %multiple_of3A_533 = tpu.assume_multiple %mul3A_532, 8 : i32
        %get3A_534 = arith.constant 0 : i32
        %get3A_535 = arith.constant 0 : i32
        %get3A_536 = arith.index_cast %get3A_534 : i32 to index
        %get3A_537 = arith.index_cast %get3A_535 : i32 to index
        %get3A_538 = arith.index_cast %multiple_of3A_533 : i32 to index
        %get3A_539 = tpu.vector_load %arg10[%get3A_536, %get3A_537, %get3A_538] {strides = array<i32>} : memref<2x2x80xi32, #tpu.memory_space<vmem>>, vector<16xi32>,
        %add3A_540 = vector.broadcast %mul3A_72 : i32 to vector<16xi32>
        %add3A_541 = arith.addi %get3A_539, %add3A_540 : vector<16xi32>
        %swap3A = arith.constant 0 : i32
        %swap3A_542 = arith.index_cast %swap3A : i32 to index
        %swap3A_543 = arith.index_cast %multiple_of3A_533 : i32 to index
        %swap3A_544 = tpu.vector_load %arg11[%swap3A_542, %swap3A_543] {strides = array<i32>} : memref<2x80xi32, #tpu.memory_space<vmem>>, vector<16xi32>,
        tpu.vector_store %arg11[%swap3A_542, %swap3A_543], %add3A_541 {strides = array<i32>} : memref<2x80xi32, #tpu.memory_space<vmem>>, vector<16xi32>,
        %get3A_545 = arith.constant 0 : i32
        %get3A_546 = arith.constant 1 : i32
        %get3A_547 = arith.index_cast %get3A_545 : i32 to index
        %get3A_548 = arith.index_cast %get3A_546 : i32 to index
        %get3A_549 = arith.index_cast %multiple_of3A_533 : i32 to index
        %get3A_550 = tpu.vector_load %arg10[%get3A_547, %get3A_548, %get3A_549] {strides = array<i32>} : memref<2x2x80xi32, #tpu.memory_space<vmem>>, vector<16xi32>,
        %add3A_551 = vector.broadcast %mul3A_72 : i32 to vector<16xi32>
        %add3A_552 = arith.addi %get3A_550, %add3A_551 : vector<16xi32>
        %swap3A_553 = arith.constant 0 : i32
        %swap3A_554 = arith.index_cast %swap3A_553 : i32 to index
        %swap3A_555 = arith.index_cast %multiple_of3A_533 : i32 to index
        %swap3A_556 = tpu.vector_load %arg12[%swap3A_554, %swap3A_555] {strides = array<i32>} : memref<2x80xi32, #tpu.memory_space<vmem>>, vector<16xi32>,
        tpu.vector_store %arg12[%swap3A_554, %swap3A_555], %add3A_552 {strides = array<i32>} : memref<2x80xi32, #tpu.memory_space<vmem>>, vector<16xi32>,
        %scan3A_557 = arith.constant 0 : i32
        scf.yield %scan3A_557 : i32
      }
      %scan3A_463 = arith.constant 5 : i32
      %dma_start3A_464 = arith.constant 0 : i32
      %dma_start3A_465 = arith.constant 0 : i32
      %dma_start3A_466 = arith.constant 0 : i32
      %dma_start3A_467 = tpu.memref_slice %arg14[%dma_start3A_465, %dma_start3A_466] : memref<2x80xf32, #tpu.memory_space<vmem>> -> memref<1x80xf32, #tpu.memory_space<vmem>>
      %dma_start3A_468 = tpu.memref_squeeze %dma_start3A_467 : memref<1x80xf32, #tpu.memory_space<vmem>> -> memref<80xf32, #tpu.memory_space<vmem>>
      %dma_start3A_469 = arith.constant 0 : i32
      %dma_start3A_470 = tpu.memref_slice %arg11[%dma_start3A_464, %dma_start3A_469] : memref<2x80xi32, #tpu.memory_space<vmem>> -> memref<1x80xi32, #tpu.memory_space<vmem>>
      %dma_start3A_471 = tpu.memref_squeeze %dma_start3A_470 : memref<1x80xi32, #tpu.memory_space<vmem>> -> memref<80xi32, #tpu.memory_space<vmem>>
      %dma_start3A_472 = arith.constant 0 : i32
      %dma_start3A_473 = tpu.memref_slice %arg4[%dma_start3A_472] : memref<20000xf32, #tpu.memory_space<hbm>> -> memref<20000xf32, #tpu.memory_space<hbm>>
      tpu.enqueue_indirect_dma source(%dma_start3A_473 : memref<20000xf32, #tpu.memory_space<hbm>>) target(%dma_start3A_468 : memref<80xf32, #tpu.memory_space<vmem>>) offsets(%dma_start3A_471 : memref<80xi32, #tpu.memory_space<vmem>>) semaphore(%arg20 : memref<!tpu.dma_semaphore, #tpu.memory_space<semaphore_mem>>)
      %dma_start3A_474 = arith.constant 0 : i32
      %dma_start3A_475 = arith.constant 0 : i32
      %dma_start3A_476 = arith.constant 0 : i32
      %dma_start3A_477 = tpu.memref_slice %arg15[%dma_start3A_475, %dma_start3A_476] : memref<2x80xf32, #tpu.memory_space<vmem>> -> memref<1x80xf32, #tpu.memory_space<vmem>>
      %dma_start3A_478 = tpu.memref_squeeze %dma_start3A_477 : memref<1x80xf32, #tpu.memory_space<vmem>> -> memref<80xf32, #tpu.memory_space<vmem>>
      %dma_start3A_479 = arith.constant 0 : i32
      %dma_start3A_480 = tpu.memref_slice %arg12[%dma_start3A_474, %dma_start3A_479] : memref<2x80xi32, #tpu.memory_space<vmem>> -> memref<1x80xi32, #tpu.memory_space<vmem>>
      %dma_start3A_481 = tpu.memref_squeeze %dma_start3A_480 : memref<1x80xi32, #tpu.memory_space<vmem>> -> memref<80xi32, #tpu.memory_space<vmem>>
      %dma_start3A_482 = arith.constant 0 : i32
      %dma_start3A_483 = tpu.memref_slice %arg5[%dma_start3A_482] : memref<20000xf32, #tpu.memory_space<hbm>> -> memref<20000xf32, #tpu.memory_space<hbm>>
      tpu.enqueue_indirect_dma source(%dma_start3A_483 : memref<20000xf32, #tpu.memory_space<hbm>>) target(%dma_start3A_478 : memref<80xf32, #tpu.memory_space<vmem>>) offsets(%dma_start3A_481 : memref<80xi32, #tpu.memory_space<vmem>>) semaphore(%arg20 : memref<!tpu.dma_semaphore, #tpu.memory_space<semaphore_mem>>)
      %dma_start3A_484 = arith.constant 0 : i32
      %dma_start3A_485 = arith.constant 0 : i32
      %dma_start3A_486 = arith.constant 0 : i32
      %dma_start3A_487 = arith.constant 0 : i32
      %dma_start3A_488 = tpu.memref_slice %arg16[%dma_start3A_485, %dma_start3A_486, %dma_start3A_487] : memref<2x80x128xf32, #tpu.memory_space<vmem>> -> memref<1x80x128xf32, #tpu.memory_space<vmem>>
      %dma_start3A_489 = tpu.memref_squeeze %dma_start3A_488 : memref<1x80x128xf32, #tpu.memory_space<vmem>> -> memref<80x128xf32, #tpu.memory_space<vmem>>
      %dma_start3A_490 = arith.constant 0 : i32
      %dma_start3A_491 = tpu.memref_slice %arg11[%dma_start3A_484, %dma_start3A_490] : memref<2x80xi32, #tpu.memory_space<vmem>> -> memref<1x80xi32, #tpu.memory_space<vmem>>
      %dma_start3A_492 = tpu.memref_squeeze %dma_start3A_491 : memref<1x80xi32, #tpu.memory_space<vmem>> -> memref<80xi32, #tpu.memory_space<vmem>>
      %dma_start3A_493 = arith.constant 0 : i32
      %dma_start3A_494 = arith.constant 0 : i32
      %dma_start3A_495 = tpu.memref_slice %arg7[%dma_start3A_493, %dma_start3A_494] : memref<20000x128xf32, #tpu.memory_space<hbm>> -> memref<20000x128xf32, #tpu.memory_space<hbm>>
      tpu.enqueue_indirect_dma source(%dma_start3A_495 : memref<20000x128xf32, #tpu.memory_space<hbm>>) target(%dma_start3A_489 : memref<80x128xf32, #tpu.memory_space<vmem>>) offsets(%dma_start3A_492 : memref<80xi32, #tpu.memory_space<vmem>>) semaphore(%arg22 : memref<!tpu.dma_semaphore, #tpu.memory_space<semaphore_mem>>)
      %dma_wait3A_496 = arith.constant 1 : i32
      %dma_wait3A_497 = arith.constant 1 : i32
      %dma_wait3A_498 = arith.constant 0 : i32
      %dma_wait3A_499 = arith.constant 0 : i32
      %dma_wait3A_500 = tpu.memref_slice %arg16[%dma_wait3A_497, %dma_wait3A_498, %dma_wait3A_499] : memref<2x80x128xf32, #tpu.memory_space<vmem>> -> memref<1x80x128xf32, #tpu.memory_space<vmem>>
      %dma_wait3A_501 = tpu.memref_squeeze %dma_wait3A_500 : memref<1x80x128xf32, #tpu.memory_space<vmem>> -> memref<80x128xf32, #tpu.memory_space<vmem>>
      %dma_wait3A_502 = arith.constant 0 : i32
      %dma_wait3A_503 = tpu.memref_slice %arg11[%dma_wait3A_496, %dma_wait3A_502] : memref<2x80xi32, #tpu.memory_space<vmem>> -> memref<1x80xi32, #tpu.memory_space<vmem>>
      %dma_wait3A_504 = tpu.memref_squeeze %dma_wait3A_503 : memref<1x80xi32, #tpu.memory_space<vmem>> -> memref<80xi32, #tpu.memory_space<vmem>>
      %dma_wait3A_505 = arith.constant 0 : i32
      %dma_wait3A_506 = arith.constant 0 : i32
      %dma_wait3A_507 = tpu.memref_slice %arg7[%dma_wait3A_505, %dma_wait3A_506] : memref<20000x128xf32, #tpu.memory_space<hbm>> -> memref<20000x128xf32, #tpu.memory_space<hbm>>
      tpu.wait_indirect_dma semaphore(%arg23 : memref<!tpu.dma_semaphore, #tpu.memory_space<semaphore_mem>>) src(%dma_wait3A_507 : memref<20000x128xf32, #tpu.memory_space<hbm>>) dst(%dma_wait3A_501 : memref<80x128xf32, #tpu.memory_space<vmem>>)
      %scan3A_508 = arith.constant 0 : i32
      %scan3A_509 = arith.constant 0 : i32
      %scan3A_510 = arith.constant 80 : i32
      %scan3A_511 = arith.addi %scan3A_509, %scan3A_510 : i32
      %scan3A_512 = arith.constant 1 : i32
      %scan3A_513 = scf.for %scan3A_529 = %scan3A_509 to %scan3A_511 step %scan3A_512 iter_args(%scan3A_530 = %scan3A_508) -> (i32)  : i32 {
        %broadcast_in_dim3A_531 = vector.broadcast %scan3A_529 : i32 to vector<16xi32>
        %gather3A = arith.constant 1 : i32
        %gather3A_532 = arith.constant 0 : i32
        %gather3A_533 = tpu.memref_slice %arg13[%gather3A, %gather3A_532] : memref<2x80xf32, #tpu.memory_space<vmem>> -> memref<1x80xf32, #tpu.memory_space<vmem>>
        %gather3A_534 = tpu.memref_squeeze %gather3A_533 : memref<1x80xf32, #tpu.memory_space<vmem>> -> memref<80xf32, #tpu.memory_space<vmem>>
        %gather3A_535 = tpu.vector_load_idx %gather3A_534[%broadcast_in_dim3A_531] : memref<80xf32, #tpu.memory_space<vmem>>[vector<16xi32>], vector<16xf32>,
        %get3A_536 = arith.constant 1 : i32
        %get3A_537 = arith.index_cast %get3A_536 : i32 to index
        %get3A_538 = arith.index_cast %scan3A_529 : i32 to index
        %get3A_539 = arith.constant 0 : index
        %get3A_540 = tpu.vector_load %arg16[%get3A_537, %get3A_538, %get3A_539] {strides = array<i32>} : memref<2x80x128xf32, #tpu.memory_space<vmem>>, vector<16xf32>,
        %mul3A_541 = arith.mulf %get3A_540, %gather3A_535 : vector<16xf32>
        %swap3A = arith.constant 1 : i32
        %swap3A_542 = arith.index_cast %swap3A : i32 to index
        %swap3A_543 = arith.index_cast %scan3A_529 : i32 to index
        %swap3A_544 = arith.constant 0 : index
        %swap3A_545 = tpu.vector_load %arg16[%swap3A_542, %swap3A_543, %swap3A_544] {strides = array<i32>} : memref<2x80x128xf32, #tpu.memory_space<vmem>>, vector<16xf32>,
        tpu.vector_store %arg16[%swap3A_542, %swap3A_543, %swap3A_544], %mul3A_541 {strides = array<i32>} : memref<2x80x128xf32, #tpu.memory_space<vmem>>, vector<16xf32>,
        %get3A_546 = arith.constant 1 : i32
        %get3A_547 = arith.index_cast %get3A_546 : i32 to index
        %get3A_548 = arith.index_cast %scan3A_529 : i32 to index
        %get3A_549 = arith.constant 16 : index
        %get3A_550 = tpu.vector_load %arg16[%get3A_547, %get3A_548, %get3A_549] {strides = array<i32>} : memref<2x80x128xf32, #tpu.memory_space<vmem>>, vector<16xf32>,
        %mul3A_551 = arith.mulf %get3A_550, %gather3A_535 : vector<16xf32>
        %swap3A_552 = arith.constant 1 : i32
        %swap3A_553 = arith.index_cast %swap3A_552 : i32 to index
        %swap3A_554 = arith.index_cast %scan3A_529 : i32 to index
        %swap3A_555 = arith.constant 16 : index
        %swap3A_556 = tpu.vector_load %arg16[%swap3A_553, %swap3A_554, %swap3A_555] {strides = array<i32>} : memref<2x80x128xf32, #tpu.memory_space<vmem>>, vector<16xf32>,
        tpu.vector_store %arg16[%swap3A_553, %swap3A_554, %swap3A_555], %mul3A_551 {strides = array<i32>} : memref<2x80x128xf32, #tpu.memory_space<vmem>>, vector<16xf32>,
        %get3A_557 = arith.constant 1 : i32
        %get3A_558 = arith.index_cast %get3A_557 : i32 to index
        %get3A_559 = arith.index_cast %scan3A_529 : i32 to index
        %get3A_560 = arith.constant 32 : index
        %get3A_561 = tpu.vector_load %arg16[%get3A_558, %get3A_559, %get3A_560] {strides = array<i32>} : memref<2x80x128xf32, #tpu.memory_space<vmem>>, vector<16xf32>,
        %mul3A_562 = arith.mulf %get3A_561, %gather3A_535 : vector<16xf32>
        %swap3A_563 = arith.constant 1 : i32
        %swap3A_564 = arith.index_cast %swap3A_563 : i32 to index
        %swap3A_565 = arith.index_cast %scan3A_529 : i32 to index
        %swap3A_566 = arith.constant 32 : index
        %swap3A_567 = tpu.vector_load %arg16[%swap3A_564, %swap3A_565, %swap3A_566] {strides = array<i32>} : memref<2x80x128xf32, #tpu.memory_space<vmem>>, vector<16xf32>,
        tpu.vector_store %arg16[%swap3A_564, %swap3A_565, %swap3A_566], %mul3A_562 {strides = array<i32>} : memref<2x80x128xf32, #tpu.memory_space<vmem>>, vector<16xf32>,
        %get3A_568 = arith.constant 1 : i32
        %get3A_569 = arith.index_cast %get3A_568 : i32 to index
        %get3A_570 = arith.index_cast %scan3A_529 : i32 to index
        %get3A_571 = arith.constant 48 : index
        %get3A_572 = tpu.vector_load %arg16[%get3A_569, %get3A_570, %get3A_571] {strides = array<i32>} : memref<2x80x128xf32, #tpu.memory_space<vmem>>, vector<16xf32>,
        %mul3A_573 = arith.mulf %get3A_572, %gather3A_535 : vector<16xf32>
        %swap3A_574 = arith.constant 1 : i32
        %swap3A_575 = arith.index_cast %swap3A_574 : i32 to index
        %swap3A_576 = arith.index_cast %scan3A_529 : i32 to index
        %swap3A_577 = arith.constant 48 : index
        %swap3A_578 = tpu.vector_load %arg16[%swap3A_575, %swap3A_576, %swap3A_577] {strides = array<i32>} : memref<2x80x128xf32, #tpu.memory_space<vmem>>, vector<16xf32>,
        tpu.vector_store %arg16[%swap3A_575, %swap3A_576, %swap3A_577], %mul3A_573 {strides = array<i32>} : memref<2x80x128xf32, #tpu.memory_space<vmem>>, vector<16xf32>,
        %get3A_579 = arith.constant 1 : i32
        %get3A_580 = arith.index_cast %get3A_579 : i32 to index
        %get3A_581 = arith.index_cast %scan3A_529 : i32 to index
        %get3A_582 = arith.constant 64 : index
        %get3A_583 = tpu.vector_load %arg16[%get3A_580, %get3A_581, %get3A_582] {strides = array<i32>} : memref<2x80x128xf32, #tpu.memory_space<vmem>>, vector<16xf32>,
        %mul3A_584 = arith.mulf %get3A_583, %gather3A_535 : vector<16xf32>
        %swap3A_585 = arith.constant 1 : i32
        %swap3A_586 = arith.index_cast %swap3A_585 : i32 to index
        %swap3A_587 = arith.index_cast %scan3A_529 : i32 to index
        %swap3A_588 = arith.constant 64 : index
        %swap3A_589 = tpu.vector_load %arg16[%swap3A_586, %swap3A_587, %swap3A_588] {strides = array<i32>} : memref<2x80x128xf32, #tpu.memory_space<vmem>>, vector<16xf32>,
        tpu.vector_store %arg16[%swap3A_586, %swap3A_587, %swap3A_588], %mul3A_584 {strides = array<i32>} : memref<2x80x128xf32, #tpu.memory_space<vmem>>, vector<16xf32>,
        %get3A_590 = arith.constant 1 : i32
        %get3A_591 = arith.index_cast %get3A_590 : i32 to index
        %get3A_592 = arith.index_cast %scan3A_529 : i32 to index
        %get3A_593 = arith.constant 80 : index
        %get3A_594 = tpu.vector_load %arg16[%get3A_591, %get3A_592, %get3A_593] {strides = array<i32>} : memref<2x80x128xf32, #tpu.memory_space<vmem>>, vector<16xf32>,
        %mul3A_595 = arith.mulf %get3A_594, %gather3A_535 : vector<16xf32>
        %swap3A_596 = arith.constant 1 : i32
        %swap3A_597 = arith.index_cast %swap3A_596 : i32 to index
        %swap3A_598 = arith.index_cast %scan3A_529 : i32 to index
        %swap3A_599 = arith.constant 80 : index
        %swap3A_600 = tpu.vector_load %arg16[%swap3A_597, %swap3A_598, %swap3A_599] {strides = array<i32>} : memref<2x80x128xf32, #tpu.memory_space<vmem>>, vector<16xf32>,
        tpu.vector_store %arg16[%swap3A_597, %swap3A_598, %swap3A_599], %mul3A_595 {strides = array<i32>} : memref<2x80x128xf32, #tpu.memory_space<vmem>>, vector<16xf32>,
        %get3A_601 = arith.constant 1 : i32
        %get3A_602 = arith.index_cast %get3A_601 : i32 to index
        %get3A_603 = arith.index_cast %scan3A_529 : i32 to index
        %get3A_604 = arith.constant 96 : index
        %get3A_605 = tpu.vector_load %arg16[%get3A_602, %get3A_603, %get3A_604] {strides = array<i32>} : memref<2x80x128xf32, #tpu.memory_space<vmem>>, vector<16xf32>,
        %mul3A_606 = arith.mulf %get3A_605, %gather3A_535 : vector<16xf32>
        %swap3A_607 = arith.constant 1 : i32
        %swap3A_608 = arith.index_cast %swap3A_607 : i32 to index
        %swap3A_609 = arith.index_cast %scan3A_529 : i32 to index
        %swap3A_610 = arith.constant 96 : index
        %swap3A_611 = tpu.vector_load %arg16[%swap3A_608, %swap3A_609, %swap3A_610] {strides = array<i32>} : memref<2x80x128xf32, #tpu.memory_space<vmem>>, vector<16xf32>,
        tpu.vector_store %arg16[%swap3A_608, %swap3A_609, %swap3A_610], %mul3A_606 {strides = array<i32>} : memref<2x80x128xf32, #tpu.memory_space<vmem>>, vector<16xf32>,
        %get3A_612 = arith.constant 1 : i32
        %get3A_613 = arith.index_cast %get3A_612 : i32 to index
        %get3A_614 = arith.index_cast %scan3A_529 : i32 to index
        %get3A_615 = arith.constant 112 : index
        %get3A_616 = tpu.vector_load %arg16[%get3A_613, %get3A_614, %get3A_615] {strides = array<i32>} : memref<2x80x128xf32, #tpu.memory_space<vmem>>, vector<16xf32>,
        %mul3A_617 = arith.mulf %get3A_616, %gather3A_535 : vector<16xf32>
        %swap3A_618 = arith.constant 1 : i32
        %swap3A_619 = arith.index_cast %swap3A_618 : i32 to index
        %swap3A_620 = arith.index_cast %scan3A_529 : i32 to index
        %swap3A_621 = arith.constant 112 : index
        %swap3A_622 = tpu.vector_load %arg16[%swap3A_619, %swap3A_620, %swap3A_621] {strides = array<i32>} : memref<2x80x128xf32, #tpu.memory_space<vmem>>, vector<16xf32>,
        tpu.vector_store %arg16[%swap3A_619, %swap3A_620, %swap3A_621], %mul3A_617 {strides = array<i32>} : memref<2x80x128xf32, #tpu.memory_space<vmem>>, vector<16xf32>,
        %scan3A_623 = arith.constant 0 : i32
        scf.yield %scan3A_623 : i32
      }
      %scan3A_514 = arith.constant 80 : i32
      %dma_start3A_515 = arith.constant 1 : i32
      %dma_start3A_516 = arith.constant 1 : i32
      %dma_start3A_517 = arith.constant 1 : i32
      %dma_start3A_518 = arith.constant 0 : i32
      %dma_start3A_519 = arith.constant 0 : i32
      %dma_start3A_520 = tpu.memref_slice %arg16[%dma_start3A_515, %dma_start3A_518, %dma_start3A_519] : memref<2x80x128xf32, #tpu.memory_space<vmem>> -> memref<1x80x128xf32, #tpu.memory_space<vmem>>
      %dma_start3A_521 = tpu.memref_squeeze %dma_start3A_520 : memref<1x80x128xf32, #tpu.memory_space<vmem>> -> memref<80x128xf32, #tpu.memory_space<vmem>>
      %dma_start3A_522 = arith.constant 0 : i32
      %dma_start3A_523 = tpu.memref_slice %arg10[%dma_start3A_516, %dma_start3A_517, %dma_start3A_522] : memref<2x2x80xi32, #tpu.memory_space<vmem>> -> memref<1x1x80xi32, #tpu.memory_space<vmem>>
      %dma_start3A_524 = tpu.memref_squeeze %dma_start3A_523 : memref<1x1x80xi32, #tpu.memory_space<vmem>> -> memref<80xi32, #tpu.memory_space<vmem>>
      %dma_start3A_525 = arith.constant 0 : i32
      %dma_start3A_526 = arith.constant 0 : i32
      %dma_start3A_527 = tpu.memref_slice %arg18[%dma_start3A_525, %dma_start3A_526] : memref<10240x128xf32, #tpu.memory_space<vmem_shared>> -> memref<10240x128xf32, #tpu.memory_space<vmem_shared>>
      tpu.enqueue_indirect_dma source(%dma_start3A_521 : memref<80x128xf32, #tpu.memory_space<vmem>>) target(%dma_start3A_527 : memref<10240x128xf32, #tpu.memory_space<vmem_shared>>) offsets(%dma_start3A_524 : memref<80xi32, #tpu.memory_space<vmem>>) semaphore(%arg27 : memref<!tpu.dma_semaphore, #tpu.memory_space<semaphore_mem>>) {add = true}
      %scan3A_528 = arith.constant 0 : i32
      scf.yield %scan3A_528 : i32
    }
    %scan3A_124 = arith.constant 62 : i32
    %dma_wait3A = arith.constant 0 : i32
    %dma_wait3A_125 = arith.constant 0 : i32
    %dma_wait3A_126 = arith.constant 0 : i32
    %dma_wait3A_127 = tpu.memref_slice %arg14[%dma_wait3A_125, %dma_wait3A_126] : memref<2x80xf32, #tpu.memory_space<vmem>> -> memref<1x80xf32, #tpu.memory_space<vmem>>
    %dma_wait3A_128 = tpu.memref_squeeze %dma_wait3A_127 : memref<1x80xf32, #tpu.memory_space<vmem>> -> memref<80xf32, #tpu.memory_space<vmem>>
    %dma_wait3A_129 = arith.constant 0 : i32
    %dma_wait3A_130 = tpu.memref_slice %arg11[%dma_wait3A, %dma_wait3A_129] : memref<2x80xi32, #tpu.memory_space<vmem>> -> memref<1x80xi32, #tpu.memory_space<vmem>>
    %dma_wait3A_131 = tpu.memref_squeeze %dma_wait3A_130 : memref<1x80xi32, #tpu.memory_space<vmem>> -> memref<80xi32, #tpu.memory_space<vmem>>
    %dma_wait3A_132 = arith.constant 0 : i32
    %dma_wait3A_133 = tpu.memref_slice %arg4[%dma_wait3A_132] : memref<20000xf32, #tpu.memory_space<hbm>> -> memref<20000xf32, #tpu.memory_space<hbm>>
    tpu.wait_indirect_dma semaphore(%arg20 : memref<!tpu.dma_semaphore, #tpu.memory_space<semaphore_mem>>) src(%dma_wait3A_133 : memref<20000xf32, #tpu.memory_space<hbm>>) dst(%dma_wait3A_128 : memref<80xf32, #tpu.memory_space<vmem>>)
    %dma_wait3A_134 = arith.constant 0 : i32
    %dma_wait3A_135 = arith.constant 0 : i32
    %dma_wait3A_136 = arith.constant 0 : i32
    %dma_wait3A_137 = tpu.memref_slice %arg15[%dma_wait3A_135, %dma_wait3A_136] : memref<2x80xf32, #tpu.memory_space<vmem>> -> memref<1x80xf32, #tpu.memory_space<vmem>>
    %dma_wait3A_138 = tpu.memref_squeeze %dma_wait3A_137 : memref<1x80xf32, #tpu.memory_space<vmem>> -> memref<80xf32, #tpu.memory_space<vmem>>
    %dma_wait3A_139 = arith.constant 0 : i32
    %dma_wait3A_140 = tpu.memref_slice %arg12[%dma_wait3A_134, %dma_wait3A_139] : memref<2x80xi32, #tpu.memory_space<vmem>> -> memref<1x80xi32, #tpu.memory_space<vmem>>
    %dma_wait3A_141 = tpu.memref_squeeze %dma_wait3A_140 : memref<1x80xi32, #tpu.memory_space<vmem>> -> memref<80xi32, #tpu.memory_space<vmem>>
    %dma_wait3A_142 = arith.constant 0 : i32
    %dma_wait3A_143 = tpu.memref_slice %arg5[%dma_wait3A_142] : memref<20000xf32, #tpu.memory_space<hbm>> -> memref<20000xf32, #tpu.memory_space<hbm>>
    tpu.wait_indirect_dma semaphore(%arg20 : memref<!tpu.dma_semaphore, #tpu.memory_space<semaphore_mem>>) src(%dma_wait3A_143 : memref<20000xf32, #tpu.memory_space<hbm>>) dst(%dma_wait3A_138 : memref<80xf32, #tpu.memory_space<vmem>>)
    %scan3A_144 = arith.constant 0 : i32
    %scan3A_145 = arith.constant 0 : i32
    %scan3A_146 = arith.constant 5 : i32
    %scan3A_147 = arith.addi %scan3A_145, %scan3A_146 : i32
    %scan3A_148 = arith.constant 1 : i32
    %scan3A_149 = scf.for %scan3A_256 = %scan3A_145 to %scan3A_147 step %scan3A_148 iter_args(%scan3A_257 = %scan3A_144) -> (i32)  : i32 {
      %mul3A_258 = arith.constant 16 : i32
      %mul3A_259 = arith.muli %scan3A_256, %mul3A_258 : i32
      %multiple_of3A_260 = tpu.assume_multiple %mul3A_259, 8 : i32
      %get3A_261 = arith.constant 0 : i32
      %get3A_262 = arith.index_cast %get3A_261 : i32 to index
      %get3A_263 = arith.index_cast %multiple_of3A_260 : i32 to index
      %get3A_264 = tpu.vector_load %arg14[%get3A_262, %get3A_263] {strides = array<i32>} : memref<2x80xf32, #tpu.memory_space<vmem>>, vector<16xf32>,
      %get3A_265 = arith.constant 0 : i32
      %get3A_266 = arith.index_cast %get3A_265 : i32 to index
      %get3A_267 = arith.index_cast %multiple_of3A_260 : i32 to index
      %get3A_268 = tpu.vector_load %arg15[%get3A_266, %get3A_267] {strides = array<i32>} : memref<2x80xf32, #tpu.memory_space<vmem>>, vector<16xf32>,
      %add3A_269 = arith.addf %get3A_264, %get3A_268 : vector<16xf32>
      %ge3A = arith.constant 0.000000e+00 : f32
      %ge3A_270 = vector.broadcast %ge3A : f32 to vector<16xf32>
      %ge3A_271 = arith.cmpf oge, %add3A_269, %ge3A_270 : vector<16xf32>
      %mul3A_272 = arith.constant 2.000000e-01 : f32
      %mul3A_273 = vector.broadcast %mul3A_272 : f32 to vector<16xf32>
      %mul3A_274 = arith.mulf %mul3A_273, %add3A_269 : vector<16xf32>
      %select_n3A = arith.select %ge3A_271, %add3A_269, %mul3A_274 : vector<16xi1>, vector<16xf32>
      %sub3A = arith.subf %select_n3A, %get3A_65 : vector<16xf32>
      %exp3A = math.exp %sub3A : vector<16xf32>
      %swap3A = arith.constant 0 : i32
      %swap3A_275 = arith.index_cast %swap3A : i32 to index
      %swap3A_276 = arith.index_cast %multiple_of3A_260 : i32 to index
      %swap3A_277 = tpu.vector_load %arg13[%swap3A_275, %swap3A_276] {strides = array<i32>} : memref<2x80xf32, #tpu.memory_space<vmem>>, vector<16xf32>,
      tpu.vector_store %arg13[%swap3A_275, %swap3A_276], %exp3A {strides = array<i32>} : memref<2x80xf32, #tpu.memory_space<vmem>>, vector<16xf32>,
      %scan3A_278 = arith.constant 0 : i32
      scf.yield %scan3A_278 : i32
    }
    %scan3A_150 = arith.constant 5 : i32
    %dma_wait3A_151 = arith.constant 1 : i32
    %dma_wait3A_152 = arith.constant 1 : i32
    %dma_wait3A_153 = arith.constant 1 : i32
    %dma_wait3A_154 = arith.constant 0 : i32
    %dma_wait3A_155 = tpu.memref_slice %arg13[%dma_wait3A_151, %dma_wait3A_154] : memref<2x80xf32, #tpu.memory_space<vmem>> -> memref<1x80xf32, #tpu.memory_space<vmem>>
    %dma_wait3A_156 = tpu.memref_squeeze %dma_wait3A_155 : memref<1x80xf32, #tpu.memory_space<vmem>> -> memref<80xf32, #tpu.memory_space<vmem>>
    %dma_wait3A_157 = arith.constant 0 : i32
    %dma_wait3A_158 = tpu.memref_slice %arg10[%dma_wait3A_152, %dma_wait3A_153, %dma_wait3A_157] : memref<2x2x80xi32, #tpu.memory_space<vmem>> -> memref<1x1x80xi32, #tpu.memory_space<vmem>>
    %dma_wait3A_159 = tpu.memref_squeeze %dma_wait3A_158 : memref<1x1x80xi32, #tpu.memory_space<vmem>> -> memref<80xi32, #tpu.memory_space<vmem>>
    %dma_wait3A_160 = arith.constant 0 : i32
    %dma_wait3A_161 = tpu.memref_slice %arg19[%dma_wait3A_160] : memref<10240xf32, #tpu.memory_space<vmem_shared>> -> memref<10240xf32, #tpu.memory_space<vmem_shared>>
    tpu.wait_indirect_dma semaphore(%arg25 : memref<!tpu.dma_semaphore, #tpu.memory_space<semaphore_mem>>) src(%dma_wait3A_156 : memref<80xf32, #tpu.memory_space<vmem>>) dst(%dma_wait3A_161 : memref<10240xf32, #tpu.memory_space<vmem_shared>>)
    %dma_wait3A_162 = arith.constant 1 : i32
    %dma_wait3A_163 = arith.constant 1 : i32
    %dma_wait3A_164 = arith.constant 1 : i32
    %dma_wait3A_165 = arith.constant 0 : i32
    %dma_wait3A_166 = arith.constant 0 : i32
    %dma_wait3A_167 = tpu.memref_slice %arg16[%dma_wait3A_162, %dma_wait3A_165, %dma_wait3A_166] : memref<2x80x128xf32, #tpu.memory_space<vmem>> -> memref<1x80x128xf32, #tpu.memory_space<vmem>>
    %dma_wait3A_168 = tpu.memref_squeeze %dma_wait3A_167 : memref<1x80x128xf32, #tpu.memory_space<vmem>> -> memref<80x128xf32, #tpu.memory_space<vmem>>
    %dma_wait3A_169 = arith.constant 0 : i32
    %dma_wait3A_170 = tpu.memref_slice %arg10[%dma_wait3A_163, %dma_wait3A_164, %dma_wait3A_169] : memref<2x2x80xi32, #tpu.memory_space<vmem>> -> memref<1x1x80xi32, #tpu.memory_space<vmem>>
    %dma_wait3A_171 = tpu.memref_squeeze %dma_wait3A_170 : memref<1x1x80xi32, #tpu.memory_space<vmem>> -> memref<80xi32, #tpu.memory_space<vmem>>
    %dma_wait3A_172 = arith.constant 0 : i32
    %dma_wait3A_173 = arith.constant 0 : i32
    %dma_wait3A_174 = tpu.memref_slice %arg18[%dma_wait3A_172, %dma_wait3A_173] : memref<10240x128xf32, #tpu.memory_space<vmem_shared>> -> memref<10240x128xf32, #tpu.memory_space<vmem_shared>>
    tpu.wait_indirect_dma semaphore(%arg27 : memref<!tpu.dma_semaphore, #tpu.memory_space<semaphore_mem>>) src(%dma_wait3A_168 : memref<80x128xf32, #tpu.memory_space<vmem>>) dst(%dma_wait3A_174 : memref<10240x128xf32, #tpu.memory_space<vmem_shared>>)
    %dma_start3A_175 = arith.constant 0 : i32
    %dma_start3A_176 = arith.constant 0 : i32
    %dma_start3A_177 = arith.constant 1 : i32
    %dma_start3A_178 = arith.constant 0 : i32
    %dma_start3A_179 = tpu.memref_slice %arg13[%dma_start3A_175, %dma_start3A_178] : memref<2x80xf32, #tpu.memory_space<vmem>> -> memref<1x80xf32, #tpu.memory_space<vmem>>
    %dma_start3A_180 = tpu.memref_squeeze %dma_start3A_179 : memref<1x80xf32, #tpu.memory_space<vmem>> -> memref<80xf32, #tpu.memory_space<vmem>>
    %dma_start3A_181 = arith.constant 0 : i32
    %dma_start3A_182 = tpu.memref_slice %arg10[%dma_start3A_176, %dma_start3A_177, %dma_start3A_181] : memref<2x2x80xi32, #tpu.memory_space<vmem>> -> memref<1x1x80xi32, #tpu.memory_space<vmem>>
    %dma_start3A_183 = tpu.memref_squeeze %dma_start3A_182 : memref<1x1x80xi32, #tpu.memory_space<vmem>> -> memref<80xi32, #tpu.memory_space<vmem>>
    %dma_start3A_184 = arith.constant 0 : i32
    %dma_start3A_185 = tpu.memref_slice %arg19[%dma_start3A_184] : memref<10240xf32, #tpu.memory_space<vmem_shared>> -> memref<10240xf32, #tpu.memory_space<vmem_shared>>
    tpu.enqueue_indirect_dma source(%dma_start3A_180 : memref<80xf32, #tpu.memory_space<vmem>>) target(%dma_start3A_185 : memref<10240xf32, #tpu.memory_space<vmem_shared>>) offsets(%dma_start3A_183 : memref<80xi32, #tpu.memory_space<vmem>>) semaphore(%arg24 : memref<!tpu.dma_semaphore, #tpu.memory_space<semaphore_mem>>) {add = true}
    %dma_wait3A_186 = arith.constant 0 : i32
    %dma_wait3A_187 = arith.constant 0 : i32
    %dma_wait3A_188 = arith.constant 0 : i32
    %dma_wait3A_189 = arith.constant 0 : i32
    %dma_wait3A_190 = tpu.memref_slice %arg16[%dma_wait3A_187, %dma_wait3A_188, %dma_wait3A_189] : memref<2x80x128xf32, #tpu.memory_space<vmem>> -> memref<1x80x128xf32, #tpu.memory_space<vmem>>
    %dma_wait3A_191 = tpu.memref_squeeze %dma_wait3A_190 : memref<1x80x128xf32, #tpu.memory_space<vmem>> -> memref<80x128xf32, #tpu.memory_space<vmem>>
    %dma_wait3A_192 = arith.constant 0 : i32
    %dma_wait3A_193 = tpu.memref_slice %arg11[%dma_wait3A_186, %dma_wait3A_192] : memref<2x80xi32, #tpu.memory_space<vmem>> -> memref<1x80xi32, #tpu.memory_space<vmem>>
    %dma_wait3A_194 = tpu.memref_squeeze %dma_wait3A_193 : memref<1x80xi32, #tpu.memory_space<vmem>> -> memref<80xi32, #tpu.memory_space<vmem>>
    %dma_wait3A_195 = arith.constant 0 : i32
    %dma_wait3A_196 = arith.constant 0 : i32
    %dma_wait3A_197 = tpu.memref_slice %arg7[%dma_wait3A_195, %dma_wait3A_196] : memref<20000x128xf32, #tpu.memory_space<hbm>> -> memref<20000x128xf32, #tpu.memory_space<hbm>>
    tpu.wait_indirect_dma semaphore(%arg22 : memref<!tpu.dma_semaphore, #tpu.memory_space<semaphore_mem>>) src(%dma_wait3A_197 : memref<20000x128xf32, #tpu.memory_space<hbm>>) dst(%dma_wait3A_191 : memref<80x128xf32, #tpu.memory_space<vmem>>)
    %scan3A_198 = arith.constant 0 : i32
    %scan3A_199 = arith.constant 0 : i32
    %scan3A_200 = arith.constant 80 : i32
    %scan3A_201 = arith.addi %scan3A_199, %scan3A_200 : i32
    %scan3A_202 = arith.constant 1 : i32
    %scan3A_203 = scf.for %scan3A_256 = %scan3A_199 to %scan3A_201 step %scan3A_202 iter_args(%scan3A_257 = %scan3A_198) -> (i32)  : i32 {
      %broadcast_in_dim3A_258 = vector.broadcast %scan3A_256 : i32 to vector<16xi32>
      %gather3A = arith.constant 0 : i32
      %gather3A_259 = arith.constant 0 : i32
      %gather3A_260 = tpu.memref_slice %arg13[%gather3A, %gather3A_259] : memref<2x80xf32, #tpu.memory_space<vmem>> -> memref<1x80xf32, #tpu.memory_space<vmem>>
      %gather3A_261 = tpu.memref_squeeze %gather3A_260 : memref<1x80xf32, #tpu.memory_space<vmem>> -> memref<80xf32, #tpu.memory_space<vmem>>
      %gather3A_262 = tpu.vector_load_idx %gather3A_261[%broadcast_in_dim3A_258] : memref<80xf32, #tpu.memory_space<vmem>>[vector<16xi32>], vector<16xf32>,
      %get3A_263 = arith.constant 0 : i32
      %get3A_264 = arith.index_cast %get3A_263 : i32 to index
      %get3A_265 = arith.index_cast %scan3A_256 : i32 to index
      %get3A_266 = arith.constant 0 : index
      %get3A_267 = tpu.vector_load %arg16[%get3A_264, %get3A_265, %get3A_266] {strides = array<i32>} : memref<2x80x128xf32, #tpu.memory_space<vmem>>, vector<16xf32>,
      %mul3A_268 = arith.mulf %get3A_267, %gather3A_262 : vector<16xf32>
      %swap3A = arith.constant 0 : i32
      %swap3A_269 = arith.index_cast %swap3A : i32 to index
      %swap3A_270 = arith.index_cast %scan3A_256 : i32 to index
      %swap3A_271 = arith.constant 0 : index
      %swap3A_272 = tpu.vector_load %arg16[%swap3A_269, %swap3A_270, %swap3A_271] {strides = array<i32>} : memref<2x80x128xf32, #tpu.memory_space<vmem>>, vector<16xf32>,
      tpu.vector_store %arg16[%swap3A_269, %swap3A_270, %swap3A_271], %mul3A_268 {strides = array<i32>} : memref<2x80x128xf32, #tpu.memory_space<vmem>>, vector<16xf32>,
      %get3A_273 = arith.constant 0 : i32
      %get3A_274 = arith.index_cast %get3A_273 : i32 to index
      %get3A_275 = arith.index_cast %scan3A_256 : i32 to index
      %get3A_276 = arith.constant 16 : index
      %get3A_277 = tpu.vector_load %arg16[%get3A_274, %get3A_275, %get3A_276] {strides = array<i32>} : memref<2x80x128xf32, #tpu.memory_space<vmem>>, vector<16xf32>,
      %mul3A_278 = arith.mulf %get3A_277, %gather3A_262 : vector<16xf32>
      %swap3A_279 = arith.constant 0 : i32
      %swap3A_280 = arith.index_cast %swap3A_279 : i32 to index
      %swap3A_281 = arith.index_cast %scan3A_256 : i32 to index
      %swap3A_282 = arith.constant 16 : index
      %swap3A_283 = tpu.vector_load %arg16[%swap3A_280, %swap3A_281, %swap3A_282] {strides = array<i32>} : memref<2x80x128xf32, #tpu.memory_space<vmem>>, vector<16xf32>,
      tpu.vector_store %arg16[%swap3A_280, %swap3A_281, %swap3A_282], %mul3A_278 {strides = array<i32>} : memref<2x80x128xf32, #tpu.memory_space<vmem>>, vector<16xf32>,
      %get3A_284 = arith.constant 0 : i32
      %get3A_285 = arith.index_cast %get3A_284 : i32 to index
      %get3A_286 = arith.index_cast %scan3A_256 : i32 to index
      %get3A_287 = arith.constant 32 : index
      %get3A_288 = tpu.vector_load %arg16[%get3A_285, %get3A_286, %get3A_287] {strides = array<i32>} : memref<2x80x128xf32, #tpu.memory_space<vmem>>, vector<16xf32>,
      %mul3A_289 = arith.mulf %get3A_288, %gather3A_262 : vector<16xf32>
      %swap3A_290 = arith.constant 0 : i32
      %swap3A_291 = arith.index_cast %swap3A_290 : i32 to index
      %swap3A_292 = arith.index_cast %scan3A_256 : i32 to index
      %swap3A_293 = arith.constant 32 : index
      %swap3A_294 = tpu.vector_load %arg16[%swap3A_291, %swap3A_292, %swap3A_293] {strides = array<i32>} : memref<2x80x128xf32, #tpu.memory_space<vmem>>, vector<16xf32>,
      tpu.vector_store %arg16[%swap3A_291, %swap3A_292, %swap3A_293], %mul3A_289 {strides = array<i32>} : memref<2x80x128xf32, #tpu.memory_space<vmem>>, vector<16xf32>,
      %get3A_295 = arith.constant 0 : i32
      %get3A_296 = arith.index_cast %get3A_295 : i32 to index
      %get3A_297 = arith.index_cast %scan3A_256 : i32 to index
      %get3A_298 = arith.constant 48 : index
      %get3A_299 = tpu.vector_load %arg16[%get3A_296, %get3A_297, %get3A_298] {strides = array<i32>} : memref<2x80x128xf32, #tpu.memory_space<vmem>>, vector<16xf32>,
      %mul3A_300 = arith.mulf %get3A_299, %gather3A_262 : vector<16xf32>
      %swap3A_301 = arith.constant 0 : i32
      %swap3A_302 = arith.index_cast %swap3A_301 : i32 to index
      %swap3A_303 = arith.index_cast %scan3A_256 : i32 to index
      %swap3A_304 = arith.constant 48 : index
      %swap3A_305 = tpu.vector_load %arg16[%swap3A_302, %swap3A_303, %swap3A_304] {strides = array<i32>} : memref<2x80x128xf32, #tpu.memory_space<vmem>>, vector<16xf32>,
      tpu.vector_store %arg16[%swap3A_302, %swap3A_303, %swap3A_304], %mul3A_300 {strides = array<i32>} : memref<2x80x128xf32, #tpu.memory_space<vmem>>, vector<16xf32>,
      %get3A_306 = arith.constant 0 : i32
      %get3A_307 = arith.index_cast %get3A_306 : i32 to index
      %get3A_308 = arith.index_cast %scan3A_256 : i32 to index
      %get3A_309 = arith.constant 64 : index
      %get3A_310 = tpu.vector_load %arg16[%get3A_307, %get3A_308, %get3A_309] {strides = array<i32>} : memref<2x80x128xf32, #tpu.memory_space<vmem>>, vector<16xf32>,
      %mul3A_311 = arith.mulf %get3A_310, %gather3A_262 : vector<16xf32>
      %swap3A_312 = arith.constant 0 : i32
      %swap3A_313 = arith.index_cast %swap3A_312 : i32 to index
      %swap3A_314 = arith.index_cast %scan3A_256 : i32 to index
      %swap3A_315 = arith.constant 64 : index
      %swap3A_316 = tpu.vector_load %arg16[%swap3A_313, %swap3A_314, %swap3A_315] {strides = array<i32>} : memref<2x80x128xf32, #tpu.memory_space<vmem>>, vector<16xf32>,
      tpu.vector_store %arg16[%swap3A_313, %swap3A_314, %swap3A_315], %mul3A_311 {strides = array<i32>} : memref<2x80x128xf32, #tpu.memory_space<vmem>>, vector<16xf32>,
      %get3A_317 = arith.constant 0 : i32
      %get3A_318 = arith.index_cast %get3A_317 : i32 to index
      %get3A_319 = arith.index_cast %scan3A_256 : i32 to index
      %get3A_320 = arith.constant 80 : index
      %get3A_321 = tpu.vector_load %arg16[%get3A_318, %get3A_319, %get3A_320] {strides = array<i32>} : memref<2x80x128xf32, #tpu.memory_space<vmem>>, vector<16xf32>,
      %mul3A_322 = arith.mulf %get3A_321, %gather3A_262 : vector<16xf32>
      %swap3A_323 = arith.constant 0 : i32
      %swap3A_324 = arith.index_cast %swap3A_323 : i32 to index
      %swap3A_325 = arith.index_cast %scan3A_256 : i32 to index
      %swap3A_326 = arith.constant 80 : index
      %swap3A_327 = tpu.vector_load %arg16[%swap3A_324, %swap3A_325, %swap3A_326] {strides = array<i32>} : memref<2x80x128xf32, #tpu.memory_space<vmem>>, vector<16xf32>,
      tpu.vector_store %arg16[%swap3A_324, %swap3A_325, %swap3A_326], %mul3A_322 {strides = array<i32>} : memref<2x80x128xf32, #tpu.memory_space<vmem>>, vector<16xf32>,
      %get3A_328 = arith.constant 0 : i32
      %get3A_329 = arith.index_cast %get3A_328 : i32 to index
      %get3A_330 = arith.index_cast %scan3A_256 : i32 to index
      %get3A_331 = arith.constant 96 : index
      %get3A_332 = tpu.vector_load %arg16[%get3A_329, %get3A_330, %get3A_331] {strides = array<i32>} : memref<2x80x128xf32, #tpu.memory_space<vmem>>, vector<16xf32>,
      %mul3A_333 = arith.mulf %get3A_332, %gather3A_262 : vector<16xf32>
      %swap3A_334 = arith.constant 0 : i32
      %swap3A_335 = arith.index_cast %swap3A_334 : i32 to index
      %swap3A_336 = arith.index_cast %scan3A_256 : i32 to index
      %swap3A_337 = arith.constant 96 : index
      %swap3A_338 = tpu.vector_load %arg16[%swap3A_335, %swap3A_336, %swap3A_337] {strides = array<i32>} : memref<2x80x128xf32, #tpu.memory_space<vmem>>, vector<16xf32>,
      tpu.vector_store %arg16[%swap3A_335, %swap3A_336, %swap3A_337], %mul3A_333 {strides = array<i32>} : memref<2x80x128xf32, #tpu.memory_space<vmem>>, vector<16xf32>,
      %get3A_339 = arith.constant 0 : i32
      %get3A_340 = arith.index_cast %get3A_339 : i32 to index
      %get3A_341 = arith.index_cast %scan3A_256 : i32 to index
      %get3A_342 = arith.constant 112 : index
      %get3A_343 = tpu.vector_load %arg16[%get3A_340, %get3A_341, %get3A_342] {strides = array<i32>} : memref<2x80x128xf32, #tpu.memory_space<vmem>>, vector<16xf32>,
      %mul3A_344 = arith.mulf %get3A_343, %gather3A_262 : vector<16xf32>
      %swap3A_345 = arith.constant 0 : i32
      %swap3A_346 = arith.index_cast %swap3A_345 : i32 to index
      %swap3A_347 = arith.index_cast %scan3A_256 : i32 to index
      %swap3A_348 = arith.constant 112 : index
      %swap3A_349 = tpu.vector_load %arg16[%swap3A_346, %swap3A_347, %swap3A_348] {strides = array<i32>} : memref<2x80x128xf32, #tpu.memory_space<vmem>>, vector<16xf32>,
      tpu.vector_store %arg16[%swap3A_346, %swap3A_347, %swap3A_348], %mul3A_344 {strides = array<i32>} : memref<2x80x128xf32, #tpu.memory_space<vmem>>, vector<16xf32>,
      %scan3A_350 = arith.constant 0 : i32
      scf.yield %scan3A_350 : i32
    }
    %scan3A_204 = arith.constant 80 : i32
    %dma_start3A_205 = arith.constant 0 : i32
    %dma_start3A_206 = arith.constant 0 : i32
    %dma_start3A_207 = arith.constant 1 : i32
    %dma_start3A_208 = arith.constant 0 : i32
    %dma_start3A_209 = arith.constant 0 : i32
    %dma_start3A_210 = tpu.memref_slice %arg16[%dma_start3A_205, %dma_start3A_208, %dma_start3A_209] : memref<2x80x128xf32, #tpu.memory_space<vmem>> -> memref<1x80x128xf32, #tpu.memory_space<vmem>>
    %dma_start3A_211 = tpu.memref_squeeze %dma_start3A_210 : memref<1x80x128xf32, #tpu.memory_space<vmem>> -> memref<80x128xf32, #tpu.memory_space<vmem>>
    %dma_start3A_212 = arith.constant 0 : i32
    %dma_start3A_213 = tpu.memref_slice %arg10[%dma_start3A_206, %dma_start3A_207, %dma_start3A_212] : memref<2x2x80xi32, #tpu.memory_space<vmem>> -> memref<1x1x80xi32, #tpu.memory_space<vmem>>
    %dma_start3A_214 = tpu.memref_squeeze %dma_start3A_213 : memref<1x1x80xi32, #tpu.memory_space<vmem>> -> memref<80xi32, #tpu.memory_space<vmem>>
    %dma_start3A_215 = arith.constant 0 : i32
    %dma_start3A_216 = arith.constant 0 : i32
    %dma_start3A_217 = tpu.memref_slice %arg18[%dma_start3A_215, %dma_start3A_216] : memref<10240x128xf32, #tpu.memory_space<vmem_shared>> -> memref<10240x128xf32, #tpu.memory_space<vmem_shared>>
    tpu.enqueue_indirect_dma source(%dma_start3A_211 : memref<80x128xf32, #tpu.memory_space<vmem>>) target(%dma_start3A_217 : memref<10240x128xf32, #tpu.memory_space<vmem_shared>>) offsets(%dma_start3A_214 : memref<80xi32, #tpu.memory_space<vmem>>) semaphore(%arg26 : memref<!tpu.dma_semaphore, #tpu.memory_space<semaphore_mem>>) {add = true}
    %dma_wait3A_218 = arith.constant 0 : i32
    %dma_wait3A_219 = arith.constant 0 : i32
    %dma_wait3A_220 = arith.constant 1 : i32
    %dma_wait3A_221 = arith.constant 0 : i32
    %dma_wait3A_222 = tpu.memref_slice %arg13[%dma_wait3A_218, %dma_wait3A_221] : memref<2x80xf32, #tpu.memory_space<vmem>> -> memref<1x80xf32, #tpu.memory_space<vmem>>
    %dma_wait3A_223 = tpu.memref_squeeze %dma_wait3A_222 : memref<1x80xf32, #tpu.memory_space<vmem>> -> memref<80xf32, #tpu.memory_space<vmem>>
    %dma_wait3A_224 = arith.constant 0 : i32
    %dma_wait3A_225 = tpu.memref_slice %arg10[%dma_wait3A_219, %dma_wait3A_220, %dma_wait3A_224] : memref<2x2x80xi32, #tpu.memory_space<vmem>> -> memref<1x1x80xi32, #tpu.memory_space<vmem>>
    %dma_wait3A_226 = tpu.memref_squeeze %dma_wait3A_225 : memref<1x1x80xi32, #tpu.memory_space<vmem>> -> memref<80xi32, #tpu.memory_space<vmem>>
    %dma_wait3A_227 = arith.constant 0 : i32
    %dma_wait3A_228 = tpu.memref_slice %arg19[%dma_wait3A_227] : memref<10240xf32, #tpu.memory_space<vmem_shared>> -> memref<10240xf32, #tpu.memory_space<vmem_shared>>
    tpu.wait_indirect_dma semaphore(%arg24 : memref<!tpu.dma_semaphore, #tpu.memory_space<semaphore_mem>>) src(%dma_wait3A_223 : memref<80xf32, #tpu.memory_space<vmem>>) dst(%dma_wait3A_228 : memref<10240xf32, #tpu.memory_space<vmem_shared>>)
    %dma_wait3A_229 = arith.constant 0 : i32
    %dma_wait3A_230 = arith.constant 0 : i32
    %dma_wait3A_231 = arith.constant 1 : i32
    %dma_wait3A_232 = arith.constant 0 : i32
    %dma_wait3A_233 = arith.constant 0 : i32
    %dma_wait3A_234 = tpu.memref_slice %arg16[%dma_wait3A_229, %dma_wait3A_232, %dma_wait3A_233] : memref<2x80x128xf32, #tpu.memory_space<vmem>> -> memref<1x80x128xf32, #tpu.memory_space<vmem>>
    %dma_wait3A_235 = tpu.memref_squeeze %dma_wait3A_234 : memref<1x80x128xf32, #tpu.memory_space<vmem>> -> memref<80x128xf32, #tpu.memory_space<vmem>>
    %dma_wait3A_236 = arith.constant 0 : i32
    %dma_wait3A_237 = tpu.memref_slice %arg10[%dma_wait3A_230, %dma_wait3A_231, %dma_wait3A_236] : memref<2x2x80xi32, #tpu.memory_space<vmem>> -> memref<1x1x80xi32, #tpu.memory_space<vmem>>
    %dma_wait3A_238 = tpu.memref_squeeze %dma_wait3A_237 : memref<1x1x80xi32, #tpu.memory_space<vmem>> -> memref<80xi32, #tpu.memory_space<vmem>>
    %dma_wait3A_239 = arith.constant 0 : i32
    %dma_wait3A_240 = arith.constant 0 : i32
    %dma_wait3A_241 = tpu.memref_slice %arg18[%dma_wait3A_239, %dma_wait3A_240] : memref<10240x128xf32, #tpu.memory_space<vmem_shared>> -> memref<10240x128xf32, #tpu.memory_space<vmem_shared>>
    tpu.wait_indirect_dma semaphore(%arg26 : memref<!tpu.dma_semaphore, #tpu.memory_space<semaphore_mem>>) src(%dma_wait3A_235 : memref<80x128xf32, #tpu.memory_space<vmem>>) dst(%dma_wait3A_241 : memref<10240x128xf32, #tpu.memory_space<vmem_shared>>)
    %barrier3A_242 = arith.constant 0 : index
    tpu.barrier barrier_id(%barrier3A_242)
    %mul3A_243 = arith.constant 640 : i32
    %mul3A_244 = arith.muli %arg1, %mul3A_243 : i32
    %mul3A_245 = arith.constant 10240 : i32
    %mul3A_246 = arith.muli %arg0, %mul3A_245 : i32
    %mul3A_247 = arith.constant 640 : i32
    %mul3A_248 = arith.muli %arg1, %mul3A_247 : i32
    %add3A_249 = arith.addi %mul3A_246, %mul3A_248 : i32
    "tpu.region"() ({
      %run_scoped3A_256 = tpu.sem_alloc : memref<!tpu.dma_semaphore, #tpu.memory_space<semaphore_mem>>
      %dma_start3A_257 = tpu.memref_slice %arg9[%add3A_249] : memref<20480xf32, #tpu.memory_space<hbm>> -> memref<640xf32, #tpu.memory_space<hbm>>
      %dma_start3A_258 = tpu.memref_slice %arg19[%mul3A_244] : memref<10240xf32, #tpu.memory_space<vmem_shared>> -> memref<640xf32, #tpu.memory_space<vmem_shared>>
      tpu.enqueue_dma source(%dma_start3A_258 : memref<640xf32, #tpu.memory_space<vmem_shared>>) target(%dma_start3A_257 : memref<640xf32, #tpu.memory_space<hbm>>) target_semaphore(%run_scoped3A_256 : memref<!tpu.dma_semaphore, #tpu.memory_space<semaphore_mem>>)
      %dma_wait3A_259 = tpu.memref_slice %arg9[%add3A_249] : memref<20480xf32, #tpu.memory_space<hbm>> -> memref<640xf32, #tpu.memory_space<hbm>>
      %dma_wait3A_260 = tpu.memref_slice %arg19[%mul3A_244] : memref<10240xf32, #tpu.memory_space<vmem_shared>> -> memref<640xf32, #tpu.memory_space<vmem_shared>>
      tpu.wait_dma2 semaphore(%run_scoped3A_256 : memref<!tpu.dma_semaphore, #tpu.memory_space<semaphore_mem>>) src(%dma_wait3A_260 : memref<640xf32, #tpu.memory_space<vmem_shared>>) dst(%dma_wait3A_259 : memref<640xf32, #tpu.memory_space<hbm>>)
      tpu.yield
    }) : () -> ()
    %lt3A = arith.constant 15 : i32
    %lt3A_250 = arith.cmpi slt, %arg1, %lt3A : i32
    %convert_element_type3A = arith.extui %lt3A_250 : i1 to i32
    %cond3A = arith.constant 0 : i32
    %cond3A_251 = arith.cmpi ne, %convert_element_type3A, %cond3A : i32
    scf.if %cond3A_251 {
      %mul3A_256 = arith.constant 10000 : i32
      %mul3A_257 = arith.muli %arg0, %mul3A_256 : i32
      %mul3A_258 = arith.constant 640 : i32
      %mul3A_259 = arith.muli %arg1, %mul3A_258 : i32
      %add3A_260 = arith.addi %mul3A_257, %mul3A_259 : i32
      %multiple_of3A_261 = tpu.assume_multiple %add3A_260, 8 : i32
      "tpu.region"() ({
        %run_scoped3A_262 = tpu.sem_alloc : memref<!tpu.dma_semaphore, #tpu.memory_space<semaphore_mem>>
        %dma_start3A_263 = arith.constant 0 : i32
        %dma_start3A_264 = tpu.memref_slice %arg8[%multiple_of3A_261, %dma_start3A_263] : memref<20000x128xf32, #tpu.memory_space<hbm>> -> memref<640x128xf32, #tpu.memory_space<hbm>>
        %dma_start3A_265 = arith.constant 0 : i32
        %dma_start3A_266 = tpu.memref_slice %arg18[%multiple_of3A, %dma_start3A_265] : memref<10240x128xf32, #tpu.memory_space<vmem_shared>> -> memref<640x128xf32, #tpu.memory_space<vmem_shared>>
        tpu.enqueue_dma source(%dma_start3A_266 : memref<640x128xf32, #tpu.memory_space<vmem_shared>>) target(%dma_start3A_264 : memref<640x128xf32, #tpu.memory_space<hbm>>) target_semaphore(%run_scoped3A_262 : memref<!tpu.dma_semaphore, #tpu.memory_space<semaphore_mem>>)
        %dma_wait3A_267 = arith.constant 0 : i32
        %dma_wait3A_268 = tpu.memref_slice %arg8[%multiple_of3A_261, %dma_wait3A_267] : memref<20000x128xf32, #tpu.memory_space<hbm>> -> memref<640x128xf32, #tpu.memory_space<hbm>>
        %dma_wait3A_269 = arith.constant 0 : i32
        %dma_wait3A_270 = tpu.memref_slice %arg18[%multiple_of3A, %dma_wait3A_269] : memref<10240x128xf32, #tpu.memory_space<vmem_shared>> -> memref<640x128xf32, #tpu.memory_space<vmem_shared>>
        tpu.wait_dma2 semaphore(%run_scoped3A_262 : memref<!tpu.dma_semaphore, #tpu.memory_space<semaphore_mem>>) src(%dma_wait3A_270 : memref<640x128xf32, #tpu.memory_space<vmem_shared>>) dst(%dma_wait3A_268 : memref<640x128xf32, #tpu.memory_space<hbm>>)
        tpu.yield
      }) : () -> ()
    } else {
    }
    %eq3A = arith.constant 15 : i32
    %eq3A_252 = arith.cmpi eq, %arg1, %eq3A : i32
    %convert_element_type3A_253 = arith.extui %eq3A_252 : i1 to i32
    %cond3A_254 = arith.constant 0 : i32
    %cond3A_255 = arith.cmpi ne, %convert_element_type3A_253, %cond3A_254 : i32
    scf.if %cond3A_255 {
      %mul3A_256 = arith.constant 10000 : i32
      %mul3A_257 = arith.muli %arg0, %mul3A_256 : i32
      %add3A_258 = arith.constant 9600 : i32
      %add3A_259 = arith.addi %mul3A_257, %add3A_258 : i32
      %multiple_of3A_260 = tpu.assume_multiple %add3A_259, 8 : i32
      "tpu.region"() ({
        %run_scoped3A_261 = tpu.sem_alloc : memref<!tpu.dma_semaphore, #tpu.memory_space<semaphore_mem>>
        %dma_start3A_262 = arith.constant 0 : i32
        %dma_start3A_263 = tpu.memref_slice %arg8[%multiple_of3A_260, %dma_start3A_262] : memref<20000x128xf32, #tpu.memory_space<hbm>> -> memref<400x128xf32, #tpu.memory_space<hbm>>
        %dma_start3A_264 = arith.constant 0 : i32
        %dma_start3A_265 = tpu.memref_slice %arg18[%multiple_of3A, %dma_start3A_264] : memref<10240x128xf32, #tpu.memory_space<vmem_shared>> -> memref<400x128xf32, #tpu.memory_space<vmem_shared>>
        tpu.enqueue_dma source(%dma_start3A_265 : memref<400x128xf32, #tpu.memory_space<vmem_shared>>) target(%dma_start3A_263 : memref<400x128xf32, #tpu.memory_space<hbm>>) target_semaphore(%run_scoped3A_261 : memref<!tpu.dma_semaphore, #tpu.memory_space<semaphore_mem>>)
        %dma_wait3A_266 = arith.constant 0 : i32
        %dma_wait3A_267 = tpu.memref_slice %arg8[%multiple_of3A_260, %dma_wait3A_266] : memref<20000x128xf32, #tpu.memory_space<hbm>> -> memref<400x128xf32, #tpu.memory_space<hbm>>
        %dma_wait3A_268 = arith.constant 0 : i32
        %dma_wait3A_269 = tpu.memref_slice %arg18[%multiple_of3A, %dma_wait3A_268] : memref<10240x128xf32, #tpu.memory_space<vmem_shared>> -> memref<400x128xf32, #tpu.memory_space<vmem_shared>>
        tpu.wait_dma2 semaphore(%run_scoped3A_261 : memref<!tpu.dma_semaphore, #tpu.memory_space<semaphore_mem>>) src(%dma_wait3A_269 : memref<400x128xf32, #tpu.memory_space<vmem_shared>>) dst(%dma_wait3A_267 : memref<400x128xf32, #tpu.memory_space<hbm>>)
        tpu.yield
      }) : () -> ()
    } else {
    }
    return
  }
}

module attributes {stable_mosaic.version = 14 : i64} {
  func.func @_tc_proj_body(%arg0: i32, %arg1: i32, %arg2: memref<1000x128xf32, #tpu.memory_space<vmem>>, %arg3: memref<1x128x128xf32, #tpu.memory_space<vmem>>, %arg4: memref<1x1x128xf32, #tpu.memory_space<vmem>>, %arg5: memref<1x1x128xf32, #tpu.memory_space<vmem>>, %arg6: memref<1000x128xf32, #tpu.memory_space<vmem>>, %arg7: memref<1000x1xf32, #tpu.memory_space<vmem>>, %arg8: memref<1000x1xf32, #tpu.memory_space<vmem>>, %arg9: memref<8x128xf32, #tpu.memory_space<vmem>>, %arg10: memref<2xf32, #tpu.memory_space<smem>>) attributes {dimension_semantics = [#tpu.dimension_semantics<arbitrary>, #tpu.dimension_semantics<arbitrary>], iteration_bounds = array<i64: 2, 10>, scalar_prefetch = 0 : i64, scratch_operands = 1 : i64, tpu.core_type = #tpu.core_type<tc>, window_params = [{transform_indices = @transform_0, window_bounds = array<i64: 1000, 128>}, {transform_indices = @transform_1, window_bounds = array<i64: 1, 128, 128>}, {transform_indices = @transform_2, window_bounds = array<i64: 1, 1, 128>}, {transform_indices = @transform_3, window_bounds = array<i64: 1, 1, 128>}, {transform_indices = @transform_4, window_bounds = array<i64: 1000, 128>}, {transform_indices = @transform_5, window_bounds = array<i64: 1000, 1>}, {transform_indices = @transform_6, window_bounds = array<i64: 1000, 1>}, {transform_indices = @transform_7, window_bounds = array<i64: 8, 128>}]} {
    %get3A = arith.constant 0 : index
    %get3A_0 = arith.constant 0 : index
    %get3A_1 = vector.load %arg2[%get3A, %get3A_0] : memref<1000x128xf32, #tpu.memory_space<vmem>>, vector<1000x128xf32>
    %get3A_2 = arith.constant 0 : index
    %get3A_3 = arith.constant 0 : index
    %get3A_4 = arith.constant 0 : index
    %get3A_5 = vector.load %arg3[%get3A_2, %get3A_3, %get3A_4] : memref<1x128x128xf32, #tpu.memory_space<vmem>>, vector<1x128x128xf32>
    %get3A_6 = vector.shape_cast %get3A_5 : vector<1x128x128xf32> to vector<128x128xf32>
    %dot_general3A = arith.constant dense<0.000000e+00> : vector<1000x128xf32>
    %dot_general3A_7 = tpu.matmul %get3A_1, %get3A_6, %dot_general3A {dimension_numbers = #tpu.dot_dimension_numbers<[1], [1], [0], [0], [0, 0, 1, 0], [], []>, transpose_lhs_hint = false} : vector<1000x128xf32>, vector<128x128xf32>, vector<1000x128xf32> -> vector<1000x128xf32>
    %swap3A = arith.constant 0 : index
    %swap3A_8 = arith.constant 0 : index
    %swap3A_9 = vector.load %arg6[%swap3A, %swap3A_8] : memref<1000x128xf32, #tpu.memory_space<vmem>>, vector<1000x128xf32>
    tpu.vector_store %arg6[%swap3A, %swap3A_8], %dot_general3A_7 {strides = array<i32>} : memref<1000x128xf32, #tpu.memory_space<vmem>>, vector<1000x128xf32>,
    %get3A_10 = arith.constant 0 : index
    %get3A_11 = arith.constant 0 : index
    %get3A_12 = arith.constant 0 : index
    %get3A_13 = vector.load %arg4[%get3A_10, %get3A_11, %get3A_12] : memref<1x1x128xf32, #tpu.memory_space<vmem>>, vector<1x1x128xf32>
    %get3A_14 = vector.shape_cast %get3A_13 : vector<1x1x128xf32> to vector<1x128xf32>
    %mul3A = vector.broadcast %get3A_14 : vector<1x128xf32> to vector<1000x128xf32>
    %mul3A_15 = arith.mulf %dot_general3A_7, %mul3A : vector<1000x128xf32>
    %reduce_sum3A = arith.constant dense<0.000000e+00> : vector<1000xf32>
    %reduce_sum3A_16 = vector.multi_reduction <add>, %mul3A_15, %reduce_sum3A [1] : vector<1000x128xf32> to vector<1000xf32>
    %broadcast_in_dim3A = vector.shape_cast %reduce_sum3A_16 : vector<1000xf32> to vector<1000x1xf32>
    %get3A_17 = arith.constant 0 : index
    %get3A_18 = arith.constant 0 : index
    %get3A_19 = arith.constant 0 : index
    %get3A_20 = vector.load %arg5[%get3A_17, %get3A_18, %get3A_19] : memref<1x1x128xf32, #tpu.memory_space<vmem>>, vector<1x1x128xf32>
    %get3A_21 = vector.shape_cast %get3A_20 : vector<1x1x128xf32> to vector<1x128xf32>
    %mul3A_22 = vector.broadcast %get3A_21 : vector<1x128xf32> to vector<1000x128xf32>
    %mul3A_23 = arith.mulf %dot_general3A_7, %mul3A_22 : vector<1000x128xf32>
    %reduce_sum3A_24 = arith.constant dense<0.000000e+00> : vector<1000xf32>
    %reduce_sum3A_25 = vector.multi_reduction <add>, %mul3A_23, %reduce_sum3A_24 [1] : vector<1000x128xf32> to vector<1000xf32>
    %broadcast_in_dim3A_26 = vector.shape_cast %reduce_sum3A_25 : vector<1000xf32> to vector<1000x1xf32>
    %swap3A_27 = arith.constant 0 : index
    %swap3A_28 = arith.constant 0 : index
    %swap3A_29 = vector.load %arg7[%swap3A_27, %swap3A_28] : memref<1000x1xf32, #tpu.memory_space<vmem>>, vector<1000x1xf32>
    tpu.vector_store %arg7[%swap3A_27, %swap3A_28], %broadcast_in_dim3A {strides = array<i32>} : memref<1000x1xf32, #tpu.memory_space<vmem>>, vector<1000x1xf32>,
    %swap3A_30 = arith.constant 0 : index
    %swap3A_31 = arith.constant 0 : index
    %swap3A_32 = vector.load %arg8[%swap3A_30, %swap3A_31] : memref<1000x1xf32, #tpu.memory_space<vmem>>, vector<1000x1xf32>
    tpu.vector_store %arg8[%swap3A_30, %swap3A_31], %broadcast_in_dim3A_26 {strides = array<i32>} : memref<1000x1xf32, #tpu.memory_space<vmem>>, vector<1000x1xf32>,
    %reduce_max3A = vector.shape_cast %broadcast_in_dim3A : vector<1000x1xf32> to vector<1x1000x1xf32>
    %reduce_max3A_33 = arith.constant dense<0xFF800000> : vector<1xf32>
    %reduce_max3A_34 = vector.multi_reduction <maximumf>, %reduce_max3A, %reduce_max3A_33 [1, 2] : vector<1x1000x1xf32> to vector<1xf32>
    %reduce_max3A_35 = vector.shape_cast %reduce_max3A_34 : vector<1xf32> to vector<1x1x1xf32>
    %reduce_max3A_36 = vector.extract %reduce_max3A_35[0, 0, 0] : f32 from vector<1x1x1xf32>
    %reduce_max3A_37 = vector.shape_cast %broadcast_in_dim3A_26 : vector<1000x1xf32> to vector<1x1000x1xf32>
    %reduce_max3A_38 = arith.constant dense<0xFF800000> : vector<1xf32>
    %reduce_max3A_39 = vector.multi_reduction <maximumf>, %reduce_max3A_37, %reduce_max3A_38 [1, 2] : vector<1x1000x1xf32> to vector<1xf32>
    %reduce_max3A_40 = vector.shape_cast %reduce_max3A_39 : vector<1xf32> to vector<1x1x1xf32>
    %reduce_max3A_41 = vector.extract %reduce_max3A_40[0, 0, 0] : f32 from vector<1x1x1xf32>
    %eq3A = arith.constant 0 : i32
    %eq3A_42 = arith.cmpi eq, %arg1, %eq3A : i32
    %convert_element_type3A = arith.extui %eq3A_42 : i1 to i32
    %cond3A = arith.constant 0 : i32
    %cond3A_43 = arith.cmpi ne, %convert_element_type3A, %cond3A : i32
    scf.if %cond3A_43 {
      %swap3A_53 = arith.constant 0 : index
      %swap3A_54 = memref.load %arg10[%swap3A_53] : memref<2xf32, #tpu.memory_space<smem>>
      memref.store %reduce_max3A_36, %arg10[%swap3A_53] : memref<2xf32, #tpu.memory_space<smem>>
      %swap3A_55 = arith.constant 1 : index
      %swap3A_56 = memref.load %arg10[%swap3A_55] : memref<2xf32, #tpu.memory_space<smem>>
      memref.store %reduce_max3A_41, %arg10[%swap3A_55] : memref<2xf32, #tpu.memory_space<smem>>
    } else {
    }
    %gt3A = arith.constant 0 : i32
    %gt3A_44 = arith.cmpi sgt, %arg1, %gt3A : i32
    %convert_element_type3A_45 = arith.extui %gt3A_44 : i1 to i32
    %cond3A_46 = arith.constant 0 : i32
    %cond3A_47 = arith.cmpi ne, %convert_element_type3A_45, %cond3A_46 : i32
    scf.if %cond3A_47 {
      %get3A_53 = arith.constant 0 : index
      %get3A_54 = memref.load %arg10[%get3A_53] : memref<2xf32, #tpu.memory_space<smem>>
      %max3A = arith.maximumf %get3A_54, %reduce_max3A_36 : f32
      %swap3A_55 = arith.constant 0 : index
      %swap3A_56 = memref.load %arg10[%swap3A_55] : memref<2xf32, #tpu.memory_space<smem>>
      memref.store %max3A, %arg10[%swap3A_55] : memref<2xf32, #tpu.memory_space<smem>>
      %get3A_57 = arith.constant 1 : index
      %get3A_58 = memref.load %arg10[%get3A_57] : memref<2xf32, #tpu.memory_space<smem>>
      %max3A_59 = arith.maximumf %get3A_58, %reduce_max3A_41 : f32
      %swap3A_60 = arith.constant 1 : index
      %swap3A_61 = memref.load %arg10[%swap3A_60] : memref<2xf32, #tpu.memory_space<smem>>
      memref.store %max3A_59, %arg10[%swap3A_60] : memref<2xf32, #tpu.memory_space<smem>>
    } else {
    }
    %eq3A_48 = arith.constant 9 : i32
    %eq3A_49 = arith.cmpi eq, %arg1, %eq3A_48 : i32
    %convert_element_type3A_50 = arith.extui %eq3A_49 : i1 to i32
    %cond3A_51 = arith.constant 0 : i32
    %cond3A_52 = arith.cmpi ne, %convert_element_type3A_50, %cond3A_51 : i32
    scf.if %cond3A_52 {
      %get3A_53 = arith.constant 0 : index
      %get3A_54 = memref.load %arg10[%get3A_53] : memref<2xf32, #tpu.memory_space<smem>>
      %get3A_55 = arith.constant 1 : index
      %get3A_56 = memref.load %arg10[%get3A_55] : memref<2xf32, #tpu.memory_space<smem>>
      %add3A = arith.addf %get3A_54, %get3A_56 : f32
      %max3A = arith.constant 0.000000e+00 : f32
      %max3A_57 = arith.maximumf %add3A, %max3A : f32
      %broadcast_in_dim3A_58 = vector.broadcast %max3A_57 : f32 to vector<8x128xf32>
      %swap3A_59 = arith.constant 0 : index
      %swap3A_60 = arith.constant 0 : index
      %swap3A_61 = vector.load %arg9[%swap3A_59, %swap3A_60] : memref<8x128xf32, #tpu.memory_space<vmem>>, vector<8x128xf32>
      tpu.vector_store %arg9[%swap3A_59, %swap3A_60], %broadcast_in_dim3A_58 {strides = array<i32>} : memref<8x128xf32, #tpu.memory_space<vmem>>, vector<8x128xf32>,
    } else {
    }
    return
  }
  func.func @transform_0(%arg0: i32, %arg1: i32) -> (i32, i32) {
    %c0_i32 = arith.constant 0 : i32
    %c0_i32_0 = arith.constant 0 : i32
    return %arg1, %c0_i32 : i32, i32
  }
  func.func @transform_1(%arg0: i32, %arg1: i32) -> (i32, i32, i32) {
    %c0_i32 = arith.constant 0 : i32
    %c0_i32_0 = arith.constant 0 : i32
    %c0_i32_1 = arith.constant 0 : i32
    return %arg0, %c0_i32, %c0_i32_0 : i32, i32, i32
  }
  func.func @transform_2(%arg0: i32, %arg1: i32) -> (i32, i32, i32) {
    %c0_i32 = arith.constant 0 : i32
    %c0_i32_0 = arith.constant 0 : i32
    %c0_i32_1 = arith.constant 0 : i32
    return %arg0, %c0_i32, %c0_i32_0 : i32, i32, i32
  }
  func.func @transform_3(%arg0: i32, %arg1: i32) -> (i32, i32, i32) {
    %c0_i32 = arith.constant 0 : i32
    %c0_i32_0 = arith.constant 0 : i32
    %c0_i32_1 = arith.constant 0 : i32
    return %arg0, %c0_i32, %c0_i32_0 : i32, i32, i32
  }
  func.func @transform_4(%arg0: i32, %arg1: i32) -> (i32, i32) {
    %mul3A = arith.constant 10 : i32
    %mul3A_0 = arith.muli %arg0, %mul3A : i32
    %add3A = arith.addi %mul3A_0, %arg1 : i32
    %c0_i32 = arith.constant 0 : i32
    %c0_i32_1 = arith.constant 0 : i32
    return %add3A, %c0_i32 : i32, i32
  }
  func.func @transform_5(%arg0: i32, %arg1: i32) -> (i32, i32) {
    %mul3A = arith.constant 10 : i32
    %mul3A_0 = arith.muli %arg0, %mul3A : i32
    %add3A = arith.addi %mul3A_0, %arg1 : i32
    %c0_i32 = arith.constant 0 : i32
    %c0_i32_1 = arith.constant 0 : i32
    return %add3A, %c0_i32 : i32, i32
  }
  func.func @transform_6(%arg0: i32, %arg1: i32) -> (i32, i32) {
    %mul3A = arith.constant 10 : i32
    %mul3A_0 = arith.muli %arg0, %mul3A : i32
    %add3A = arith.addi %mul3A_0, %arg1 : i32
    %c0_i32 = arith.constant 0 : i32
    %c0_i32_1 = arith.constant 0 : i32
    return %add3A, %c0_i32 : i32, i32
  }
  func.func @transform_7(%arg0: i32, %arg1: i32) -> (i32, i32) {
    %c0_i32 = arith.constant 0 : i32
    %c0_i32_0 = arith.constant 0 : i32
    return %arg0, %c0_i32 : i32, i32
  }
}

module attributes {stable_mosaic.version = 14 : i64} {
  func.func @_tc_wl_body(%arg0: i32, %arg1: memref<1000x128xf32, #tpu.memory_space<vmem>>, %arg2: memref<1000x128xf32, #tpu.memory_space<vmem>>, %arg3: memref<1000x128xf32, #tpu.memory_space<vmem>>, %arg4: memref<1000x1xf32, #tpu.memory_space<vmem>>, %arg5: memref<1000x1xf32, #tpu.memory_space<vmem>>, %arg6: memref<128x128xf32, #tpu.memory_space<vmem>>, %arg7: memref<128x128xf32, #tpu.memory_space<vmem>>, %arg8: memref<1x128xf32, #tpu.memory_space<vmem>>, %arg9: memref<1000x128xf32, #tpu.memory_space<vmem>>) attributes {dimension_semantics = [#tpu.dimension_semantics<arbitrary>], iteration_bounds = array<i64: 10>, scalar_prefetch = 0 : i64, scratch_operands = 0 : i64, tpu.core_type = #tpu.core_type<tc>, window_params = [{transform_indices = @transform_0, window_bounds = array<i64: 1000, 128>}, {transform_indices = @transform_1, window_bounds = array<i64: 1000, 128>}, {transform_indices = @transform_2, window_bounds = array<i64: 1000, 128>}, {transform_indices = @transform_3, window_bounds = array<i64: 1000, 1>}, {transform_indices = @transform_4, window_bounds = array<i64: 1000, 1>}, {pipeline_mode = #tpu.pipeline_mode<synchronous>, transform_indices = @transform_5, window_bounds = array<i64: 128, 128>}, {pipeline_mode = #tpu.pipeline_mode<synchronous>, transform_indices = @transform_6, window_bounds = array<i64: 128, 128>}, {pipeline_mode = #tpu.pipeline_mode<synchronous>, transform_indices = @transform_7, window_bounds = array<i64: 1, 128>}, {transform_indices = @transform_8, window_bounds = array<i64: 1000, 128>}]} {
    %get3A = arith.constant 0 : index
    %get3A_0 = arith.constant 0 : index
    %get3A_1 = vector.load %arg4[%get3A, %get3A_0] : memref<1000x1xf32, #tpu.memory_space<vmem>>, vector<1000x1xf32>
    %get3A_2 = arith.constant 0 : index
    %get3A_3 = arith.constant 0 : index
    %get3A_4 = vector.load %arg5[%get3A_2, %get3A_3] : memref<1000x1xf32, #tpu.memory_space<vmem>>, vector<1000x1xf32>
    %get3A_5 = arith.constant 0 : index
    %get3A_6 = arith.constant 0 : index
    %get3A_7 = vector.load %arg2[%get3A_5, %get3A_6] : memref<1000x128xf32, #tpu.memory_space<vmem>>, vector<1000x128xf32>
    %eq3A = arith.constant 0.000000e+00 : f32
    %eq3A_8 = vector.broadcast %eq3A : f32 to vector<1000x1xf32>
    %eq3A_9 = arith.cmpf oeq, %get3A_1, %eq3A_8 : vector<1000x1xf32>
    %jit3A = arith.constant 1.000000e+00 : f32
    %broadcast_in_dim3A = vector.broadcast %jit3A : f32 to vector<1000x1xf32>
    %select_n3A = arith.select %eq3A_9, %broadcast_in_dim3A, %get3A_1 : vector<1000x1xi1>, vector<1000x1xf32>
    %div3A = vector.broadcast %select_n3A : vector<1000x1xf32> to vector<1000x128xf32>
    %div3A_10 = arith.divf %get3A_7, %div3A : vector<1000x128xf32>
    %get3A_11 = arith.constant 0 : index
    %get3A_12 = arith.constant 0 : index
    %get3A_13 = vector.load %arg3[%get3A_11, %get3A_12] : memref<1000x128xf32, #tpu.memory_space<vmem>>, vector<1000x128xf32>
    %eq3A_14 = arith.constant 0.000000e+00 : f32
    %eq3A_15 = vector.broadcast %eq3A_14 : f32 to vector<1000x1xf32>
    %eq3A_16 = arith.cmpf oeq, %get3A_4, %eq3A_15 : vector<1000x1xf32>
    %jit3A_17 = arith.constant 1.000000e+00 : f32
    %broadcast_in_dim3A_18 = vector.broadcast %jit3A_17 : f32 to vector<1000x1xf32>
    %select_n3A_19 = arith.select %eq3A_16, %broadcast_in_dim3A_18, %get3A_4 : vector<1000x1xi1>, vector<1000x1xf32>
    %div3A_20 = vector.broadcast %select_n3A_19 : vector<1000x1xf32> to vector<1000x128xf32>
    %div3A_21 = arith.divf %get3A_13, %div3A_20 : vector<1000x128xf32>
    %get3A_22 = arith.constant 0 : index
    %get3A_23 = arith.constant 0 : index
    %get3A_24 = vector.load %arg1[%get3A_22, %get3A_23] : memref<1000x128xf32, #tpu.memory_space<vmem>>, vector<1000x128xf32>
    %get3A_25 = arith.constant 0 : index
    %get3A_26 = arith.constant 0 : index
    %get3A_27 = vector.load %arg6[%get3A_25, %get3A_26] : memref<128x128xf32, #tpu.memory_space<vmem>>, vector<128x128xf32>
    %dot_general3A = arith.constant dense<0.000000e+00> : vector<1000x128xf32>
    %dot_general3A_28 = tpu.matmul %get3A_24, %get3A_27, %dot_general3A {dimension_numbers = #tpu.dot_dimension_numbers<[1], [1], [0], [0], [0, 0, 1, 0], [], []>, transpose_lhs_hint = false} : vector<1000x128xf32>, vector<128x128xf32>, vector<1000x128xf32> -> vector<1000x128xf32>
    %get3A_29 = arith.constant 0 : index
    %get3A_30 = arith.constant 0 : index
    %get3A_31 = vector.load %arg8[%get3A_29, %get3A_30] : memref<1x128xf32, #tpu.memory_space<vmem>>, vector<1x128xf32>
    %add3A = vector.broadcast %get3A_31 : vector<1x128xf32> to vector<1000x128xf32>
    %add3A_32 = arith.addf %div3A_10, %add3A : vector<1000x128xf32>
    %get3A_33 = arith.constant 0 : index
    %get3A_34 = arith.constant 0 : index
    %get3A_35 = vector.load %arg7[%get3A_33, %get3A_34] : memref<128x128xf32, #tpu.memory_space<vmem>>, vector<128x128xf32>
    %dot_general3A_36 = arith.constant dense<0.000000e+00> : vector<1000x128xf32>
    %dot_general3A_37 = tpu.matmul %add3A_32, %get3A_35, %dot_general3A_36 {dimension_numbers = #tpu.dot_dimension_numbers<[1], [1], [0], [0], [0, 0, 1, 0], [], []>, transpose_lhs_hint = false} : vector<1000x128xf32>, vector<128x128xf32>, vector<1000x128xf32> -> vector<1000x128xf32>
    %add3A_38 = arith.addf %dot_general3A_28, %dot_general3A_37 : vector<1000x128xf32>
    %max3A = arith.constant 0.000000e+00 : f32
    %max3A_39 = vector.broadcast %max3A : f32 to vector<1000x128xf32>
    %max3A_40 = arith.maximumf %add3A_38, %max3A_39 : vector<1000x128xf32>
    %add3A_41 = arith.addf %max3A_40, %div3A_21 : vector<1000x128xf32>
    %add3A_42 = vector.broadcast %get3A_31 : vector<1x128xf32> to vector<1000x128xf32>
    %add3A_43 = arith.addf %add3A_41, %add3A_42 : vector<1000x128xf32>
    %get3A_44 = arith.constant 0 : index
    %get3A_45 = arith.constant 0 : index
    %get3A_46 = vector.load %arg7[%get3A_44, %get3A_45] : memref<128x128xf32, #tpu.memory_space<vmem>>, vector<128x128xf32>
    %dot_general3A_47 = arith.constant dense<0.000000e+00> : vector<1000x128xf32>
    %dot_general3A_48 = tpu.matmul %add3A_43, %get3A_46, %dot_general3A_47 {dimension_numbers = #tpu.dot_dimension_numbers<[1], [1], [0], [0], [0, 0, 1, 0], [], []>, transpose_lhs_hint = false} : vector<1000x128xf32>, vector<128x128xf32>, vector<1000x128xf32> -> vector<1000x128xf32>
    %add3A_49 = arith.addf %dot_general3A_28, %dot_general3A_48 : vector<1000x128xf32>
    %max3A_50 = arith.constant 0.000000e+00 : f32
    %max3A_51 = vector.broadcast %max3A_50 : f32 to vector<1000x128xf32>
    %max3A_52 = arith.maximumf %add3A_49, %max3A_51 : vector<1000x128xf32>
    %swap3A = arith.constant 0 : index
    %swap3A_53 = arith.constant 0 : index
    %swap3A_54 = vector.load %arg9[%swap3A, %swap3A_53] : memref<1000x128xf32, #tpu.memory_space<vmem>>, vector<1000x128xf32>
    tpu.vector_store %arg9[%swap3A, %swap3A_53], %max3A_52 {strides = array<i32>} : memref<1000x128xf32, #tpu.memory_space<vmem>>, vector<1000x128xf32>,
    return
  }
  func.func @transform_0(%arg0: i32) -> (i32, i32) {
    %c0_i32 = arith.constant 0 : i32
    %c0_i32_0 = arith.constant 0 : i32
    return %arg0, %c0_i32 : i32, i32
  }
  func.func @transform_1(%arg0: i32) -> (i32, i32) {
    %c0_i32 = arith.constant 0 : i32
    %c0_i32_0 = arith.constant 0 : i32
    return %arg0, %c0_i32 : i32, i32
  }
  func.func @transform_2(%arg0: i32) -> (i32, i32) {
    %add3A = arith.constant 10 : i32
    %add3A_0 = arith.addi %add3A, %arg0 : i32
    %c0_i32 = arith.constant 0 : i32
    %c0_i32_1 = arith.constant 0 : i32
    return %add3A_0, %c0_i32 : i32, i32
  }
  func.func @transform_3(%arg0: i32) -> (i32, i32) {
    %c0_i32 = arith.constant 0 : i32
    %c0_i32_0 = arith.constant 0 : i32
    return %arg0, %c0_i32 : i32, i32
  }
  func.func @transform_4(%arg0: i32) -> (i32, i32) {
    %c0_i32 = arith.constant 0 : i32
    %c0_i32_0 = arith.constant 0 : i32
    return %arg0, %c0_i32 : i32, i32
  }
  func.func @transform_5(%arg0: i32) -> (i32, i32) {
    %c0_i32 = arith.constant 0 : i32
    %c0_i32_0 = arith.constant 0 : i32
    %c0_i32_1 = arith.constant 0 : i32
    return %c0_i32, %c0_i32_0 : i32, i32
  }
  func.func @transform_6(%arg0: i32) -> (i32, i32) {
    %c0_i32 = arith.constant 0 : i32
    %c0_i32_0 = arith.constant 0 : i32
    %c0_i32_1 = arith.constant 0 : i32
    return %c0_i32, %c0_i32_0 : i32, i32
  }
  func.func @transform_7(%arg0: i32) -> (i32, i32) {
    %c0_i32 = arith.constant 0 : i32
    %c0_i32_0 = arith.constant 0 : i32
    %c0_i32_1 = arith.constant 0 : i32
    return %c0_i32, %c0_i32_0 : i32, i32
  }
  func.func @transform_8(%arg0: i32) -> (i32, i32) {
    %c0_i32 = arith.constant 0 : i32
    %c0_i32_0 = arith.constant 0 : i32
    return %arg0, %c0_i32 : i32, i32
  }
}

</mosaic_0001>

<sc_bundles>
// kernel: kernel.5.cloned.1.call-start
scs
__scs_entry_jumppad:
0x0: {  	(pc) =	sbr.rel $0x88, $3  }
0x1: {  	(tag) =	ssettag $0x0;
	lr =	simm.s32 $0x1  }
0x2: {  	[smem:$0x3F96] =	sst lr;
	_ =	strace $0xD0000000  }
0x3: {  	_ = 	snop  }
0x4: {  	_ = 	snop  }
0x5: {  	_ = 	snop  }
0x6: {  	_ = 	snop  }
0x7: {  	_ = 	snop  }
__scs_overlays_trampoline_lowered:
0x8: {  	[smem:$0x3FA5] =	sst s0  }
0x9: {  	[smem:$0x3FA6] =	sst s1  }
0xa: {  	[smem:$0x3FA7] =	sst s2  }
0xb: {  	[smem:$0x3FA8] =	sst s3  }
0xc: {  	[smem:$0x3FA9] =	sst s4  }
0xd: {  	[smem:$0x3FAA] =	sst s5  }
0xe: {  	[smem:$0x3FAB] =	sst s6  }
0xf: {  	[smem:$0x3FAC] =	sst s7  }
0x10: {  	[smem:$0x3FAD] =	sst s8  }
0x11: {  	[smem:$0x3FAE] =	sst s9;
	s0 =	simm.s32 @!p0 $0x0  }
0x12: {  	s1 =	sld [smem:$0x3F94];
	s0 =	simm.s32 @p0 $0x1  }
0x13: {  	[smem:$0x3FAF] =	sst s0;
	s0 =	simm.s32 @!p1 $0x0  }
0x14: {  	s2 =	sld [smem:$0x3F93];
	s0 =	simm.s32 @p1 $0x1  }
0x15: {  	[smem:$0x3FB0] =	sst s0;
	s0 =	simm.s32 @!p2 $0x0  }
0x16: {  	s3 =	sld [smem:$0x3FDB];
	s0 =	simm.s32 @p2 $0x1  }
0x17: {  	s4 =	simm.s32 $0x1BF5;
	[smem:$0x3FB2] =	sst s0  }
0x18: {  	s0 =	sld [smem:$0x3F95];
	_ =	swait.ge [sflag:s4], $0x0  }
0x19: {  	s7 =	sld [smem:$0x3F96]  }
0x1a: {  	s8 =	sadd.s32 $0xFFFFE003, lr  }
0x1b: {  	s9 =	sadd.s32 $0xFFFFFEF7, lr;
	s5 =	simm.s32 $0xFFFFFFFF;
	p2 =	slt.u32 s8, $0xFFFFF086  }
0x1c: {  	p1 =	slt.u32 s9, $0xF7A;
	s5 =	simm.s32 @!p2 $0x0  }
0x1d: {  	s5 =	simm.s32 @p1 $0x1;
	p0 =	seq.s32 s7, s2  }
0x1e: {  	s7 =	smul.u32 @!p0 $0xF7A, s2;
	p2 =	seq.s32 @!p0 s5, $0x0  }
0x1f: {  	s9 =	smul.u32 $0xF7A, s1;
	s8 =	simm.s32 @!p0 $0x1BF5;
	p2 =	por !p2, p0  }
0x20: {  	[sflag:s8] =	ssyncset.s32 @!p0 $0xFFFFF086;
	s6 =	sadd.s32 @!p0 s3, s7;
	s7 =	simm.s32 @!p0 $0x108  }
0x21: {  	s3 =	sadd.s32 s3, s9;
	s6 =	sadd.s32 @!p0 $0x88, s6;
	s7 =	simm.s32 @p2 $0x1082  }
0x22: {  	[simem:s7], [sflag:s8] =	dma.local @!p0 [hbm:s6], $0xF7A  }
0x23: {  	s9 =	sor.u32 $0xD0000000, s2;
	s6 =	simm.s32 $0x108;
	_ =	swait.ge @!p0 [sflag:s8], $0x0  }
0x24: {  	s3 =	sadd.s32 $0x88, s3;
	s6 =	simm.s32 @!p1 $0x1082;
	[sflag:s4] =	ssyncset.s32 $0xFFFFF086  }
0x25: {  	[simem:s6], [sflag:s4] =	dma.local [hbm:s3], $0xF7A  }
0x26: {  	[smem:$0x3F96] =	sst s1;
	(tag) =	ssettag s2;
	_ =	strace s9  }
0x27: {  	s1 =	sld [smem:$0x3FA6]  }
0x28: {  	s2 =	sld [smem:$0x3FA7]  }
0x29: {  	s4 =	sld [smem:$0x3FA9]  }
0x2a: {  	p0 =	seq.s32 s5, $0x0;
	s5 =	sld [smem:$0x3FAA]  }
0x2b: {  	s6 =	sld [smem:$0x3FAB]  }
0x2c: {  	s7 =	sld [smem:$0x3FAC]  }
0x2d: {  	s3 =	simm.s32 $0x108;
	s8 =	sld [smem:$0x3FAD]  }
0x2e: {  	s3 =	simm.s32 @!p0 $0x1082;
	s9 =	sld [smem:$0x3FAE]  }
0x2f: {  	lr =	sadd.s32 s0, s3;
	s0 =	sld [smem:$0x3FA5]  }
0x30: {  	s3 =	sld [smem:$0x3FA8]  }
0x31: {  	[smem:$0x3FB1] =	sst s10  }
0x32: {  	s10 =	sld [smem:$0x3FAF];
	_ =	sdelay $0x3  }
0x33: {  	p0 =	seq.s32 s10, $0x1;
	s10 =	sld [smem:$0x3FB1];
	_ =	sdelay $0x3  }
0x34: {  	[smem:$0x3FB1] =	sst s10  }
0x35: {  	s10 =	sld [smem:$0x3FB0];
	_ =	sdelay $0x3  }
0x36: {  	p1 =	seq.s32 s10, $0x1;
	s10 =	sld [smem:$0x3FB1];
	_ =	sdelay $0x3  }
0x37: {  	[smem:$0x3FB1] =	sst s10  }
0x38: {  	s10 =	sld [smem:$0x3FB2]  }
0x39: {  	_ = 	snop;
	(pc) =	sbr.ind lr, $3  }
0x3a: {  	_ = 	snop  }
0x3b: {  	_ = 	snop  }
0x3c: {  	p2 =	seq.s32 s10, $0x1;
	s10 =	sld [smem:$0x3FB1]  }
0x3d: {  	_ =	shalt  }
0x3e: {  	_ =	shalt  }
0x3f: {  	_ =	shalt  }
0x40: {  	_ =	shalt  }
0x41: {  	_ =	shalt  }
0x42: {  	_ =	shalt  }
0x43: {  	_ =	shalt  }
0x44: {  	_ =	shalt  }
0x45: {  	_ =	shalt  }
0x46: {  	_ =	shalt  }
0x47: {  	_ =	shalt  }
0x48: {  	_ =	shalt  }
0x49: {  	_ =	shalt  }
0x4a: {  	_ =	shalt  }
0x4b: {  	_ =	shalt  }
0x4c: {  	_ =	shalt  }
0x4d: {  	_ =	shalt  }
0x4e: {  	_ =	shalt  }
0x4f: {  	_ =	shalt  }
0x50: {  	_ =	shalt  }
0x51: {  	_ =	shalt  }
0x52: {  	_ =	shalt  }
0x53: {  	_ =	shalt  }
0x54: {  	_ =	shalt  }
0x55: {  	_ =	shalt  }
0x56: {  	_ =	shalt  }
0x57: {  	_ =	shalt  }
0x58: {  	_ =	shalt  }
0x59: {  	_ =	shalt  }
0x5a: {  	_ =	shalt  }
0x5b: {  	_ =	shalt  }
0x5c: {  	_ =	shalt  }
0x5d: {  	_ =	shalt  }
0x5e: {  	_ =	shalt  }
0x5f: {  	_ =	shalt  }
0x60: {  	_ =	shalt  }
0x61: {  	_ =	shalt  }
0x62: {  	_ =	shalt  }
0x63: {  	_ =	shalt  }
0x64: {  	_ =	shalt  }
0x65: {  	_ =	shalt  }
0x66: {  	_ =	shalt  }
0x67: {  	_ =	shalt  }
0x68: {  	_ =	shalt  }
0x69: {  	_ =	shalt  }
0x6a: {  	_ =	shalt  }
0x6b: {  	_ =	shalt  }
0x6c: {  	_ =	shalt  }
0x6d: {  	_ =	shalt  }
0x6e: {  	_ =	shalt  }
0x6f: {  	_ =	shalt  }
0x70: {  	_ =	shalt  }
0x71: {  	_ =	shalt  }
0x72: {  	_ =	shalt  }
0x73: {  	_ =	shalt  }
0x74: {  	_ =	shalt  }
0x75: {  	_ =	shalt  }
0x76: {  	_ =	shalt  }
0x77: {  	_ =	shalt  }
0x78: {  	_ =	shalt  }
0x79: {  	_ =	shalt  }
0x7a: {  	_ =	shalt  }
0x7b: {  	_ =	shalt  }
0x7c: {  	_ =	shalt  }
0x7d: {  	_ =	shalt  }
0x7e: {  	_ =	shalt  }
0x7f: {  	_ =	shalt  }
0x80: {  	_ =	shalt  }
0x81: {  	_ =	shalt  }
0x82: {  	_ =	shalt  }
0x83: {  	_ =	shalt  }
0x84: {  	_ =	shalt  }
0x85: {  	_ =	shalt  }
0x86: {  	_ =	shalt  }
0x87: {  	_ =	shalt  }
.Lfunc_end0:
.L_simem_size_0:
called_computation_lowered:
.L_overlay_start_0:
0x88: {  	s2 =	sld [smem:$0x3FD9]  }
0x89: {  	s3 =	sld [smem:$0x3FFE];
	_ =	sdelay $0x1  }
0x8a: {  	s1 =	srdreg.scid  }
0x8b: {  	s0 =	sand.u32 $0x1, s1  }
0x8c: {  	s17 =	sshll.u32 s0, $0xA;
	s2 =	sadd.s32 s3, s2  }
0x8d: {  	s2 =	sadd.s32 s2, s17  }
0x8e: {  	[smem:$0x3FBD] =	sst s2  }
0x8f: {  	_ = 	snop  }
0x90: {  	s2 =	sld [smem:$0x3FD0];
	(tm) =	ssettm $0x1  }
0x91: {  	s18 =	sld [smem:$0x3FFB];
	_ =	sdelay $0x3  }
0x92: {  	_ =	strace s18  }
0x93: {  	s3 =	sld [smem:$0x3FFC];
	_ =	sdelay $0x3  }
0x94: {  	_ =	strace s3  }
0x95: {  	s3 =	sld [smem:$0x3FFD];
	_ =	sdelay $0x3  }
0x96: {  	_ =	strace s3  }
0x97: {  	_ =	strace $0x8FFFFFFF  }
0x98: {  	s19 =	sld [smem:$0x3FDB];
	_ =	sdelay $0x1  }
0x99: {  	s4 =	simm.s32 $_scs_section_size  }
0x9a: {  	s5 =	simm.s32 $_size__tile_overlayer_lowered;
	s6 =	simm.s32 $_tile_overlayer_lowered  }
0x9b: {  	s22 =	simm.s32 $0x1BFF;
	s21 =	sshll.u32 s6, $0x1;
	s3 =	sadd.s32 s4, s19  }
0x9c: {  	s7 =	simm.s32 $0x0;
	s20 =	sshll.u32 s5, $0x1;
	s5 =	sadd.s32 s21, s3  }
0x9d: {  	[timem:s7], [sflag:s22] =	dma.local [hbm:s5], s20  }
0x9e: {  	_ =	swait.ge [sflag:s22], s20  }
0x9f: {  	s4 =	ssub.s32 $0x0, s20;
	[sflag:s22] =	ssyncset.done $0x0  }
0xa0: {  	[sflag:s22] =	ssyncadd.s32 s4;
	_ =	sdelay $0x1  }
0xa1: {  	s23 =	simm.s32 $0x1B8B  }
0xa2: {  	_ =	swait.ge [sflag:s23], $0x1  }
0xa3: {  	[sflag:s23] =	ssyncset.done $0x0  }
0xa4: {  	s25 =	simm.s32 $0x1B8E;
	s24 =	sld [smem:$0x3FFE];
	[sflag:s23] =	ssyncadd.s32 $0xFFFFFFFF  }
0xa5: {  	s26 =	simm.s32 $execute0_lowered;
	[smem:$0x3FD2] =	sst s25  }
0xa6: {  	s5 =	sshll.u32 s26, $0x1;
	_ =	strace $0x80000046;
	[dreg:$0x1] =	wrdreg $0xFFFFFFFF  }
0xa7: {  	s28 =	simm.s32 $_size_execute0_lowered;
	s3 =	sadd.s32 s3, s5;
	[dreg:$0x0] =	wrdreg $0x0  }
0xa8: {  	s5 =	sshll.u32 s28, $0x1;
	[dreg:$0x2] =	wrdreg s3  }
0xa9: {  	[dreg:$0x3] =	wrdreg s5  }
0xaa: {  	[dreg:$0x4] =	wrdreg $0xC0  }
0xab: {  	_ =	task [dreg:s7], $0x5FFFF  }
0xac: {  	[dreg:$0x1] =	wrdreg $0xFFFFFFFF  }
0xad: {  	[dreg:$0x0] =	wrdreg $0x60  }
0xae: {  	[dreg:$0x2] =	wrdreg s2  }
0xaf: {  	[dreg:$0x3] =	wrdreg s24  }
0xb0: {  	[dreg:$0x4] =	wrdreg $0x57800  }
0xb1: {  	[dreg:$0x5] =	wrdreg $0x197800  }
0xb2: {  	[dreg:$0x6] =	wrdreg $0x9  }
0xb3: {  	_ =	task.clear_ibuf [dreg:s7], $0x7FFFF;
	_ =	strace $0x90000046  }
0xb4: {  	s29 =	simm.s32 $0x9;
	_ =	strace $0x80000048  }
0xb5: {  	_ =	swait.ge [sflag:s29], $0x1  }
0xb6: {  	[sflag:s29] =	ssyncadd.s32 $0xFFFFFFFF  }
0xb7: {  	_ =	strace $0x90000048  }
0xb8: {  	_ =	sfence  }
0xb9: {  	s30 =	sld [smem:$0x0];
	_ =	sdelay $0x2  }
0xba: {  	s31 =	sshll.u32 s1, $0xD;
	s1 =	sshrl.u32 s1, $0x2  }
0xbb: {  	s3 =	sand.u32 $0x4000, s31;
	s1 =	sadd.s32 s1, s30  }
0xbc: {  	s0 =	sor.u32 s3, s0;
	s1 =	sshll.u32 s1, $0x11  }
0xbd: {  	s0 =	sor.u32 s1, s0  }
0xbe: {  	s0 =	sadd.s32 $0x8F2B, s0  }
0xbf: {  	[sflag:s0] =	ssyncadd.remote.s32 $0x1  }
0xc0: {  	_ =	sfence.sel $0xFFFF  }
0xc1: {  	[dreg:$0x0] =	wrdreg $0xFFFFFFFF;
	(pc) =	sbr.abs _section_cstart, $3  }
0xc2: {  	[dreg:$0x1] =	wrdreg $0xFFFFFFFF  }
0xc3: {  	_ =	task.clear_ibuf [dreg:s7], $0x2FFFF;
	_ =	strace $0x9FFFFFFF  }
0xc4: {  	(tm) =	ssettm $0x7FFFFFFF  }
0xc5: {  	_ =	shalt  }
tec
execute0_lowered:
.L_overlay_start_1:
0x0: {  	(tag) =	ssettag $0x1  }
0x1: {  	s1 =	rddreg [dreg:$0x0]  }
0x2: {  	s0 =	rddreg [dreg:$0x1]  }
0x3: {  	s2 =	rddreg [dreg:$0x2]  }
0x4: {  	s15 =	rddreg [dreg:$0x3];
	s18 =	simm.s32 $0x0  }
0x5: {  	s4 =	srdreg.scid;
	s17 =	stileid.u32;
	s30 =	simm.s32 $0x2F00  }
0x6: {  	s31 =	simm.s32 $0x3;
	[smem:$0x7FF] =	sst s18;
	s4 =	sand.u32 $0x1, s4  }
0x7: {  	s5 =	smul.u32 $0x280, s17;
	s6 =	sadd.s32 $0x1000, s0;
	s7 =	sadd.s32 $0xEAE00, s0  }
0x8: {  	s8 =	sadd.s32 $0x600, s0;
	s12 =	smul.u32 $0x50000, s17;
	s13 =	sadd.s32 $0xB800, s0  }
0x9: {  	s21 =	smul.u32 $0x2710, s17;
	s3 =	smov.u32 s15;
	p0 =	seq.s32 s17, $0xF  }
0xa: {  	_ =	strace $0x80000047;
	s9 =	sshll.u32 s4, $0x7;
	s10 =	smul.u32 $0x2800, s4  }
0xb: {  	s14 =	ssub.s32 $0x2, s4;
	s19 =	smul.u32 $0x27100, s4;
	s11 =	sadd.s32 s9, s0  }
0xc: {  	s9 =	sadd.s32 $0x9CA00, s0;
	s16 =	sshrl.u32 s14, $0x1;
	s12 =	sshrl.u32 s12, $0x2  }
0xd: {  	s28 =	sadd.s32 s5, s15;
	s10 =	sadd.s32 s5, s10;
	s26 =	sadd.s32 s12, s2  }
0xe: {  	s12 =	sadd.s32 s21, s19;
	s24 =	sadd.s32 $0xEAC00, s11;
	[dreg:$0xb] =	wrdreg s28  }
0xf: {  	s10 =	sshrl.u32 s10, $0x3;
	s2 =	sadd.s32 $0x2800, s26;
	[dreg:$0xc] =	wrdreg s24  }
0x10: {  	s20 =	sadd.s32 $0x5000, s26;
	s22 =	sadd.s32 $0x7800, s26;
	[dreg:$0x6] =	wrdreg s26  }
0x11: {  	s23 =	sadd.s32 $0xA000, s26;
	s25 =	sshrl.u32 s12, $0x3;
	[dreg:$0x7] =	wrdreg s2  }
0x12: {  	s21 =	sadd.s32 $0xA0, s12;
	s17 =	sadd.s32 $0xC800, s26;
	[dreg:$0x8] =	wrdreg s20  }
0x13: {  	s19 =	sadd.s32 $0xF000, s26;
	s0 =	sadd.s32 s10, s0;
	[dreg:$0x9] =	wrdreg s22  }
0x14: {  	s10 =	ssub.s32 s14, s16;
	[dreg:$0xa] =	wrdreg s23;
	s16 =	smul.u32 $0x2710, s4  }
0x15: {  	s24 =	sadd.s32 $0x100, s28;
	s4 =	smul.u32 $0x138800, s4;
	[dreg:$0x13] =	wrdreg s17  }
0x16: {  	s2 =	smov.u32 s1;
	s1 =	sadd.s32 s1, s25;
	[dreg:$0x14] =	wrdreg s19  }
0x17: {  	s29 =	sadd.s32 s6, s25;
	s20 =	sadd.s32 $0x50, s12;
	[dreg:$0x17] =	wrdreg s24  }
0x18: {  	s22 =	sadd.s32 $0x11800, s26;
	s23 =	sadd.s32 $0x80, s28;
	[dreg:$0xd] =	wrdreg s1  }
0x19: {  	s25 =	sadd.s32 $0x180, s28;
	s12 =	simm.s32 $0x80;
	[dreg:$0xe] =	wrdreg s29  }
0x1a: {  	s19 =	simm.s32 $0x1;
	s24 =	simm.s32 $0x180;
	[dreg:$0x15] =	wrdreg s22  }
0x1b: {  	s0 =	sadd.s32 $0xAE00, s0;
	s15 =	smax.u32 s10, $0x1;
	[dreg:$0x16] =	wrdreg s23  }
0x1c: {  	[dreg:$0x18] =	wrdreg s25;
	s29 =	sadd.s32 $0x200, s28;
	s22 =	simm.s32 $0x400  }
0x1d: {  	s25 =	simm.s32 $0x280;
	s10 =	simm.s32 $0x7;
	[dreg:$0x10] =	wrdreg s0  }
0x1e: {  	s23 =	simm.s32 $0x4;
	s5 =	sadd.s32 s5, s16;
	[dreg:$0x12] =	wrdreg s15  }
0x1f: {  	s4 =	sshrl.u32 s4, $0x3;
	[dreg:$0x19] =	wrdreg s29;
	s0 =	simm.s32 $0x2  }
0x20: {  	s15 =	simm.s32 $0x5;
	s5 =	sshll.u32 s5, $0x4;
	s4 =	sadd.s32 s13, s4  }
0x21: {  	s11 =	sadd.s32 s13, s5;
	s14 =	sadd.s32 $0x25800, s4;
	s4 =	simm.s32 $0x700  }
0x22: {  	s13 =	simm.s32 $0x50;
	s5 =	simm.s32 $0x480;
	[dreg:$0xf] =	wrdreg s11  }
0x23: {  	v1 =	vimm.f32 $0.0e+00;
	v0 =	vmov s16;
	[dreg:$0x11] =	wrdreg s14;
	s11 =	simm.s32 $0x9;
	s14 =	simm.s32 $0x200  }
.LBB2_1:
0x24: {  	s16 =	simm.s32 $0x0;
	s17 =	simm.s32 $0x200  }
.LBB2_2:
0x25: {  	p1 =	sne.s32 s17, $0x9E00;
	[tilespmem:s16+$0x770] =	vst v1  }
0x26: {  	[tilespmem:s16+$0x700] =	vst v1  }
0x27: {  	[tilespmem:s16+$0x710] =	vst v1  }
.Ltmp0:
0x28: {  	[tilespmem:s16+$0x720] =	vst v1;
	(pc) =	sbr.rel @p1 .LBB2_2-.Ltmp0, $4  }
0x29: {  	[tilespmem:s16+$0x730] =	vst v1  }
0x2a: {  	[tilespmem:s16+$0x740] =	vst v1  }
0x2b: {  	[tilespmem:s16+$0x750] =	vst v1  }
0x2c: {  	[tilespmem:s16+$0x760] =	vst v1;
	s16 =	sshra.s32 s17, $0x2;
	s17 =	sadd.s32 $0x200, s17  }
0x2d: {  	[tilespmem:s16+$0x770] =	vst v1  }
0x2e: {  	[tilespmem:s16+$0x700] =	vst v1  }
0x2f: {  	[tilespmem:s16+$0x710] =	vst v1  }
0x30: {  	[tilespmem:s16+$0x720] =	vst v1  }
0x31: {  	[tilespmem:s16+$0x730] =	vst v1  }
0x32: {  	[tilespmem:s16+$0x740] =	vst v1  }
0x33: {  	[tilespmem:s16+$0x750] =	vst v1  }
0x34: {  	[dreg:$0x5] =	wrdreg s18;
	[tilespmem:s16+$0x760] =	vst v1  }
0x35: {  	[spmem:s26] =	stream.linear.scatter [tilespmem:s4], [sflag:$0x9], $0x2800, $0x38;
	[tilespmem:$0x19A00] =	vst v63  }
0x36: {  	_ =	swait.ge [sflag:s11], $0x2800  }
0x37: {  	[sflag:s11] =	ssyncset.done $0x0  }
0x38: {  	s1 =	rddreg [dreg:$0x7];
	[sflag:s11] =	ssyncadd.s32 $0xFFFFD800  }
0x39: {  	[spmem:s1] =	stream.linear.scatter [tilespmem:s4], [sflag:$0x9], $0x2800, $0x38;
	[tilespmem:$0x19A00] =	vst v63  }
0x3a: {  	_ =	swait.ge [sflag:s11], $0x2800  }
0x3b: {  	[sflag:s11] =	ssyncset.done $0x0  }
0x3c: {  	s17 =	rddreg [dreg:$0x8];
	[sflag:s11] =	ssyncadd.s32 $0xFFFFD800  }
0x3d: {  	[spmem:s17] =	stream.linear.scatter [tilespmem:s4], [sflag:$0x9], $0x2800, $0x38;
	[tilespmem:$0x19A00] =	vst v63  }
0x3e: {  	_ =	swait.ge [sflag:s11], $0x2800  }
0x3f: {  	[sflag:s11] =	ssyncset.done $0x0  }
0x40: {  	s18 =	rddreg [dreg:$0x9];
	[sflag:s11] =	ssyncadd.s32 $0xFFFFD800  }
0x41: {  	[spmem:s18] =	stream.linear.scatter [tilespmem:s4], [sflag:$0x9], $0x2800, $0x38;
	[tilespmem:$0x19A00] =	vst v63  }
0x42: {  	_ =	swait.ge [sflag:s11], $0x2800  }
0x43: {  	[sflag:s11] =	ssyncset.done $0x0  }
0x44: {  	s26 =	rddreg [dreg:$0xa];
	[sflag:s11] =	ssyncadd.s32 $0xFFFFD800  }
0x45: {  	[spmem:s26] =	stream.linear.scatter [tilespmem:s4], [sflag:$0x9], $0x2800, $0x38;
	[tilespmem:$0x19A00] =	vst v63  }
0x46: {  	_ =	swait.ge [sflag:s11], $0x2800  }
0x47: {  	[sflag:s11] =	ssyncset.done $0x0  }
0x48: {  	s29 =	rddreg [dreg:$0x13];
	[sflag:s11] =	ssyncadd.s32 $0xFFFFD800  }
0x49: {  	[spmem:s29] =	stream.linear.scatter [tilespmem:s4], [sflag:$0x9], $0x2800, $0x38;
	[tilespmem:$0x19A00] =	vst v63  }
0x4a: {  	_ =	swait.ge [sflag:s11], $0x2800  }
0x4b: {  	[sflag:s11] =	ssyncset.done $0x0  }
0x4c: {  	s16 =	rddreg [dreg:$0x14];
	[sflag:s11] =	ssyncadd.s32 $0xFFFFD800  }
0x4d: {  	[spmem:s16] =	stream.linear.scatter [tilespmem:s4], [sflag:$0x9], $0x2800, $0x38;
	[tilespmem:$0x19A00] =	vst v63  }
0x4e: {  	_ =	swait.ge [sflag:s11], $0x2800  }
0x4f: {  	[sflag:s11] =	ssyncset.done $0x0  }
0x50: {  	s17 =	rddreg [dreg:$0x15];
	[sflag:s11] =	ssyncadd.s32 $0xFFFFD800  }
0x51: {  	[spmem:s17] =	stream.linear.scatter [tilespmem:s4], [sflag:$0x9], $0x2800, $0x38;
	[tilespmem:$0x19A00] =	vst v63  }
0x52: {  	_ =	swait.ge [sflag:s11], $0x2800  }
0x53: {  	[sflag:s11] =	ssyncset.done $0x0  }
0x54: {  	[sflag:s11] =	ssyncadd.s32 $0xFFFFD800  }
0x55: {  	[spmem:s28] =	stream.linear.scatter [tilespmem:s4], [sflag:$0x9], $0x80, $0x38;
	[tilespmem:$0x19A00] =	vst v63  }
0x56: {  	_ =	swait.ge [sflag:s11], $0x80  }
0x57: {  	[sflag:s11] =	ssyncset.done $0x0  }
0x58: {  	s18 =	rddreg [dreg:$0x16];
	[sflag:s11] =	ssyncadd.s32 $0xFFFFFF80  }
0x59: {  	[spmem:s18] =	stream.linear.scatter [tilespmem:s4], [sflag:$0x9], $0x80, $0x38;
	[tilespmem:$0x19A00] =	vst v63  }
0x5a: {  	_ =	swait.ge [sflag:s11], $0x80  }
0x5b: {  	[sflag:s11] =	ssyncset.done $0x0  }
0x5c: {  	s26 =	rddreg [dreg:$0x17];
	[sflag:s11] =	ssyncadd.s32 $0xFFFFFF80  }
0x5d: {  	[spmem:s26] =	stream.linear.scatter [tilespmem:s4], [sflag:$0x9], $0x80, $0x38;
	[tilespmem:$0x19A00] =	vst v63  }
0x5e: {  	_ =	swait.ge [sflag:s11], $0x80  }
0x5f: {  	[sflag:s11] =	ssyncset.done $0x0  }
0x60: {  	s29 =	rddreg [dreg:$0x18];
	[sflag:s11] =	ssyncadd.s32 $0xFFFFFF80  }
0x61: {  	[spmem:s29] =	stream.linear.scatter [tilespmem:s4], [sflag:$0x9], $0x80, $0x38;
	[tilespmem:$0x19A00] =	vst v63  }
0x62: {  	_ =	swait.ge [sflag:s11], $0x80  }
0x63: {  	[sflag:s11] =	ssyncset.done $0x0  }
0x64: {  	s16 =	rddreg [dreg:$0x19];
	[sflag:s11] =	ssyncadd.s32 $0xFFFFFF80  }
0x65: {  	[spmem:s16] =	stream.linear.scatter [tilespmem:s4], [sflag:$0x9], $0x80, $0x38;
	[tilespmem:$0x19A00] =	vst v63  }
0x66: {  	_ =	swait.ge [sflag:s11], $0x80  }
0x67: {  	s18 =	simm.s32 $0x5700;
	[sflag:s11] =	ssyncset.done $0x0  }
0x68: {  	s26 =	simm.s32 $0x0;
	s17 =	rddreg [dreg:$0xc];
	[sflag:s11] =	ssyncadd.s32 $0xFFFFFF80  }
0x69: {  	[tilespmem:s18], [sflag:$0x9] =	stream.linear.gather [hbm4b:s17+s26], $0x10, $0x38;
	[tilespmem:$0x19A00] =	vst v63  }
0x6a: {  	_ =	swait.ge [sflag:s11], $0x10  }
0x6b: {  	[sflag:s11] =	ssyncset.done $0x0  }
0x6c: {  	[sflag:s11] =	ssyncadd.s32 $0xFFFFFFF0  }
0x6d: {  	v2 =	vld [tilespmem:$0x5700];
	[bflag:$0x0] =	sbarrier.arrive $0xFFFF  }
0x6e: {  	s29 =	rddreg [dreg:$0xd]  }
0x6f: {  	[tilespmem:s26], [sflag:$0x9] =	stream.linear.gather [hbm4b:s29+s26], $0x50, $0x38;
	[tilespmem:$0x19A00] =	vst v63  }
0x70: {  	_ =	swait.ge [sflag:s11], $0x50  }
0x71: {  	[sflag:s11] =	ssyncset.done $0x0  }
0x72: {  	s16 =	rddreg [dreg:$0xe];
	[sflag:s11] =	ssyncadd.s32 $0xFFFFFFB0  }
0x73: {  	[tilespmem:s12], [sflag:$0x9] =	stream.linear.gather [hbm4b:s16+s26], $0x50, $0x38;
	[tilespmem:$0x19A00] =	vst v63  }
0x74: {  	_ =	swait.ge [sflag:s11], $0x50  }
0x75: {  	[sflag:s11] =	ssyncset.done $0x0  }
0x76: {  	[sflag:s11] =	ssyncadd.s32 $0xFFFFFFB0  }
0x77: {  	v3 =	vld [tilespmem:$0x0]  }
0x78: {  	v4 =	vld [tilespmem:$0x80]  }
0x79: {  	v5 =	vld [tilespmem:$0x10]  }
0x7a: {  	v6 =	vld [tilespmem:$0x90]  }
0x7b: {  	v7 =	vld [tilespmem:$0x20]  }
0x7c: {  	v8 =	vld [tilespmem:$0xA0];
	v3 =	vadd.s32 v0, v3  }
0x7d: {  	v60 =	vld [tilespmem:$0x30];
	[tilespmem:$0x200] =	vst v3;
	v3 =	vadd.s32 v0, v4  }
0x7e: {  	v61 =	vld [tilespmem:$0xB0];
	[tilespmem:$0x300] =	vst v3;
	v3 =	vadd.s32 v0, v5  }
0x7f: {  	v62 =	vld [tilespmem:$0x40];
	[tilespmem:$0x210] =	vst v3;
	v3 =	vadd.s32 v0, v6  }
0x80: {  	v63 =	vld [tilespmem:$0xC0];
	[tilespmem:$0x310] =	vst v3;
	v3 =	vadd.s32 v0, v7  }
0x81: {  	[tilespmem:$0x220] =	vst v3;
	v3 =	vadd.s32 v0, v8  }
0x82: {  	[tilespmem:$0x320] =	vst v3;
	v3 =	vadd.s32 v0, v60  }
0x83: {  	[tilespmem:$0x230] =	vst v3;
	v3 =	vadd.s32 v0, v61  }
0x84: {  	[tilespmem:$0x330] =	vst v3;
	v3 =	vadd.s32 v0, v62  }
0x85: {  	[tilespmem:$0x240] =	vst v3;
	v3 =	vadd.s32 v0, v63  }
0x86: {  	s17 =	simm.s32 $0x500;
	[tilespmem:$0x340] =	vst v3  }
0x87: {  	[tilespmem:s17], [sflag:$0x1] =	stream.indirect.gather [hbm4b:s7+s13], $0x1, s14, s13, $0xb8;
	[tilespmem:$0x19A00] =	vst v63  }
0x88: {  	s18 =	simm.s32 $0x300;
	s29 =	simm.s32 $0x600  }
0x89: {  	[tilespmem:s29], [sflag:$0x1] =	stream.indirect.gather [hbm4b:s8+s13], $0x1, s18, s13, $0xb8;
	[tilespmem:$0x19A00] =	vst v63  }
0x8a: {  	s28 =	simm.s32 $0x0  }
0x8b: {  	[tilespmem:s4], [sflag:$0x3] =	stream.indirect.gather [hbm4b:s9+s13], $0x80, s14, s13, $0xb8;
	[tilespmem:$0x19A00] =	vst v63  }
.LBB2_4:
0x8c: {  	_ =	swait.ge [sflag:s19], $0x50  }
0x8d: {  	[sflag:s19] =	ssyncset.done $0x0  }
0x8e: {  	[sflag:s19] =	ssyncadd.s32 $0xFFFFFFB0  }
0x8f: {  	_ =	swait.ge [sflag:s19], $0x50  }
0x90: {  	[sflag:s19] =	ssyncset.done $0x0  }
0x91: {  	[sflag:s19] =	ssyncadd.s32 $0xFFFFFFB0  }
0x92: {  	v3 =	vld [tilespmem:$0x500]  }
0x93: {  	v4 =	vld [tilespmem:$0x600]  }
0x94: {  	v5 =	vld [tilespmem:$0x510]  }
0x95: {  	v6 =	vld [tilespmem:$0x610]  }
0x96: {  	v7 =	vld [tilespmem:$0x520]  }
0x97: {  	v8 =	vld [tilespmem:$0x620]  }
0x98: {  	v11 =	vld [tilespmem:$0x540]  }
0x99: {  	v12 =	vld [tilespmem:$0x640]  }
0x9a: {  	v9 =	vld [tilespmem:$0x630]  }
0x9b: {  	v3 =	vadd.f32 v4, v3;
	v4 =	vld [tilespmem:$0x530];
	_ =	sdelay $0x1  }
0x9c: {  	v5 =	vadd.f32 v6, v5  }
0x9d: {  	v7 =	vadd.f32 v8, v7;
	v8 =	vadd.f32 v12, v11;
	v10 =	vmul.f32 $2.000000030e-01, v3  }
0x9e: {  	vm0 =	vge.f32 v3, $0.0e+00;
	v6 =	vmul.f32 $2.000000030e-01, v5;
	vm12 =	vge.f32 v5, $0.0e+00  }
0x9f: {  	vm13 =	vge.f32 v7, $0.0e+00;
	vm15 =	vge.f32 v8, $0.0e+00;
	v4 =	vadd.f32 v9, v4  }
0xa0: {  	v3 =	vsel vm0, v3, v10;
	v5 =	vsel vm12, v5, v6;
	v6 =	vmul.f32 $2.000000030e-01, v7  }
0xa1: {  	v3 =	vsub.f32 v3, v2;
	v5 =	vsub.f32 v5, v2;
	v9 =	vmul.f32 $2.000000030e-01, v4  }
0xa2: {  	v6 =	vsel vm13, v7, v6;
	v7 =	vmul.f32 $2.000000030e-01, v8;
	vm14 =	vge.f32 v4, $0.0e+00  }
0xa3: {  	v3 =	vmul.f32 $1.442695020e+00, v3;
	v6 =	vsub.f32 v6, v2;
	v4 =	vsel vm14, v4, v9  }
0xa4: {  	v5 =	vmul.f32 $1.442695020e+00, v5;
	v7 =	vsel vm15, v8, v7;
	v4 =	vsub.f32 v4, v2  }
0xa5: {  	(erf) = vpow2.f32 v3;
	v3 =	vmul.f32 $1.442695020e+00, v6;
	v6 =	vsub.f32 v7, v2  }
0xa6: {  	(erf) = vpow2.f32 v5;
	v4 =	vmul.f32 $1.442695020e+00, v4  }
0xa7: {  	(erf) = vpow2.f32 v3;
	v3 =	vmul.f32 $1.442695020e+00, v6  }
0xa8: {  	(erf) = vpow2.f32 v4  }
0xa9: {  	(erf) = vpow2.f32 v3;
	_ =	sdelay $0x4  }
0xaa: {  	v3 =	vpop (erf)  }
0xab: {  	v4 =	vpop (erf);
	[tilespmem:$0x400] =	vst v3  }
0xac: {  	v3 =	vpop (erf);
	[tilespmem:$0x410] =	vst v4  }
0xad: {  	[tilespmem:$0x420] =	vst v3;
	v4 =	vpop (erf)  }
0xae: {  	p1 =	seq.s32 s28, $0x0;
	[tilespmem:$0x430] =	vst v4;
	v3 =	vpop (erf)  }
0xaf: {  	s16 =	simm.s32 @!p1 $0x6;
	[tilespmem:$0x440] =	vst v3  }
0xb0: {  	_ =	swait.ge @!p1 [sflag:s16], $0x50  }
0xb1: {  	[sflag:s16] =	ssyncset.done @!p1 $0x0  }
0xb2: {  	s29 =	smul.u32 $0xA0, s28;
	[sflag:s16] =	ssyncadd.s32 @!p1 $0xFFFFFFB0;
	s16 =	simm.s32 @!p1 $0x8  }
0xb3: {  	_ =	swait.ge @!p1 [sflag:s16], $0x2800  }
0xb4: {  	s1 =	sadd.s32 s29, s20;
	[sflag:s16] =	ssyncset.done @!p1 $0x0  }
0xb5: {  	[sflag:s16] =	ssyncadd.s32 @!p1 $0xFFFFD800;
	s16 =	sshrl.u32 s1, $0x3  }
0xb6: {  	[spmem:s3] =	stream.indirect.scatter.add.f32 [tilespmem:s22], [sflag:$0x5], $0x1, s12, s13, $0xb8;
	[tilespmem:$0x19A00] =	vst v63  }
0xb7: {  	s1 =	simm.s32 $0x100;
	s17 =	sadd.s32 s2, s16  }
0xb8: {  	[tilespmem:s1], [sflag:$0x9] =	stream.linear.gather [hbm4b:s17+s26], $0x50, $0x38;
	[tilespmem:$0x19A00] =	vst v63  }
0xb9: {  	_ =	swait.ge [sflag:s11], $0x50  }
0xba: {  	[sflag:s11] =	ssyncset.done $0x0  }
0xbb: {  	s16 =	sadd.s32 s6, s16;
	[sflag:s11] =	ssyncadd.s32 $0xFFFFFFB0  }
0xbc: {  	[tilespmem:s24], [sflag:$0x9] =	stream.linear.gather [hbm4b:s16+s26], $0x50, $0x38;
	[tilespmem:$0x19A00] =	vst v63  }
0xbd: {  	_ =	swait.ge [sflag:s11], $0x50  }
0xbe: {  	[sflag:s11] =	ssyncset.done $0x0  }
0xbf: {  	[sflag:s11] =	ssyncadd.s32 $0xFFFFFFB0  }
0xc0: {  	v3 =	vld [tilespmem:$0x100]  }
0xc1: {  	v4 =	vld [tilespmem:$0x180]  }
0xc2: {  	v5 =	vld [tilespmem:$0x110]  }
0xc3: {  	v6 =	vld [tilespmem:$0x190]  }
0xc4: {  	v7 =	vld [tilespmem:$0x120]  }
0xc5: {  	v8 =	vld [tilespmem:$0x1A0];
	v3 =	vadd.s32 v0, v3  }
0xc6: {  	[tilespmem:$0x280] =	vst v3;
	v3 =	vadd.s32 v0, v4;
	v4 =	vld [tilespmem:$0x130]  }
0xc7: {  	[tilespmem:$0x380] =	vst v3;
	v3 =	vadd.s32 v0, v5;
	v5 =	vld [tilespmem:$0x1B0]  }
0xc8: {  	[tilespmem:$0x290] =	vst v3;
	v3 =	vadd.s32 v0, v6;
	v6 =	vld [tilespmem:$0x140]  }
0xc9: {  	[tilespmem:$0x390] =	vst v3;
	v3 =	vadd.s32 v0, v7;
	v7 =	vld [tilespmem:$0x1C0]  }
0xca: {  	[tilespmem:$0x2A0] =	vst v3;
	v3 =	vadd.s32 v0, v8  }
0xcb: {  	[tilespmem:$0x3A0] =	vst v3;
	v3 =	vadd.s32 v0, v4  }
0xcc: {  	[tilespmem:$0x2B0] =	vst v3;
	v3 =	vadd.s32 v0, v5  }
0xcd: {  	[tilespmem:$0x3B0] =	vst v3;
	v3 =	vadd.s32 v0, v6  }
0xce: {  	[tilespmem:$0x2C0] =	vst v3;
	v3 =	vadd.s32 v0, v7  }
0xcf: {  	s16 =	simm.s32 $0x580;
	[tilespmem:$0x3C0] =	vst v3  }
0xd0: {  	[tilespmem:s16], [sflag:$0x2] =	stream.indirect.gather [hbm4b:s7+s13], $0x1, s25, s13, $0xb8;
	[tilespmem:$0x19A00] =	vst v63  }
0xd1: {  	s18 =	simm.s32 $0x680;
	s17 =	simm.s32 $0x380  }
0xd2: {  	[tilespmem:s18], [sflag:$0x2] =	stream.indirect.gather [hbm4b:s8+s13], $0x1, s17, s13, $0xb8;
	[tilespmem:$0x19A00] =	vst v63  }
0xd3: {  	_ = 	snop  }
0xd4: {  	[tilespmem:s30], [sflag:$0x4] =	stream.indirect.gather [hbm4b:s9+s13], $0x80, s25, s13, $0xb8;
	[tilespmem:$0x19A00] =	vst v63  }
0xd5: {  	_ =	swait.ge [sflag:s31], $0x2800  }
0xd6: {  	v3 =	vmov s26;
	[sflag:s31] =	ssyncset.done $0x0  }
0xd7: {  	s16 =	simm.s32 $0x740;
	[sflag:s31] =	ssyncadd.s32 $0xFFFFD800  }
0xd8: {  	v7 =	vld [tilespmem:s16+$0x30]  }
0xd9: {  	v10 =	vld [tilespmem:s16+$0x10]  }
0xda: {  	v8 =	vld [tilespmem:s16+$0xFFFFFFC0]  }
0xdb: {  	v4 =	vld.idx.msk [tilespmem:v3+s22+$0x0], $0xffff  }
0xdc: {  	v63 =	vld [tilespmem:s16+$0xFFFFFFE0]  }
0xdd: {  	v3 =	vld [tilespmem:s16+$0xFFFFFFF0]  }
0xde: {  	v5 =	vld [tilespmem:s16+$0x20]  }
0xdf: {  	v6 =	vld [tilespmem:s16+$0xFFFFFFD0]  }
0xe0: {  	v11 =	vmul.f32 v7, v4;
	v7 =	vld [tilespmem:s16+$0x0]  }
0xe1: {  	v9 =	vmul.f32 v8, v4  }
0xe2: {  	s17 =	simm.s32 $0x1;
	s18 =	simm.s32 $0x740;
	v8 =	vmul.f32 v63, v4;
	v10 =	vmul.f32 v10, v4  }
.LBB2_5:
0xe3: {  	p1 =	sne.s32 s17, $0x4F  }
0xe4: {  	v6 =	vmul.f32 v6, v4;
	v5 =	vmul.f32 v5, v4;
	[tilespmem:s16+$0x30] =	vst v11;
	s18 =	sadd.s32 $0x80, s18;
	s1 =	smov.u32 s17;
	s17 =	sadd.s32 $0x1, s17  }
0xe5: {  	[tilespmem:s16+$0xFFFFFFC0] =	vst v9;
	v9 =	vmul.f32 v3, v4;
	v4 =	vmul.f32 v7, v4  }
0xe6: {  	[tilespmem:s16+$0x10] =	vst v10  }
0xe7: {  	v7 =	vmov s1;
	[tilespmem:s16+$0xFFFFFFE0] =	vst v8  }
0xe8: {  	v3 =	vld [tilespmem:s18+$0xFFFFFFF0];
	[tilespmem:s16+$0xFFFFFFF0] =	vst v9  }
0xe9: {  	v8 =	vld [tilespmem:s18+$0x30];
	[tilespmem:s16+$0x0] =	vst v4  }
0xea: {  	v10 =	vld [tilespmem:s18+$0x10];
	[tilespmem:s16+$0x20] =	vst v5  }
0xeb: {  	v9 =	vld [tilespmem:s18+$0xFFFFFFC0];
	[tilespmem:s16+$0xFFFFFFD0] =	vst v6;
	s16 =	smov.u32 s18  }
0xec: {  	v4 =	vld.idx.msk [tilespmem:v7+s22+$0x0], $0xffff  }
0xed: {  	v12 =	vld [tilespmem:s18+$0xFFFFFFE0]  }
0xee: {  	v5 =	vld [tilespmem:s18+$0x20]  }
.Ltmp1:
0xef: {  	v6 =	vld [tilespmem:s18+$0xFFFFFFD0];
	(pc) =	sbr.rel @p1 .LBB2_5-.Ltmp1, $3  }
0xf0: {  	v7 =	vld [tilespmem:s18+$0x0];
	_ =	sdelay $0x1  }
0xf1: {  	v9 =	vmul.f32 v9, v4;
	v11 =	vmul.f32 v8, v4  }
0xf2: {  	v10 =	vmul.f32 v10, v4;
	v8 =	vmul.f32 v12, v4  }
0xf3: {  	[tilespmem:s16+$0x30] =	vst v11  }
0xf4: {  	[tilespmem:s16+$0xFFFFFFC0] =	vst v9  }
0xf5: {  	v3 =	vmul.f32 v3, v4;
	[tilespmem:s16+$0x10] =	vst v10  }
0xf6: {  	v5 =	vmul.f32 v5, v4;
	[tilespmem:s16+$0xFFFFFFE0] =	vst v8  }
0xf7: {  	v7 =	vmul.f32 v7, v4;
	[tilespmem:s16+$0xFFFFFFF0] =	vst v3  }
0xf8: {  	v3 =	vmul.f32 v6, v4;
	[tilespmem:s16+$0x20] =	vst v5  }
0xf9: {  	[tilespmem:s16+$0x0] =	vst v7  }
0xfa: {  	s1 =	rddreg [dreg:$0x2];
	[tilespmem:s16+$0xFFFFFFD0] =	vst v3  }
0xfb: {  	[spmem:s1] =	stream.indirect.scatter.add.f32 [tilespmem:s4], [sflag:$0x7], $0x80, s12, s13, $0xb8;
	[tilespmem:$0x19A00] =	vst v63  }
0xfc: {  	_ =	swait.ge [sflag:s0], $0x50  }
0xfd: {  	[sflag:s0] =	ssyncset.done $0x0  }
0xfe: {  	[sflag:s0] =	ssyncadd.s32 $0xFFFFFFB0  }
0xff: {  	_ =	swait.ge [sflag:s0], $0x50  }
0x100: {  	[sflag:s0] =	ssyncset.done $0x0  }
0x101: {  	[sflag:s0] =	ssyncadd.s32 $0xFFFFFFB0  }
0x102: {  	v3 =	vld [tilespmem:$0x580]  }
0x103: {  	v4 =	vld [tilespmem:$0x680]  }
0x104: {  	v5 =	vld [tilespmem:$0x590]  }
0x105: {  	v6 =	vld [tilespmem:$0x690]  }
0x106: {  	v7 =	vld [tilespmem:$0x5A0]  }
0x107: {  	v8 =	vld [tilespmem:$0x6A0]  }
0x108: {  	v11 =	vld [tilespmem:$0x5C0]  }
0x109: {  	v12 =	vld [tilespmem:$0x6C0]  }
0x10a: {  	v9 =	vld [tilespmem:$0x6B0]  }
0x10b: {  	v3 =	vadd.f32 v4, v3;
	v4 =	vld [tilespmem:$0x5B0];
	_ =	sdelay $0x1  }
0x10c: {  	v5 =	vadd.f32 v6, v5  }
0x10d: {  	v7 =	vadd.f32 v8, v7;
	v8 =	vadd.f32 v12, v11;
	v10 =	vmul.f32 $2.000000030e-01, v3  }
0x10e: {  	vm0 =	vge.f32 v3, $0.0e+00;
	v6 =	vmul.f32 $2.000000030e-01, v5;
	vm12 =	vge.f32 v5, $0.0e+00  }
0x10f: {  	vm13 =	vge.f32 v7, $0.0e+00;
	vm15 =	vge.f32 v8, $0.0e+00;
	v4 =	vadd.f32 v9, v4  }
0x110: {  	v3 =	vsel vm0, v3, v10;
	v5 =	vsel vm12, v5, v6;
	v6 =	vmul.f32 $2.000000030e-01, v7  }
0x111: {  	v3 =	vsub.f32 v3, v2;
	v5 =	vsub.f32 v5, v2;
	v9 =	vmul.f32 $2.000000030e-01, v4  }
0x112: {  	v6 =	vsel vm13, v7, v6;
	v7 =	vmul.f32 $2.000000030e-01, v8;
	vm14 =	vge.f32 v4, $0.0e+00  }
0x113: {  	v3 =	vmul.f32 $1.442695020e+00, v3;
	v6 =	vsub.f32 v6, v2;
	v4 =	vsel vm14, v4, v9  }
0x114: {  	v5 =	vmul.f32 $1.442695020e+00, v5;
	v7 =	vsel vm15, v8, v7;
	v4 =	vsub.f32 v4, v2  }
0x115: {  	(erf) = vpow2.f32 v3;
	v3 =	vmul.f32 $1.442695020e+00, v6;
	v6 =	vsub.f32 v7, v2  }
0x116: {  	(erf) = vpow2.f32 v5;
	v4 =	vmul.f32 $1.442695020e+00, v4  }
0x117: {  	(erf) = vpow2.f32 v3;
	v3 =	vmul.f32 $1.442695020e+00, v6  }
0x118: {  	(erf) = vpow2.f32 v4  }
0x119: {  	(erf) = vpow2.f32 v3;
	_ =	sdelay $0x4  }
0x11a: {  	v3 =	vpop (erf)  }
0x11b: {  	v4 =	vpop (erf);
	[tilespmem:$0x480] =	vst v3  }
0x11c: {  	v3 =	vpop (erf);
	[tilespmem:$0x490] =	vst v4  }
0x11d: {  	[tilespmem:$0x4A0] =	vst v3;
	v4 =	vpop (erf)  }
0x11e: {  	[tilespmem:$0x4B0] =	vst v4;
	v3 =	vpop (erf)  }
0x11f: {  	[tilespmem:$0x4C0] =	vst v3  }
0x120: {  	_ =	swait.ge [sflag:s15], $0x50  }
0x121: {  	[sflag:s15] =	ssyncset.done $0x0  }
0x122: {  	[sflag:s15] =	ssyncadd.s32 $0xFFFFFFB0  }
0x123: {  	_ =	swait.ge [sflag:s10], $0x2800  }
0x124: {  	s18 =	sadd.s32 s29, s21;
	[sflag:s10] =	ssyncset.done $0x0  }
0x125: {  	s1 =	sshrl.u32 s18, $0x3;
	[sflag:s10] =	ssyncadd.s32 $0xFFFFD800  }
0x126: {  	[spmem:s3] =	stream.indirect.scatter.add.f32 [tilespmem:s5], [sflag:$0x6], $0x1, s24, s13, $0xb8;
	[tilespmem:$0x19A00] =	vst v63  }
0x127: {  	s17 =	simm.s32 $0x0;
	s29 =	sadd.s32 s2, s1  }
0x128: {  	[tilespmem:s17], [sflag:$0x9] =	stream.linear.gather [hbm4b:s29+s17], $0x50, $0x38;
	[tilespmem:$0x19A00] =	vst v63  }
0x129: {  	_ =	swait.ge [sflag:s11], $0x50  }
0x12a: {  	[sflag:s11] =	ssyncset.done $0x0  }
0x12b: {  	s1 =	sadd.s32 s6, s1;
	[sflag:s11] =	ssyncadd.s32 $0xFFFFFFB0  }
0x12c: {  	[tilespmem:s12], [sflag:$0x9] =	stream.linear.gather [hbm4b:s1+s17], $0x50, $0x38;
	[tilespmem:$0x19A00] =	vst v63  }
0x12d: {  	_ =	swait.ge [sflag:s11], $0x50  }
0x12e: {  	[sflag:s11] =	ssyncset.done $0x0  }
0x12f: {  	[sflag:s11] =	ssyncadd.s32 $0xFFFFFFB0  }
0x130: {  	v3 =	vld [tilespmem:$0x0]  }
0x131: {  	v4 =	vld [tilespmem:$0x80]  }
0x132: {  	v5 =	vld [tilespmem:$0x10]  }
0x133: {  	v6 =	vld [tilespmem:$0x90]  }
0x134: {  	v7 =	vld [tilespmem:$0x20]  }
0x135: {  	v8 =	vld [tilespmem:$0xA0];
	v3 =	vadd.s32 v0, v3  }
0x136: {  	[tilespmem:$0x200] =	vst v3;
	v3 =	vadd.s32 v0, v4;
	v4 =	vld [tilespmem:$0x30]  }
0x137: {  	[tilespmem:$0x300] =	vst v3;
	v3 =	vadd.s32 v0, v5;
	v5 =	vld [tilespmem:$0xB0]  }
0x138: {  	[tilespmem:$0x210] =	vst v3;
	v3 =	vadd.s32 v0, v6;
	v6 =	vld [tilespmem:$0x40]  }
0x139: {  	[tilespmem:$0x310] =	vst v3;
	v3 =	vadd.s32 v0, v7;
	v7 =	vld [tilespmem:$0xC0]  }
0x13a: {  	[tilespmem:$0x220] =	vst v3;
	v3 =	vadd.s32 v0, v8  }
0x13b: {  	[tilespmem:$0x320] =	vst v3;
	v3 =	vadd.s32 v0, v4  }
0x13c: {  	[tilespmem:$0x230] =	vst v3;
	v3 =	vadd.s32 v0, v5  }
0x13d: {  	[tilespmem:$0x330] =	vst v3;
	v3 =	vadd.s32 v0, v6  }
0x13e: {  	[tilespmem:$0x240] =	vst v3;
	v3 =	vadd.s32 v0, v7  }
0x13f: {  	s16 =	simm.s32 $0x500;
	[tilespmem:$0x340] =	vst v3  }
0x140: {  	[tilespmem:s16], [sflag:$0x1] =	stream.indirect.gather [hbm4b:s7+s13], $0x1, s14, s13, $0xb8;
	[tilespmem:$0x19A00] =	vst v63  }
0x141: {  	s18 =	simm.s32 $0x300;
	s29 =	simm.s32 $0x600  }
0x142: {  	[tilespmem:s29], [sflag:$0x1] =	stream.indirect.gather [hbm4b:s8+s13], $0x1, s18, s13, $0xb8;
	[tilespmem:$0x19A00] =	vst v63  }
0x143: {  	_ = 	snop  }
0x144: {  	[tilespmem:s4], [sflag:$0x3] =	stream.indirect.gather [hbm4b:s9+s13], $0x80, s14, s13, $0xb8;
	[tilespmem:$0x19A00] =	vst v63  }
0x145: {  	v3 =	vmov s17;
	_ =	swait.ge [sflag:s23], $0x2800  }
0x146: {  	[sflag:s23] =	ssyncset.done $0x0  }
0x147: {  	s16 =	simm.s32 $0x2F70;
	[sflag:s23] =	ssyncadd.s32 $0xFFFFD800  }
0x148: {  	v7 =	vld [tilespmem:s16+$0x0]  }
0x149: {  	v10 =	vld [tilespmem:s16+$0xFFFFFFE0]  }
0x14a: {  	v3 =	vld.idx.msk [tilespmem:v3+s5+$0x0], $0xffff  }
0x14b: {  	v8 =	vld [tilespmem:s16+$0xFFFFFF90]  }
0x14c: {  	v63 =	vld [tilespmem:s16+$0xFFFFFFB0]  }
0x14d: {  	v4 =	vld [tilespmem:s16+$0xFFFFFFF0]  }
0x14e: {  	v5 =	vld [tilespmem:s16+$0xFFFFFFC0]  }
0x14f: {  	v6 =	vld [tilespmem:s16+$0xFFFFFFA0]  }
0x150: {  	v11 =	vmul.f32 v7, v3;
	v7 =	vld [tilespmem:s16+$0xFFFFFFD0]  }
0x151: {  	v9 =	vmul.f32 v8, v3  }
0x152: {  	s17 =	simm.s32 $0x1;
	s18 =	simm.s32 $0x2F70;
	v8 =	vmul.f32 v63, v3;
	v10 =	vmul.f32 v10, v3  }
.LBB2_7:
0x153: {  	p1 =	sne.s32 s17, $0x4F  }
0x154: {  	v6 =	vmul.f32 v6, v3;
	v12 =	vmul.f32 v4, v3;
	[tilespmem:s16+$0x0] =	vst v11;
	s18 =	sadd.s32 $0x80, s18;
	s1 =	smov.u32 s17;
	s17 =	sadd.s32 $0x1, s17  }
0x155: {  	v5 =	vmul.f32 v5, v3;
	[tilespmem:s16+$0xFFFFFF90] =	vst v9;
	v3 =	vmul.f32 v7, v3  }
0x156: {  	[tilespmem:s16+$0xFFFFFFE0] =	vst v10  }
0x157: {  	v7 =	vmov s1;
	[tilespmem:s16+$0xFFFFFFB0] =	vst v8  }
0x158: {  	v4 =	vld [tilespmem:s18+$0xFFFFFFF0];
	[tilespmem:s16+$0xFFFFFFC0] =	vst v5  }
0x159: {  	v8 =	vld [tilespmem:s18+$0x0];
	[tilespmem:s16+$0xFFFFFFD0] =	vst v3  }
0x15a: {  	v5 =	vld [tilespmem:s18+$0xFFFFFFC0];
	[tilespmem:s16+$0xFFFFFFF0] =	vst v12  }
0x15b: {  	v10 =	vld [tilespmem:s18+$0xFFFFFFE0];
	[tilespmem:s16+$0xFFFFFFA0] =	vst v6;
	s16 =	smov.u32 s18  }
0x15c: {  	v3 =	vld.idx.msk [tilespmem:v7+s5+$0x0], $0xffff  }
0x15d: {  	v9 =	vld [tilespmem:s18+$0xFFFFFF90]  }
0x15e: {  	v12 =	vld [tilespmem:s18+$0xFFFFFFB0]  }
.Ltmp2:
0x15f: {  	v6 =	vld [tilespmem:s18+$0xFFFFFFA0];
	(pc) =	sbr.rel @p1 .LBB2_7-.Ltmp2, $3  }
0x160: {  	v7 =	vld [tilespmem:s18+$0xFFFFFFD0];
	_ =	sdelay $0x1  }
0x161: {  	v11 =	vmul.f32 v8, v3;
	v9 =	vmul.f32 v9, v3  }
0x162: {  	v10 =	vmul.f32 v10, v3;
	v8 =	vmul.f32 v12, v3  }
0x163: {  	[tilespmem:s16+$0x0] =	vst v11  }
0x164: {  	[tilespmem:s16+$0xFFFFFF90] =	vst v9  }
0x165: {  	v5 =	vmul.f32 v5, v3;
	s28 =	sadd.s32 $0x1, s28;
	[tilespmem:s16+$0xFFFFFFE0] =	vst v10  }
0x166: {  	v4 =	vmul.f32 v4, v3;
	[tilespmem:s16+$0xFFFFFFB0] =	vst v8;
	p1 =	sne.s32 s28, $0x3E  }
.Ltmp3:
0x167: {  	v7 =	vmul.f32 v7, v3;
	[tilespmem:s16+$0xFFFFFFC0] =	vst v5;
	(pc) =	sbr.rel @p1 .LBB2_4-.Ltmp3, $4  }
0x168: {  	v3 =	vmul.f32 v6, v3;
	[tilespmem:s16+$0xFFFFFFF0] =	vst v4  }
0x169: {  	[tilespmem:s16+$0xFFFFFFD0] =	vst v7  }
0x16a: {  	s1 =	rddreg [dreg:$0x2];
	[tilespmem:s16+$0xFFFFFFA0] =	vst v3  }
0x16b: {  	[spmem:s1] =	stream.indirect.scatter.add.f32 [tilespmem:s30], [sflag:$0x8], $0x80, s24, s13, $0xb8;
	[tilespmem:$0x19A00] =	vst v63  }
0x16c: {  	_ =	swait.ge [sflag:s19], $0x50  }
0x16d: {  	[sflag:s19] =	ssyncset.done $0x0  }
0x16e: {  	[sflag:s19] =	ssyncadd.s32 $0xFFFFFFB0  }
0x16f: {  	_ =	swait.ge [sflag:s19], $0x50  }
0x170: {  	[sflag:s19] =	ssyncset.done $0x0  }
0x171: {  	[sflag:s19] =	ssyncadd.s32 $0xFFFFFFB0  }
0x172: {  	v3 =	vld [tilespmem:$0x500]  }
0x173: {  	v4 =	vld [tilespmem:$0x600]  }
0x174: {  	v5 =	vld [tilespmem:$0x510]  }
0x175: {  	v6 =	vld [tilespmem:$0x610]  }
0x176: {  	v7 =	vld [tilespmem:$0x520]  }
0x177: {  	v8 =	vld [tilespmem:$0x620]  }
0x178: {  	v11 =	vld [tilespmem:$0x540]  }
0x179: {  	v12 =	vld [tilespmem:$0x640]  }
0x17a: {  	v9 =	vld [tilespmem:$0x630]  }
0x17b: {  	v3 =	vadd.f32 v4, v3;
	v4 =	vld [tilespmem:$0x530];
	_ =	sdelay $0x1  }
0x17c: {  	v5 =	vadd.f32 v6, v5  }
0x17d: {  	v6 =	vadd.f32 v8, v7;
	v8 =	vadd.f32 v12, v11;
	v10 =	vmul.f32 $2.000000030e-01, v3  }
0x17e: {  	vm0 =	vge.f32 v3, $0.0e+00;
	v7 =	vmul.f32 $2.000000030e-01, v5;
	vm12 =	vge.f32 v5, $0.0e+00  }
0x17f: {  	vm13 =	vge.f32 v6, $0.0e+00;
	vm15 =	vge.f32 v8, $0.0e+00;
	v4 =	vadd.f32 v9, v4  }
0x180: {  	v3 =	vsel vm0, v3, v10;
	v5 =	vsel vm12, v5, v7;
	v7 =	vmul.f32 $2.000000030e-01, v6  }
0x181: {  	v3 =	vsub.f32 v3, v2;
	v5 =	vsub.f32 v5, v2;
	v9 =	vmul.f32 $2.000000030e-01, v4  }
0x182: {  	v6 =	vsel vm13, v6, v7;
	v7 =	vmul.f32 $2.000000030e-01, v8;
	vm14 =	vge.f32 v4, $0.0e+00  }
0x183: {  	v3 =	vmul.f32 $1.442695020e+00, v3;
	v6 =	vsub.f32 v6, v2;
	v4 =	vsel vm14, v4, v9  }
0x184: {  	v5 =	vmul.f32 $1.442695020e+00, v5;
	v7 =	vsel vm15, v8, v7;
	v4 =	vsub.f32 v4, v2  }
0x185: {  	(erf) = vpow2.f32 v3;
	v3 =	vmul.f32 $1.442695020e+00, v6;
	v2 =	vsub.f32 v7, v2  }
0x186: {  	(erf) = vpow2.f32 v5;
	v4 =	vmul.f32 $1.442695020e+00, v4  }
0x187: {  	(erf) = vpow2.f32 v3;
	v2 =	vmul.f32 $1.442695020e+00, v2  }
0x188: {  	(erf) = vpow2.f32 v4  }
0x189: {  	(erf) = vpow2.f32 v2;
	_ =	sdelay $0x4  }
0x18a: {  	v2 =	vpop (erf)  }
0x18b: {  	v3 =	vpop (erf);
	[tilespmem:$0x400] =	vst v2  }
0x18c: {  	v2 =	vpop (erf);
	[tilespmem:$0x410] =	vst v3  }
0x18d: {  	[tilespmem:$0x420] =	vst v2;
	v3 =	vpop (erf)  }
0x18e: {  	[tilespmem:$0x430] =	vst v3;
	v2 =	vpop (erf)  }
0x18f: {  	s1 =	simm.s32 $0x6;
	[tilespmem:$0x440] =	vst v2  }
0x190: {  	_ =	swait.ge [sflag:s1], $0x50  }
0x191: {  	[sflag:s1] =	ssyncset.done $0x0  }
0x192: {  	s28 =	simm.s32 $0x8;
	[sflag:s1] =	ssyncadd.s32 $0xFFFFFFB0  }
0x193: {  	_ =	swait.ge [sflag:s28], $0x2800  }
0x194: {  	[sflag:s28] =	ssyncset.done $0x0  }
0x195: {  	[sflag:s28] =	ssyncadd.s32 $0xFFFFD800  }
0x196: {  	[spmem:s3] =	stream.indirect.scatter.add.f32 [tilespmem:s22], [sflag:$0x5], $0x1, s12, s13, $0xb8;
	[tilespmem:$0x19A00] =	vst v63  }
0x197: {  	s29 =	simm.s32 $0x0;
	_ =	swait.ge [sflag:s31], $0x2800  }
0x198: {  	v2 =	vmov s29;
	[sflag:s31] =	ssyncset.done $0x0  }
0x199: {  	s16 =	simm.s32 $0x740;
	[sflag:s31] =	ssyncadd.s32 $0xFFFFD800  }
0x19a: {  	v6 =	vld [tilespmem:s16+$0x30]  }
0x19b: {  	v9 =	vld [tilespmem:s16+$0x10]  }
0x19c: {  	v7 =	vld [tilespmem:s16+$0xFFFFFFC0]  }
0x19d: {  	v3 =	vld.idx.msk [tilespmem:v2+s22+$0x0], $0xffff  }
0x19e: {  	v11 =	vld [tilespmem:s16+$0xFFFFFFE0]  }
0x19f: {  	v2 =	vld [tilespmem:s16+$0xFFFFFFF0]  }
0x1a0: {  	v4 =	vld [tilespmem:s16+$0x20]  }
0x1a1: {  	v5 =	vld [tilespmem:s16+$0xFFFFFFD0]  }
0x1a2: {  	v10 =	vmul.f32 v6, v3;
	v6 =	vld [tilespmem:s16+$0x0]  }
0x1a3: {  	v8 =	vmul.f32 v7, v3  }
0x1a4: {  	s17 =	simm.s32 $0x1;
	s18 =	simm.s32 $0x740;
	v7 =	vmul.f32 v11, v3;
	v9 =	vmul.f32 v9, v3  }
.LBB2_10:
0x1a5: {  	p1 =	sne.s32 s17, $0x4F  }
0x1a6: {  	v5 =	vmul.f32 v5, v3;
	v4 =	vmul.f32 v4, v3;
	[tilespmem:s16+$0x30] =	vst v10;
	s18 =	sadd.s32 $0x80, s18;
	s1 =	smov.u32 s17;
	s17 =	sadd.s32 $0x1, s17  }
0x1a7: {  	[tilespmem:s16+$0xFFFFFFC0] =	vst v8;
	v8 =	vmul.f32 v2, v3;
	v3 =	vmul.f32 v6, v3  }
0x1a8: {  	[tilespmem:s16+$0x10] =	vst v9  }
0x1a9: {  	v6 =	vmov s1;
	[tilespmem:s16+$0xFFFFFFE0] =	vst v7  }
0x1aa: {  	v2 =	vld [tilespmem:s18+$0xFFFFFFF0];
	[tilespmem:s16+$0xFFFFFFF0] =	vst v8  }
0x1ab: {  	v7 =	vld [tilespmem:s18+$0x30];
	[tilespmem:s16+$0x0] =	vst v3  }
0x1ac: {  	v9 =	vld [tilespmem:s18+$0x10];
	[tilespmem:s16+$0x20] =	vst v4  }
0x1ad: {  	v8 =	vld [tilespmem:s18+$0xFFFFFFC0];
	[tilespmem:s16+$0xFFFFFFD0] =	vst v5;
	s16 =	smov.u32 s18  }
0x1ae: {  	v3 =	vld.idx.msk [tilespmem:v6+s22+$0x0], $0xffff  }
0x1af: {  	v11 =	vld [tilespmem:s18+$0xFFFFFFE0]  }
0x1b0: {  	v4 =	vld [tilespmem:s18+$0x20]  }
.Ltmp4:
0x1b1: {  	v5 =	vld [tilespmem:s18+$0xFFFFFFD0];
	(pc) =	sbr.rel @p1 .LBB2_10-.Ltmp4, $3  }
0x1b2: {  	v6 =	vld [tilespmem:s18+$0x0];
	_ =	sdelay $0x1  }
0x1b3: {  	v8 =	vmul.f32 v8, v3;
	v10 =	vmul.f32 v7, v3  }
0x1b4: {  	v9 =	vmul.f32 v9, v3;
	v7 =	vmul.f32 v11, v3  }
0x1b5: {  	[tilespmem:s16+$0x30] =	vst v10  }
0x1b6: {  	[tilespmem:s16+$0xFFFFFFC0] =	vst v8  }
0x1b7: {  	v2 =	vmul.f32 v2, v3;
	[tilespmem:s16+$0x10] =	vst v9  }
0x1b8: {  	v4 =	vmul.f32 v4, v3;
	[tilespmem:s16+$0xFFFFFFE0] =	vst v7  }
0x1b9: {  	v6 =	vmul.f32 v6, v3;
	[tilespmem:s16+$0xFFFFFFF0] =	vst v2  }
0x1ba: {  	v2 =	vmul.f32 v5, v3;
	[tilespmem:s16+$0x20] =	vst v4  }
0x1bb: {  	[tilespmem:s16+$0x0] =	vst v6  }
0x1bc: {  	s1 =	rddreg [dreg:$0x2];
	[tilespmem:s16+$0xFFFFFFD0] =	vst v2  }
0x1bd: {  	[spmem:s1] =	stream.indirect.scatter.add.f32 [tilespmem:s4], [sflag:$0x7], $0x80, s12, s13, $0xb8;
	[tilespmem:$0x19A00] =	vst v63  }
0x1be: {  	_ =	swait.ge [sflag:s15], $0x50  }
0x1bf: {  	[sflag:s15] =	ssyncset.done $0x0  }
0x1c0: {  	[sflag:s15] =	ssyncadd.s32 $0xFFFFFFB0  }
0x1c1: {  	_ =	swait.ge [sflag:s10], $0x2800  }
0x1c2: {  	[sflag:s10] =	ssyncset.done $0x0  }
0x1c3: {  	[sflag:s10] =	ssyncadd.s32 $0xFFFFD800  }
0x1c4: {  	s18 =	stileid.u32;
	[bflag:$0x0] =	sbarrier.arrive $0xFFFF  }
0x1c5: {  	s1 =	sshll.u32 s18, $0x6;
	s28 =	rddreg [dreg:$0xb]  }
0x1c6: {  	s1 =	sor.u32 $0x1C09, s1;
	s17 =	rddreg [dreg:$0x10];
	s26 =	sshrl.u32 s28, $0x3  }
0x1c7: {  	[hbm:s17], [sflag:s1] =	dma.local [spmem:s26], $0x50  }
0x1c8: {  	_ =	swait.ge [sflag:s11], $0x50  }
0x1c9: {  	[sflag:s11] =	ssyncset.done $0x0;
	s26 =	rddreg [dreg:$0x6]  }
0x1ca: {  	s17 =	rddreg [dreg:$0x11];
	[sflag:s11] =	ssyncadd.s32 $0xFFFFFFB0;
	s16 =	sshrl.u32 @p0 s26, $0x3  }
0x1cb: {  	[hbm:s17], [sflag:s1] =	dma.local @p0 [spmem:s16], $0x1900  }
0x1cc: {  	s16 =	simm.s32 @p0 $0x9  }
0x1cd: {  	_ =	swait.ge @p0 [sflag:s16], $0x1900  }
0x1ce: {  	[sflag:s16] =	ssyncset.done @p0 $0x0  }
0x1cf: {  	s17 =	rddreg [dreg:$0xf];
	[sflag:s16] =	ssyncadd.s32 @p0 $0xFFFFE700;
	s16 =	sshrl.u32 @!p0 s26, $0x3  }
0x1d0: {  	[hbm:s17], [sflag:s1] =	dma.local @!p0 [spmem:s16], $0x2800  }
0x1d1: {  	s1 =	simm.s32 @!p0 $0x9  }
0x1d2: {  	_ =	swait.ge @!p0 [sflag:s1], $0x2800  }
0x1d3: {  	s18 =	rddreg [dreg:$0x5]  }
0x1d4: {  	s29 =	rddreg [dreg:$0x12];
	s18 =	sadd.s32 $0x1, s18  }
0x1d5: {  	p1 =	sne.s32 s18, s29  }
.Ltmp5:
0x1d6: {  	_ = 	snop;
	(pc) =	sbr.rel @p1 .LBB2_1-.Ltmp5, $3  }
0x1d7: {  	_ =	sdelay $0x1  }
0x1d8: {  	[sflag:s1] =	ssyncset.done @!p0 $0x0  }
0x1d9: {  	[sflag:s1] =	ssyncadd.s32 @!p0 $0xFFFFD800  }
0x1da: {  	_ =	sfence.sel $0x180000  }
0x1db: {  	[bflag:$0x0] =	sbarrier.arrive $0xFFFF  }
0x1dc: {  	_ =	strace $0x90000047  }
0x1dd: {  	s0 =	stileid.u32;
	[bflag:$0x2] =	sbarrier.arrive $0xFFFF  }
0x1de: {  	p0 =	sne.s32 s0, $0x0;
	s0 =	rddreg [dreg:$0x4]  }
0x1df: {  	s0 =	sadd.s32 @!p0 $0x100000, s0  }
0x1e0: {  	[sflag:s0] =	ssyncadd.tile.s32 @!p0 $0x1;
	_ =	shalt  }
.Lfunc_end2:
_tile_overlayer_lowered:
.L_overlay_start_2:
0x1e1: {  	(tag) =	ssettag $0x2  }
0x1e2: {  	s0 =	rddreg [dreg:$0x0];
	s2 =	stileid.u32  }
0x1e3: {  	s1 =	rddreg [dreg:$0x1];
	p0 =	sne.s32 s2, $0x0  }
0x1e4: {  	s3 =	rddreg [dreg:$0x2];
	[bflag:$0x3] =	sbarrier.arrive $0xFFFF;
	s2 =	simm.s32 @!p0 $0x1C09  }
0x1e5: {  	[timem:s3], [sflag:s2] =	dma.local @!p0 [hbm:s0], s1  }
0x1e6: {  	s0 =	simm.s32 @!p0 $0x9  }
0x1e7: {  	_ =	swait.ge @!p0 [sflag:s0], s1  }
0x1e8: {  	s1 =	ssub.s32 @!p0 $0x0, s1;
	[sflag:s0] =	ssyncset.done @!p0 $0x0  }
0x1e9: {  	[sflag:s0] =	ssyncadd.s32 @!p0 s1  }
0x1ea: {  	[bflag:$0x3] =	sbarrier.arrive $0xFFFF  }
0x1eb: {  	_ =	shalt  }

</sc_bundles>
